<compile_context>
chip_gen: v7x
topology: tpu7x:2x2x1
jax: 0.10.2.dev20260603
libtpu: 0.0.44.dev20260713+nightly
codegen_flags: <defaults>
</compile_context>

<pallas_src>
import jax
import jax.numpy as jnp
from jax import lax
from jax.experimental import pallas as pl
from jax.experimental.pallas import tpu as pltpu
from jax.experimental.pallas import tpu_sc as plsc
from jax._src.pallas.mpmd import _mpmd_map

NC, NS, L = 2, 16, 16
NW = NC * NS


def _wid():
    return lax.axis_index("s") * NC + lax.axis_index("c")


def _sc_mesh():
    return plsc.VectorSubcoreMesh(core_axis_name="c", subcore_axis_name="s")


def _row_dma_loop(idx_v, n, issue):
    lanes = lax.iota(jnp.int32, L)

    def group(g, c):
        vec = idx_v[pl.ds(g * L, L)]
        for r in range(L):
            issue(g * L + r, jnp.sum(jnp.where(lanes == r, vec, 0)))
        return c

    lax.fori_loop(0, n // L, group, 0)


def _make_sc_gather(M, D, B):
    bpw = B // NW

    def body(ids_hbm, mem_hbm, out_hbm, idx_v, rows_v, sem):
        base = _wid() * bpw
        pltpu.sync_copy(ids_hbm.at[pl.ds(base, bpw)], idx_v)

        _row_dma_loop(idx_v, bpw, lambda k, row: pltpu.async_copy(
            mem_hbm.at[pl.ds(row, 1)], rows_v.at[pl.ds(k, 1)], sem))
        pltpu.make_async_copy(mem_hbm.at[pl.ds(0, bpw)], rows_v, sem).wait()
        pltpu.sync_copy(rows_v, out_hbm.at[pl.ds(base, bpw)])

    return pl.kernel(
        body,
        out_type=jax.ShapeDtypeStruct((B, D), jnp.float32),
        mesh=_sc_mesh(),
        scratch_types=[
            pltpu.VMEM((bpw,), jnp.int32),
            pltpu.VMEM((bpw, D), jnp.float32),
            pltpu.SemaphoreType.DMA,
        ],
        compiler_params=pltpu.CompilerParams(needs_layout_passes=False),
    )


def _make_tc_gru(M, D, B, MSG, nb):
    bm = B // nb

    def body(ids_ref, msgt_ref, h_ref,
             wr_ih, wz_ih, wn_ih, wr_hh, wz_hh, wn_hh,
             br_ref, bz_ref, bin_ref, bhn_ref,
             hnew_ref, jw_ref):
        s = pl.program_id(0)
        msgt = msgt_ref[...].astype(jnp.bfloat16)
        h = h_ref[...]
        hb = h.astype(jnp.bfloat16)

        def mmt(wref):
            return lax.dot_general(
                msgt, wref[...],
                dimension_numbers=(((0,), (1,)), ((), ())),
                preferred_element_type=jnp.float32,
            )

        def mmh(wref):
            return lax.dot_general(
                hb, wref[...],
                dimension_numbers=(((1,), (1,)), ((), ())),
                preferred_element_type=jnp.float32,
            )

        r = jax.nn.sigmoid(mmt(wr_ih) + mmh(wr_hh) + br_ref[...])
        z = jax.nn.sigmoid(mmt(wz_ih) + mmh(wz_hh) + bz_ref[...])
        n = jnp.tanh(mmt(wn_ih) + bin_ref[...]
                     + r * (mmh(wn_hh) + bhn_ref[...]))
        hnew_ref[...] = (1.0 - z) * n + z * h

        ids_all = ids_ref[...]
        idblk = ids_ref[pl.ds(s * bm, bm)]
        eq = idblk[:, None] == ids_all[None, :]
        jall = lax.broadcasted_iota(jnp.int32, (bm, B), 1).astype(jnp.float32)
        jwf = jnp.max(jnp.where(eq, jall, -1.0), axis=1)
        jw_ref[...] = jwf.astype(jnp.int32)

    return pl.pallas_call(
        body,
        grid=(nb,),
        in_specs=[
            pl.BlockSpec((B,), lambda s: (0,)),
            pl.BlockSpec((MSG, bm), lambda s: (0, s)),
            pl.BlockSpec((bm, D), lambda s: (s, 0)),
            pl.BlockSpec((D, MSG), lambda s: (0, 0)),
            pl.BlockSpec((D, MSG), lambda s: (0, 0)),
            pl.BlockSpec((D, MSG), lambda s: (0, 0)),
            pl.BlockSpec((D, D), lambda s: (0, 0)),
            pl.BlockSpec((D, D), lambda s: (0, 0)),
            pl.BlockSpec((D, D), lambda s: (0, 0)),
            pl.BlockSpec((1, D), lambda s: (0, 0)),
            pl.BlockSpec((1, D), lambda s: (0, 0)),
            pl.BlockSpec((1, D), lambda s: (0, 0)),
            pl.BlockSpec((1, D), lambda s: (0, 0)),
        ],
        out_specs=[
            pl.BlockSpec((bm, D), lambda s: (s, 0)),
            pl.BlockSpec((bm,), lambda s: (s,)),
        ],
        out_shape=[
            jax.ShapeDtypeStruct((B, D), jnp.float32),
            jax.ShapeDtypeStruct((B,), jnp.int32),
        ],
        compiler_params=pltpu.CompilerParams(
            dimension_semantics=("arbitrary",),
            vmem_limit_bytes=100 * 1024 * 1024,
        ),
    )


def _make_sc_scatter(M, D, B):
    bpw = B // NW

    def body(base_ref, hnew_hbm, jw_hbm, ids_hbm, out_hbm,
             idx_v, jw_v, rows_v, sem):
        del base_ref
        base = _wid() * bpw
        pltpu.sync_copy(ids_hbm.at[pl.ds(base, bpw)], idx_v)
        pltpu.sync_copy(jw_hbm.at[pl.ds(base, bpw)], jw_v)

        _row_dma_loop(jw_v, bpw, lambda k, row: pltpu.async_copy(
            hnew_hbm.at[pl.ds(row, 1)], rows_v.at[pl.ds(k, 1)], sem))
        pltpu.make_async_copy(hnew_hbm.at[pl.ds(0, bpw)], rows_v, sem).wait()

        _row_dma_loop(idx_v, bpw, lambda k, row: pltpu.async_copy(
            rows_v.at[pl.ds(k, 1)], out_hbm.at[pl.ds(row, 1)], sem))
        pltpu.make_async_copy(rows_v, out_hbm.at[pl.ds(0, bpw)], sem).wait()

    kern = _mpmd_map(
        [(_sc_mesh(), body)],
        jax.ShapeDtypeStruct((M, D), jnp.float32),
        input_output_aliases={0: 0},
        compiler_params=pltpu.CompilerParams(needs_layout_passes=False),
        scratch_types=[
            pltpu.VMEM((bpw,), jnp.int32),
            pltpu.VMEM((bpw,), jnp.int32),
            pltpu.VMEM((bpw, D), jnp.float32),
            pltpu.SemaphoreType.DMA,
        ],
    )
    return kern


def _make_sc_last(M, B):
    seg = ((M // NW) + 7) // 8 * 8
    last_seg = M - seg * (NW - 1)
    assert last_seg > 0 and last_seg % 8 == 0
    iters = B // L

    def body(last_hbm, ids_hbm, jw_hbm, time_hbm, out_hbm,
             seg_v, ids_v, jw_v, time_v):
        w = _wid()
        lo = w * seg
        size = jnp.where(w == NW - 1, last_seg, seg)

        @pl.when(w < NW - 1)
        def _():
            pltpu.sync_copy(last_hbm.at[pl.ds(lo, seg)], seg_v)

        @pl.when(w == NW - 1)
        def _():
            pltpu.sync_copy(last_hbm.at[pl.ds((NW - 1) * seg, last_seg)],
                            seg_v.at[pl.ds(0, last_seg)])

        pltpu.sync_copy(ids_hbm, ids_v)
        pltpu.sync_copy(jw_hbm, jw_v)
        pltpu.sync_copy(time_hbm, time_v)

        def step(k, carry):
            idv = ids_v[pl.ds(k * L, L)]
            jwv = jw_v[pl.ds(k * L, L)]
            tv = plsc.load_gather(time_v, [jwv])
            m = (idv >= lo) & (idv < lo + size)
            plsc.store_scatter(seg_v, [idv - lo], tv, mask=m)
            return carry

        lax.fori_loop(0, iters, step, 0)

        @pl.when(w < NW - 1)
        def _():
            pltpu.sync_copy(seg_v, out_hbm.at[pl.ds(lo, seg)])

        @pl.when(w == NW - 1)
        def _():
            pltpu.sync_copy(seg_v.at[pl.ds(0, last_seg)],
                            out_hbm.at[pl.ds((NW - 1) * seg, last_seg)])

    return pl.kernel(
        body,
        out_type=jax.ShapeDtypeStruct((M,), jnp.float32),
        mesh=_sc_mesh(),
        scratch_types=[
            pltpu.VMEM((seg,), jnp.float32),
            pltpu.VMEM((B,), jnp.int32),
            pltpu.VMEM((B,), jnp.int32),
            pltpu.VMEM((B,), jnp.float32),
        ],
        compiler_params=pltpu.CompilerParams(needs_layout_passes=False),
    )


def kernel(memory, last_update, unique_msg, time, W_ih, W_hh, b_ih, b_hh,
           unique_node_ids):
    M, D = memory.shape
    B, MSG = unique_msg.shape
    nb = 16

    br = (b_ih[0:D] + b_hh[0:D]).reshape(1, D)
    bz = (b_ih[D:2 * D] + b_hh[D:2 * D]).reshape(1, D)
    bin_ = b_ih[2 * D:3 * D].reshape(1, D)
    bhn = b_hh[2 * D:3 * D].reshape(1, D)

    h = _make_sc_gather(M, D, B)(unique_node_ids, memory)

    bf = jnp.bfloat16
    h_new, jw = _make_tc_gru(M, D, B, MSG, nb)(
        unique_node_ids, unique_msg.T, h,
        W_ih[0:D].astype(bf), W_ih[D:2 * D].astype(bf),
        W_ih[2 * D:3 * D].astype(bf),
        W_hh[0:D].astype(bf), W_hh[D:2 * D].astype(bf),
        W_hh[2 * D:3 * D].astype(bf),
        br, bz, bin_, bhn,
    )

    updated_memory = _make_sc_scatter(M, D, B)(
        memory, h_new, jw, unique_node_ids)

    updated_last = _make_sc_last(M, B)(
        last_update, unique_node_ids, jw, time)

    return (updated_memory, updated_last)

# --- scband reference (transcript-rebuilt; emitter-appended) ---
"""Pipeline reference for scband-tgn-41738492182812 (READ-ONLY COPY).

The authoritative reference and input builder live on the scoring server;
editing this copy changes nothing except your own understanding.
"""

import jax, jax.numpy as jnp
import numpy as np

M, D, B = 100000, 500, 4096
EDGE_DIM, TIME_DIM = 172, 100
MSG = 2 * D + EDGE_DIM + TIME_DIM  # 1272


def setup_inputs(seed: int = 0) -> dict:
    key = jax.random.key(seed)
    ks = jax.random.split(key, 8)
    memory = jax.random.normal(ks[0], (M, D), dtype=jnp.float32)
    last_update = jnp.zeros((M,), dtype=jnp.float32)
    unique_node_ids = jax.random.randint(ks[1], (B,), 0, M, dtype=jnp.int32)
    unique_msg = jax.random.normal(ks[2], (B, MSG), dtype=jnp.float32)
    time = jax.random.uniform(ks[3], (B,), dtype=jnp.float32)
    s = float(1.0 / np.sqrt(D))
    W_ih = jax.random.uniform(ks[4], (3 * D, MSG), minval=-s, maxval=s, dtype=jnp.float32)
    W_hh = jax.random.uniform(ks[5], (3 * D, D), minval=-s, maxval=s, dtype=jnp.float32)
    b_ih = jax.random.uniform(ks[6], (3 * D,), minval=-s, maxval=s, dtype=jnp.float32)
    b_hh = jax.random.uniform(ks[7], (3 * D,), minval=-s, maxval=s, dtype=jnp.float32)
    return {
        "memory": memory,
        "last_update": last_update,
        "unique_msg": unique_msg,
        "time": time,
        "W_ih": W_ih,
        "W_hh": W_hh,
        "b_ih": b_ih,
        "b_hh": b_hh,
        "unique_node_ids": unique_node_ids,
    }


def _gru_cell(x, h, W_ih, W_hh, b_ih, b_hh):
    # Faithful torch.nn.GRUCell math
    gi = x @ W_ih.T + b_ih
    gh = h @ W_hh.T + b_hh
    i_r, i_z, i_n = jnp.split(gi, 3, axis=1)
    h_r, h_z, h_n = jnp.split(gh, 3, axis=1)
    r = jax.nn.sigmoid(i_r + h_r)
    z = jax.nn.sigmoid(i_z + h_z)
    n = jnp.tanh(i_n + r * h_n)
    return (1.0 - z) * n + z * h


def reference(memory, last_update, unique_msg, time, W_ih, W_hh, b_ih, b_hh, unique_node_ids):
    # GRUMemoryUpdater.get_updated_memory:
    #   gather memory rows at unique_node_ids, run GRUCell(msg, rows),
    #   scatter-overwrite updated rows and last_update times.
    h = jnp.take(memory, unique_node_ids, axis=0)
    h_new = _gru_cell(unique_msg, h, W_ih, W_hh, b_ih, b_hh)
    updated_memory = memory.at[unique_node_ids].set(h_new)
    updated_last_update = last_update.at[unique_node_ids].set(time)
    return (updated_memory, updated_last_update)

if __name__ == "__main__":
    import jax
    _d = setup_inputs()
    print(jax.jit(kernel)(*tuple(_d.values())))

</pallas_src>

<mosaic_0001>
#map = affine_map<(d0, d1) -> (0, 0)>
#map1 = affine_map<(d0, d1) -> (0)>
module attributes {stable_mosaic.version = 14 : i64} {
  func.func @body(%arg0: i32, %arg1: i32, %arg2: memref<100000x500xf32, #tpu.memory_space<hbm>>, %arg3: memref<4096x500xf32, #tpu.memory_space<hbm>>, %arg4: memref<4096xi32, #tpu.memory_space<hbm>>, %arg5: memref<4096xi32, #tpu.memory_space<hbm>>, %arg6: memref<100000x500xf32, #tpu.memory_space<hbm>>, %arg7: memref<128xi32, #tpu.memory_space<vmem>>, %arg8: memref<128xi32, #tpu.memory_space<vmem>>, %arg9: memref<128x500xf32, #tpu.memory_space<vmem>>, %arg10: memref<!tpu.dma_semaphore, #tpu.memory_space<semaphore_mem>>) attributes {dimension_semantics = [#tpu.dimension_semantics<core_parallel>, #tpu.dimension_semantics<subcore_parallel>], iteration_bounds = array<i64: 2, 16>, scalar_prefetch = 0 : i64, scratch_operands = 4 : i64, tpu.core_type = #tpu.core_type<sc_vector_subcore>, window_params = [{transform_indices = #map}, {transform_indices = #map}, {transform_indices = #map1}, {transform_indices = #map1}, {transform_indices = #map}]} {
    %mul3A = arith.constant 2 : i32
    %mul3A_0 = arith.muli %arg1, %mul3A : i32
    %add3A = arith.addi %mul3A_0, %arg0 : i32
    %mul3A_1 = arith.constant 128 : i32
    %mul3A_2 = arith.muli %add3A, %mul3A_1 : i32
    "tpu.region"() ({
      %run_scoped3A = tpu.sem_alloc : memref<!tpu.dma_semaphore, #tpu.memory_space<semaphore_mem>>
      %dma_start3A = tpu.memref_slice %arg5[%mul3A_2] : memref<4096xi32, #tpu.memory_space<hbm>> -> memref<128xi32, #tpu.memory_space<hbm>>
      %dma_start3A_26 = tpu.memref_slice %arg5[%mul3A_2] : memref<4096xi32, #tpu.memory_space<hbm>> -> memref<128xi32, #tpu.memory_space<hbm>>
      tpu.enqueue_dma source(%dma_start3A_26 : memref<128xi32, #tpu.memory_space<hbm>>) target(%arg7 : memref<128xi32, #tpu.memory_space<vmem>>) target_semaphore(%run_scoped3A : memref<!tpu.dma_semaphore, #tpu.memory_space<semaphore_mem>>)
      %dma_wait3A_27 = tpu.memref_slice %arg5[%mul3A_2] : memref<4096xi32, #tpu.memory_space<hbm>> -> memref<128xi32, #tpu.memory_space<hbm>>
      %dma_wait3A_28 = tpu.memref_slice %arg5[%mul3A_2] : memref<4096xi32, #tpu.memory_space<hbm>> -> memref<128xi32, #tpu.memory_space<hbm>>
      tpu.wait_dma2 semaphore(%run_scoped3A : memref<!tpu.dma_semaphore, #tpu.memory_space<semaphore_mem>>) src(%dma_wait3A_28 : memref<128xi32, #tpu.memory_space<hbm>>) dst(%arg7 : memref<128xi32, #tpu.memory_space<vmem>>)
      tpu.yield
    }) : () -> ()
    "tpu.region"() ({
      %run_scoped3A = tpu.sem_alloc : memref<!tpu.dma_semaphore, #tpu.memory_space<semaphore_mem>>
      %dma_start3A = tpu.memref_slice %arg4[%mul3A_2] : memref<4096xi32, #tpu.memory_space<hbm>> -> memref<128xi32, #tpu.memory_space<hbm>>
      %dma_start3A_26 = tpu.memref_slice %arg4[%mul3A_2] : memref<4096xi32, #tpu.memory_space<hbm>> -> memref<128xi32, #tpu.memory_space<hbm>>
      tpu.enqueue_dma source(%dma_start3A_26 : memref<128xi32, #tpu.memory_space<hbm>>) target(%arg8 : memref<128xi32, #tpu.memory_space<vmem>>) target_semaphore(%run_scoped3A : memref<!tpu.dma_semaphore, #tpu.memory_space<semaphore_mem>>)
      %dma_wait3A_27 = tpu.memref_slice %arg4[%mul3A_2] : memref<4096xi32, #tpu.memory_space<hbm>> -> memref<128xi32, #tpu.memory_space<hbm>>
      %dma_wait3A_28 = tpu.memref_slice %arg4[%mul3A_2] : memref<4096xi32, #tpu.memory_space<hbm>> -> memref<128xi32, #tpu.memory_space<hbm>>
      tpu.wait_dma2 semaphore(%run_scoped3A : memref<!tpu.dma_semaphore, #tpu.memory_space<semaphore_mem>>) src(%dma_wait3A_28 : memref<128xi32, #tpu.memory_space<hbm>>) dst(%arg8 : memref<128xi32, #tpu.memory_space<vmem>>)
      tpu.yield
    }) : () -> ()
    %iota3A = tpu.iota {dimensions = array<i32: 0>} : vector<16xi32>
    %scan3A = arith.constant 0 : i32
    %scan3A_3 = arith.constant 0 : i32
    %scan3A_4 = arith.constant 8 : i32
    %scan3A_5 = arith.addi %scan3A_3, %scan3A_4 : i32
    %scan3A_6 = arith.constant 1 : i32
    scf.for %scan3A_26 = %scan3A_3 to %scan3A_5 step %scan3A_6  : i32 {
      %mul3A_27 = arith.constant 16 : i32
      %mul3A_28 = arith.muli %scan3A_26, %mul3A_27 : i32
      %get3A = arith.index_cast %mul3A_28 : i32 to index
      %get3A_29 = tpu.vector_load %arg8[%get3A] {strides = array<i32>} : memref<128xi32, #tpu.memory_space<vmem>>, vector<16xi32>,
      %mul3A_30 = arith.constant 16 : i32
      %mul3A_31 = arith.muli %scan3A_26, %mul3A_30 : i32
      %add3A_32 = arith.constant 0 : i32
      %add3A_33 = arith.addi %mul3A_31, %add3A_32 : i32
      %eq3A = arith.constant 0 : i32
      %eq3A_34 = vector.broadcast %eq3A : i32 to vector<16xi32>
      %eq3A_35 = arith.cmpi eq, %iota3A, %eq3A_34 : vector<16xi32>
      %jit3A = arith.constant 0 : i32
      %broadcast_in_dim3A = vector.broadcast %jit3A : i32 to vector<16xi32>
      %select_n3A = arith.select %eq3A_35, %get3A_29, %broadcast_in_dim3A : vector<16xi1>, vector<16xi32>
      %reduce_sum3A = arith.constant true
      %reduce_sum3A_36 = vector.broadcast %reduce_sum3A : i1 to vector<16xi1>
      %reduce_sum3A_37 = tpu.scan <sum>, %select_n3A masked %reduce_sum3A_36 : vector<16xi32>, vector<16xi1> -> vector<16xi32>
      %reduce_sum3A_38 = vector.extract %reduce_sum3A_37[15] : i32 from vector<16xi32>
      %dma_start3A = arith.constant 0 : i32
      %dma_start3A_39 = tpu.memref_slice %arg9[%add3A_33, %dma_start3A] : memref<128x500xf32, #tpu.memory_space<vmem>> -> memref<1x500xf32, #tpu.memory_space<vmem>>
      %dma_start3A_40 = arith.constant 0 : i32
      %dma_start3A_41 = tpu.memref_slice %arg3[%reduce_sum3A_38, %dma_start3A_40] : memref<4096x500xf32, #tpu.memory_space<hbm>> -> memref<1x500xf32, #tpu.memory_space<hbm>>
      %dma_start3A_42 = arith.constant 0 : i32
      %dma_start3A_43 = tpu.memref_slice %arg9[%add3A_33, %dma_start3A_42] : memref<128x500xf32, #tpu.memory_space<vmem>> -> memref<1x500xf32, #tpu.memory_space<vmem>>
      %dma_start3A_44 = arith.constant 0 : i32
      %dma_start3A_45 = tpu.memref_slice %arg3[%reduce_sum3A_38, %dma_start3A_44] : memref<4096x500xf32, #tpu.memory_space<hbm>> -> memref<1x500xf32, #tpu.memory_space<hbm>>
      tpu.enqueue_dma source(%dma_start3A_45 : memref<1x500xf32, #tpu.memory_space<hbm>>) target(%dma_start3A_43 : memref<1x500xf32, #tpu.memory_space<vmem>>) target_semaphore(%arg10 : memref<!tpu.dma_semaphore, #tpu.memory_space<semaphore_mem>>)
      %mul3A_46 = arith.constant 16 : i32
      %mul3A_47 = arith.muli %scan3A_26, %mul3A_46 : i32
      %add3A_48 = arith.constant 1 : i32
      %add3A_49 = arith.addi %mul3A_47, %add3A_48 : i32
      %eq3A_50 = arith.constant 1 : i32
      %eq3A_51 = vector.broadcast %eq3A_50 : i32 to vector<16xi32>
      %eq3A_52 = arith.cmpi eq, %iota3A, %eq3A_51 : vector<16xi32>
      %jit3A_53 = arith.constant 0 : i32
      %broadcast_in_dim3A_54 = vector.broadcast %jit3A_53 : i32 to vector<16xi32>
      %select_n3A_55 = arith.select %eq3A_52, %get3A_29, %broadcast_in_dim3A_54 : vector<16xi1>, vector<16xi32>
      %reduce_sum3A_56 = arith.constant true
      %reduce_sum3A_57 = vector.broadcast %reduce_sum3A_56 : i1 to vector<16xi1>
      %reduce_sum3A_58 = tpu.scan <sum>, %select_n3A_55 masked %reduce_sum3A_57 : vector<16xi32>, vector<16xi1> -> vector<16xi32>
      %reduce_sum3A_59 = vector.extract %reduce_sum3A_58[15] : i32 from vector<16xi32>
      %dma_start3A_60 = arith.constant 0 : i32
      %dma_start3A_61 = tpu.memref_slice %arg9[%add3A_49, %dma_start3A_60] : memref<128x500xf32, #tpu.memory_space<vmem>> -> memref<1x500xf32, #tpu.memory_space<vmem>>
      %dma_start3A_62 = arith.constant 0 : i32
      %dma_start3A_63 = tpu.memref_slice %arg3[%reduce_sum3A_59, %dma_start3A_62] : memref<4096x500xf32, #tpu.memory_space<hbm>> -> memref<1x500xf32, #tpu.memory_space<hbm>>
      %dma_start3A_64 = arith.constant 0 : i32
      %dma_start3A_65 = tpu.memref_slice %arg9[%add3A_49, %dma_start3A_64] : memref<128x500xf32, #tpu.memory_space<vmem>> -> memref<1x500xf32, #tpu.memory_space<vmem>>
      %dma_start3A_66 = arith.constant 0 : i32
      %dma_start3A_67 = tpu.memref_slice %arg3[%reduce_sum3A_59, %dma_start3A_66] : memref<4096x500xf32, #tpu.memory_space<hbm>> -> memref<1x500xf32, #tpu.memory_space<hbm>>
      tpu.enqueue_dma source(%dma_start3A_67 : memref<1x500xf32, #tpu.memory_space<hbm>>) target(%dma_start3A_65 : memref<1x500xf32, #tpu.memory_space<vmem>>) target_semaphore(%arg10 : memref<!tpu.dma_semaphore, #tpu.memory_space<semaphore_mem>>)
      %mul3A_68 = arith.constant 16 : i32
      %mul3A_69 = arith.muli %scan3A_26, %mul3A_68 : i32
      %add3A_70 = arith.constant 2 : i32
      %add3A_71 = arith.addi %mul3A_69, %add3A_70 : i32
      %eq3A_72 = arith.constant 2 : i32
      %eq3A_73 = vector.broadcast %eq3A_72 : i32 to vector<16xi32>
      %eq3A_74 = arith.cmpi eq, %iota3A, %eq3A_73 : vector<16xi32>
      %jit3A_75 = arith.constant 0 : i32
      %broadcast_in_dim3A_76 = vector.broadcast %jit3A_75 : i32 to vector<16xi32>
      %select_n3A_77 = arith.select %eq3A_74, %get3A_29, %broadcast_in_dim3A_76 : vector<16xi1>, vector<16xi32>
      %reduce_sum3A_78 = arith.constant true
      %reduce_sum3A_79 = vector.broadcast %reduce_sum3A_78 : i1 to vector<16xi1>
      %reduce_sum3A_80 = tpu.scan <sum>, %select_n3A_77 masked %reduce_sum3A_79 : vector<16xi32>, vector<16xi1> -> vector<16xi32>
      %reduce_sum3A_81 = vector.extract %reduce_sum3A_80[15] : i32 from vector<16xi32>
      %dma_start3A_82 = arith.constant 0 : i32
      %dma_start3A_83 = tpu.memref_slice %arg9[%add3A_71, %dma_start3A_82] : memref<128x500xf32, #tpu.memory_space<vmem>> -> memref<1x500xf32, #tpu.memory_space<vmem>>
      %dma_start3A_84 = arith.constant 0 : i32
      %dma_start3A_85 = tpu.memref_slice %arg3[%reduce_sum3A_81, %dma_start3A_84] : memref<4096x500xf32, #tpu.memory_space<hbm>> -> memref<1x500xf32, #tpu.memory_space<hbm>>
      %dma_start3A_86 = arith.constant 0 : i32
      %dma_start3A_87 = tpu.memref_slice %arg9[%add3A_71, %dma_start3A_86] : memref<128x500xf32, #tpu.memory_space<vmem>> -> memref<1x500xf32, #tpu.memory_space<vmem>>
      %dma_start3A_88 = arith.constant 0 : i32
      %dma_start3A_89 = tpu.memref_slice %arg3[%reduce_sum3A_81, %dma_start3A_88] : memref<4096x500xf32, #tpu.memory_space<hbm>> -> memref<1x500xf32, #tpu.memory_space<hbm>>
      tpu.enqueue_dma source(%dma_start3A_89 : memref<1x500xf32, #tpu.memory_space<hbm>>) target(%dma_start3A_87 : memref<1x500xf32, #tpu.memory_space<vmem>>) target_semaphore(%arg10 : memref<!tpu.dma_semaphore, #tpu.memory_space<semaphore_mem>>)
      %mul3A_90 = arith.constant 16 : i32
      %mul3A_91 = arith.muli %scan3A_26, %mul3A_90 : i32
      %add3A_92 = arith.constant 3 : i32
      %add3A_93 = arith.addi %mul3A_91, %add3A_92 : i32
      %eq3A_94 = arith.constant 3 : i32
      %eq3A_95 = vector.broadcast %eq3A_94 : i32 to vector<16xi32>
      %eq3A_96 = arith.cmpi eq, %iota3A, %eq3A_95 : vector<16xi32>
      %jit3A_97 = arith.constant 0 : i32
      %broadcast_in_dim3A_98 = vector.broadcast %jit3A_97 : i32 to vector<16xi32>
      %select_n3A_99 = arith.select %eq3A_96, %get3A_29, %broadcast_in_dim3A_98 : vector<16xi1>, vector<16xi32>
      %reduce_sum3A_100 = arith.constant true
      %reduce_sum3A_101 = vector.broadcast %reduce_sum3A_100 : i1 to vector<16xi1>
      %reduce_sum3A_102 = tpu.scan <sum>, %select_n3A_99 masked %reduce_sum3A_101 : vector<16xi32>, vector<16xi1> -> vector<16xi32>
      %reduce_sum3A_103 = vector.extract %reduce_sum3A_102[15] : i32 from vector<16xi32>
      %dma_start3A_104 = arith.constant 0 : i32
      %dma_start3A_105 = tpu.memref_slice %arg9[%add3A_93, %dma_start3A_104] : memref<128x500xf32, #tpu.memory_space<vmem>> -> memref<1x500xf32, #tpu.memory_space<vmem>>
      %dma_start3A_106 = arith.constant 0 : i32
      %dma_start3A_107 = tpu.memref_slice %arg3[%reduce_sum3A_103, %dma_start3A_106] : memref<4096x500xf32, #tpu.memory_space<hbm>> -> memref<1x500xf32, #tpu.memory_space<hbm>>
      %dma_start3A_108 = arith.constant 0 : i32
      %dma_start3A_109 = tpu.memref_slice %arg9[%add3A_93, %dma_start3A_108] : memref<128x500xf32, #tpu.memory_space<vmem>> -> memref<1x500xf32, #tpu.memory_space<vmem>>
      %dma_start3A_110 = arith.constant 0 : i32
      %dma_start3A_111 = tpu.memref_slice %arg3[%reduce_sum3A_103, %dma_start3A_110] : memref<4096x500xf32, #tpu.memory_space<hbm>> -> memref<1x500xf32, #tpu.memory_space<hbm>>
      tpu.enqueue_dma source(%dma_start3A_111 : memref<1x500xf32, #tpu.memory_space<hbm>>) target(%dma_start3A_109 : memref<1x500xf32, #tpu.memory_space<vmem>>) target_semaphore(%arg10 : memref<!tpu.dma_semaphore, #tpu.memory_space<semaphore_mem>>)
      %mul3A_112 = arith.constant 16 : i32
      %mul3A_113 = arith.muli %scan3A_26, %mul3A_112 : i32
      %add3A_114 = arith.constant 4 : i32
      %add3A_115 = arith.addi %mul3A_113, %add3A_114 : i32
      %eq3A_116 = arith.constant 4 : i32
      %eq3A_117 = vector.broadcast %eq3A_116 : i32 to vector<16xi32>
      %eq3A_118 = arith.cmpi eq, %iota3A, %eq3A_117 : vector<16xi32>
      %jit3A_119 = arith.constant 0 : i32
      %broadcast_in_dim3A_120 = vector.broadcast %jit3A_119 : i32 to vector<16xi32>
      %select_n3A_121 = arith.select %eq3A_118, %get3A_29, %broadcast_in_dim3A_120 : vector<16xi1>, vector<16xi32>
      %reduce_sum3A_122 = arith.constant true
      %reduce_sum3A_123 = vector.broadcast %reduce_sum3A_122 : i1 to vector<16xi1>
      %reduce_sum3A_124 = tpu.scan <sum>, %select_n3A_121 masked %reduce_sum3A_123 : vector<16xi32>, vector<16xi1> -> vector<16xi32>
      %reduce_sum3A_125 = vector.extract %reduce_sum3A_124[15] : i32 from vector<16xi32>
      %dma_start3A_126 = arith.constant 0 : i32
      %dma_start3A_127 = tpu.memref_slice %arg9[%add3A_115, %dma_start3A_126] : memref<128x500xf32, #tpu.memory_space<vmem>> -> memref<1x500xf32, #tpu.memory_space<vmem>>
      %dma_start3A_128 = arith.constant 0 : i32
      %dma_start3A_129 = tpu.memref_slice %arg3[%reduce_sum3A_125, %dma_start3A_128] : memref<4096x500xf32, #tpu.memory_space<hbm>> -> memref<1x500xf32, #tpu.memory_space<hbm>>
      %dma_start3A_130 = arith.constant 0 : i32
      %dma_start3A_131 = tpu.memref_slice %arg9[%add3A_115, %dma_start3A_130] : memref<128x500xf32, #tpu.memory_space<vmem>> -> memref<1x500xf32, #tpu.memory_space<vmem>>
      %dma_start3A_132 = arith.constant 0 : i32
      %dma_start3A_133 = tpu.memref_slice %arg3[%reduce_sum3A_125, %dma_start3A_132] : memref<4096x500xf32, #tpu.memory_space<hbm>> -> memref<1x500xf32, #tpu.memory_space<hbm>>
      tpu.enqueue_dma source(%dma_start3A_133 : memref<1x500xf32, #tpu.memory_space<hbm>>) target(%dma_start3A_131 : memref<1x500xf32, #tpu.memory_space<vmem>>) target_semaphore(%arg10 : memref<!tpu.dma_semaphore, #tpu.memory_space<semaphore_mem>>)
      %mul3A_134 = arith.constant 16 : i32
      %mul3A_135 = arith.muli %scan3A_26, %mul3A_134 : i32
      %add3A_136 = arith.constant 5 : i32
      %add3A_137 = arith.addi %mul3A_135, %add3A_136 : i32
      %eq3A_138 = arith.constant 5 : i32
      %eq3A_139 = vector.broadcast %eq3A_138 : i32 to vector<16xi32>
      %eq3A_140 = arith.cmpi eq, %iota3A, %eq3A_139 : vector<16xi32>
      %jit3A_141 = arith.constant 0 : i32
      %broadcast_in_dim3A_142 = vector.broadcast %jit3A_141 : i32 to vector<16xi32>
      %select_n3A_143 = arith.select %eq3A_140, %get3A_29, %broadcast_in_dim3A_142 : vector<16xi1>, vector<16xi32>
      %reduce_sum3A_144 = arith.constant true
      %reduce_sum3A_145 = vector.broadcast %reduce_sum3A_144 : i1 to vector<16xi1>
      %reduce_sum3A_146 = tpu.scan <sum>, %select_n3A_143 masked %reduce_sum3A_145 : vector<16xi32>, vector<16xi1> -> vector<16xi32>
      %reduce_sum3A_147 = vector.extract %reduce_sum3A_146[15] : i32 from vector<16xi32>
      %dma_start3A_148 = arith.constant 0 : i32
      %dma_start3A_149 = tpu.memref_slice %arg9[%add3A_137, %dma_start3A_148] : memref<128x500xf32, #tpu.memory_space<vmem>> -> memref<1x500xf32, #tpu.memory_space<vmem>>
      %dma_start3A_150 = arith.constant 0 : i32
      %dma_start3A_151 = tpu.memref_slice %arg3[%reduce_sum3A_147, %dma_start3A_150] : memref<4096x500xf32, #tpu.memory_space<hbm>> -> memref<1x500xf32, #tpu.memory_space<hbm>>
      %dma_start3A_152 = arith.constant 0 : i32
      %dma_start3A_153 = tpu.memref_slice %arg9[%add3A_137, %dma_start3A_152] : memref<128x500xf32, #tpu.memory_space<vmem>> -> memref<1x500xf32, #tpu.memory_space<vmem>>
      %dma_start3A_154 = arith.constant 0 : i32
      %dma_start3A_155 = tpu.memref_slice %arg3[%reduce_sum3A_147, %dma_start3A_154] : memref<4096x500xf32, #tpu.memory_space<hbm>> -> memref<1x500xf32, #tpu.memory_space<hbm>>
      tpu.enqueue_dma source(%dma_start3A_155 : memref<1x500xf32, #tpu.memory_space<hbm>>) target(%dma_start3A_153 : memref<1x500xf32, #tpu.memory_space<vmem>>) target_semaphore(%arg10 : memref<!tpu.dma_semaphore, #tpu.memory_space<semaphore_mem>>)
      %mul3A_156 = arith.constant 16 : i32
      %mul3A_157 = arith.muli %scan3A_26, %mul3A_156 : i32
      %add3A_158 = arith.constant 6 : i32
      %add3A_159 = arith.addi %mul3A_157, %add3A_158 : i32
      %eq3A_160 = arith.constant 6 : i32
      %eq3A_161 = vector.broadcast %eq3A_160 : i32 to vector<16xi32>
      %eq3A_162 = arith.cmpi eq, %iota3A, %eq3A_161 : vector<16xi32>
      %jit3A_163 = arith.constant 0 : i32
      %broadcast_in_dim3A_164 = vector.broadcast %jit3A_163 : i32 to vector<16xi32>
      %select_n3A_165 = arith.select %eq3A_162, %get3A_29, %broadcast_in_dim3A_164 : vector<16xi1>, vector<16xi32>
      %reduce_sum3A_166 = arith.constant true
      %reduce_sum3A_167 = vector.broadcast %reduce_sum3A_166 : i1 to vector<16xi1>
      %reduce_sum3A_168 = tpu.scan <sum>, %select_n3A_165 masked %reduce_sum3A_167 : vector<16xi32>, vector<16xi1> -> vector<16xi32>
      %reduce_sum3A_169 = vector.extract %reduce_sum3A_168[15] : i32 from vector<16xi32>
      %dma_start3A_170 = arith.constant 0 : i32
      %dma_start3A_171 = tpu.memref_slice %arg9[%add3A_159, %dma_start3A_170] : memref<128x500xf32, #tpu.memory_space<vmem>> -> memref<1x500xf32, #tpu.memory_space<vmem>>
      %dma_start3A_172 = arith.constant 0 : i32
      %dma_start3A_173 = tpu.memref_slice %arg3[%reduce_sum3A_169, %dma_start3A_172] : memref<4096x500xf32, #tpu.memory_space<hbm>> -> memref<1x500xf32, #tpu.memory_space<hbm>>
      %dma_start3A_174 = arith.constant 0 : i32
      %dma_start3A_175 = tpu.memref_slice %arg9[%add3A_159, %dma_start3A_174] : memref<128x500xf32, #tpu.memory_space<vmem>> -> memref<1x500xf32, #tpu.memory_space<vmem>>
      %dma_start3A_176 = arith.constant 0 : i32
      %dma_start3A_177 = tpu.memref_slice %arg3[%reduce_sum3A_169, %dma_start3A_176] : memref<4096x500xf32, #tpu.memory_space<hbm>> -> memref<1x500xf32, #tpu.memory_space<hbm>>
      tpu.enqueue_dma source(%dma_start3A_177 : memref<1x500xf32, #tpu.memory_space<hbm>>) target(%dma_start3A_175 : memref<1x500xf32, #tpu.memory_space<vmem>>) target_semaphore(%arg10 : memref<!tpu.dma_semaphore, #tpu.memory_space<semaphore_mem>>)
      %mul3A_178 = arith.constant 16 : i32
      %mul3A_179 = arith.muli %scan3A_26, %mul3A_178 : i32
      %add3A_180 = arith.constant 7 : i32
      %add3A_181 = arith.addi %mul3A_179, %add3A_180 : i32
      %eq3A_182 = arith.constant 7 : i32
      %eq3A_183 = vector.broadcast %eq3A_182 : i32 to vector<16xi32>
      %eq3A_184 = arith.cmpi eq, %iota3A, %eq3A_183 : vector<16xi32>
      %jit3A_185 = arith.constant 0 : i32
      %broadcast_in_dim3A_186 = vector.broadcast %jit3A_185 : i32 to vector<16xi32>
      %select_n3A_187 = arith.select %eq3A_184, %get3A_29, %broadcast_in_dim3A_186 : vector<16xi1>, vector<16xi32>
      %reduce_sum3A_188 = arith.constant true
      %reduce_sum3A_189 = vector.broadcast %reduce_sum3A_188 : i1 to vector<16xi1>
      %reduce_sum3A_190 = tpu.scan <sum>, %select_n3A_187 masked %reduce_sum3A_189 : vector<16xi32>, vector<16xi1> -> vector<16xi32>
      %reduce_sum3A_191 = vector.extract %reduce_sum3A_190[15] : i32 from vector<16xi32>
      %dma_start3A_192 = arith.constant 0 : i32
      %dma_start3A_193 = tpu.memref_slice %arg9[%add3A_181, %dma_start3A_192] : memref<128x500xf32, #tpu.memory_space<vmem>> -> memref<1x500xf32, #tpu.memory_space<vmem>>
      %dma_start3A_194 = arith.constant 0 : i32
      %dma_start3A_195 = tpu.memref_slice %arg3[%reduce_sum3A_191, %dma_start3A_194] : memref<4096x500xf32, #tpu.memory_space<hbm>> -> memref<1x500xf32, #tpu.memory_space<hbm>>
      %dma_start3A_196 = arith.constant 0 : i32
      %dma_start3A_197 = tpu.memref_slice %arg9[%add3A_181, %dma_start3A_196] : memref<128x500xf32, #tpu.memory_space<vmem>> -> memref<1x500xf32, #tpu.memory_space<vmem>>
      %dma_start3A_198 = arith.constant 0 : i32
      %dma_start3A_199 = tpu.memref_slice %arg3[%reduce_sum3A_191, %dma_start3A_198] : memref<4096x500xf32, #tpu.memory_space<hbm>> -> memref<1x500xf32, #tpu.memory_space<hbm>>
      tpu.enqueue_dma source(%dma_start3A_199 : memref<1x500xf32, #tpu.memory_space<hbm>>) target(%dma_start3A_197 : memref<1x500xf32, #tpu.memory_space<vmem>>) target_semaphore(%arg10 : memref<!tpu.dma_semaphore, #tpu.memory_space<semaphore_mem>>)
      %mul3A_200 = arith.constant 16 : i32
      %mul3A_201 = arith.muli %scan3A_26, %mul3A_200 : i32
      %add3A_202 = arith.constant 8 : i32
      %add3A_203 = arith.addi %mul3A_201, %add3A_202 : i32
      %eq3A_204 = arith.constant 8 : i32
      %eq3A_205 = vector.broadcast %eq3A_204 : i32 to vector<16xi32>
      %eq3A_206 = arith.cmpi eq, %iota3A, %eq3A_205 : vector<16xi32>
      %jit3A_207 = arith.constant 0 : i32
      %broadcast_in_dim3A_208 = vector.broadcast %jit3A_207 : i32 to vector<16xi32>
      %select_n3A_209 = arith.select %eq3A_206, %get3A_29, %broadcast_in_dim3A_208 : vector<16xi1>, vector<16xi32>
      %reduce_sum3A_210 = arith.constant true
      %reduce_sum3A_211 = vector.broadcast %reduce_sum3A_210 : i1 to vector<16xi1>
      %reduce_sum3A_212 = tpu.scan <sum>, %select_n3A_209 masked %reduce_sum3A_211 : vector<16xi32>, vector<16xi1> -> vector<16xi32>
      %reduce_sum3A_213 = vector.extract %reduce_sum3A_212[15] : i32 from vector<16xi32>
      %dma_start3A_214 = arith.constant 0 : i32
      %dma_start3A_215 = tpu.memref_slice %arg9[%add3A_203, %dma_start3A_214] : memref<128x500xf32, #tpu.memory_space<vmem>> -> memref<1x500xf32, #tpu.memory_space<vmem>>
      %dma_start3A_216 = arith.constant 0 : i32
      %dma_start3A_217 = tpu.memref_slice %arg3[%reduce_sum3A_213, %dma_start3A_216] : memref<4096x500xf32, #tpu.memory_space<hbm>> -> memref<1x500xf32, #tpu.memory_space<hbm>>
      %dma_start3A_218 = arith.constant 0 : i32
      %dma_start3A_219 = tpu.memref_slice %arg9[%add3A_203, %dma_start3A_218] : memref<128x500xf32, #tpu.memory_space<vmem>> -> memref<1x500xf32, #tpu.memory_space<vmem>>
      %dma_start3A_220 = arith.constant 0 : i32
      %dma_start3A_221 = tpu.memref_slice %arg3[%reduce_sum3A_213, %dma_start3A_220] : memref<4096x500xf32, #tpu.memory_space<hbm>> -> memref<1x500xf32, #tpu.memory_space<hbm>>
      tpu.enqueue_dma source(%dma_start3A_221 : memref<1x500xf32, #tpu.memory_space<hbm>>) target(%dma_start3A_219 : memref<1x500xf32, #tpu.memory_space<vmem>>) target_semaphore(%arg10 : memref<!tpu.dma_semaphore, #tpu.memory_space<semaphore_mem>>)
      %mul3A_222 = arith.constant 16 : i32
      %mul3A_223 = arith.muli %scan3A_26, %mul3A_222 : i32
      %add3A_224 = arith.constant 9 : i32
      %add3A_225 = arith.addi %mul3A_223, %add3A_224 : i32
      %eq3A_226 = arith.constant 9 : i32
      %eq3A_227 = vector.broadcast %eq3A_226 : i32 to vector<16xi32>
      %eq3A_228 = arith.cmpi eq, %iota3A, %eq3A_227 : vector<16xi32>
      %jit3A_229 = arith.constant 0 : i32
      %broadcast_in_dim3A_230 = vector.broadcast %jit3A_229 : i32 to vector<16xi32>
      %select_n3A_231 = arith.select %eq3A_228, %get3A_29, %broadcast_in_dim3A_230 : vector<16xi1>, vector<16xi32>
      %reduce_sum3A_232 = arith.constant true
      %reduce_sum3A_233 = vector.broadcast %reduce_sum3A_232 : i1 to vector<16xi1>
      %reduce_sum3A_234 = tpu.scan <sum>, %select_n3A_231 masked %reduce_sum3A_233 : vector<16xi32>, vector<16xi1> -> vector<16xi32>
      %reduce_sum3A_235 = vector.extract %reduce_sum3A_234[15] : i32 from vector<16xi32>
      %dma_start3A_236 = arith.constant 0 : i32
      %dma_start3A_237 = tpu.memref_slice %arg9[%add3A_225, %dma_start3A_236] : memref<128x500xf32, #tpu.memory_space<vmem>> -> memref<1x500xf32, #tpu.memory_space<vmem>>
      %dma_start3A_238 = arith.constant 0 : i32
      %dma_start3A_239 = tpu.memref_slice %arg3[%reduce_sum3A_235, %dma_start3A_238] : memref<4096x500xf32, #tpu.memory_space<hbm>> -> memref<1x500xf32, #tpu.memory_space<hbm>>
      %dma_start3A_240 = arith.constant 0 : i32
      %dma_start3A_241 = tpu.memref_slice %arg9[%add3A_225, %dma_start3A_240] : memref<128x500xf32, #tpu.memory_space<vmem>> -> memref<1x500xf32, #tpu.memory_space<vmem>>
      %dma_start3A_242 = arith.constant 0 : i32
      %dma_start3A_243 = tpu.memref_slice %arg3[%reduce_sum3A_235, %dma_start3A_242] : memref<4096x500xf32, #tpu.memory_space<hbm>> -> memref<1x500xf32, #tpu.memory_space<hbm>>
      tpu.enqueue_dma source(%dma_start3A_243 : memref<1x500xf32, #tpu.memory_space<hbm>>) target(%dma_start3A_241 : memref<1x500xf32, #tpu.memory_space<vmem>>) target_semaphore(%arg10 : memref<!tpu.dma_semaphore, #tpu.memory_space<semaphore_mem>>)
      %mul3A_244 = arith.constant 16 : i32
      %mul3A_245 = arith.muli %scan3A_26, %mul3A_244 : i32
      %add3A_246 = arith.constant 10 : i32
      %add3A_247 = arith.addi %mul3A_245, %add3A_246 : i32
      %eq3A_248 = arith.constant 10 : i32
      %eq3A_249 = vector.broadcast %eq3A_248 : i32 to vector<16xi32>
      %eq3A_250 = arith.cmpi eq, %iota3A, %eq3A_249 : vector<16xi32>
      %jit3A_251 = arith.constant 0 : i32
      %broadcast_in_dim3A_252 = vector.broadcast %jit3A_251 : i32 to vector<16xi32>
      %select_n3A_253 = arith.select %eq3A_250, %get3A_29, %broadcast_in_dim3A_252 : vector<16xi1>, vector<16xi32>
      %reduce_sum3A_254 = arith.constant true
      %reduce_sum3A_255 = vector.broadcast %reduce_sum3A_254 : i1 to vector<16xi1>
      %reduce_sum3A_256 = tpu.scan <sum>, %select_n3A_253 masked %reduce_sum3A_255 : vector<16xi32>, vector<16xi1> -> vector<16xi32>
      %reduce_sum3A_257 = vector.extract %reduce_sum3A_256[15] : i32 from vector<16xi32>
      %dma_start3A_258 = arith.constant 0 : i32
      %dma_start3A_259 = tpu.memref_slice %arg9[%add3A_247, %dma_start3A_258] : memref<128x500xf32, #tpu.memory_space<vmem>> -> memref<1x500xf32, #tpu.memory_space<vmem>>
      %dma_start3A_260 = arith.constant 0 : i32
      %dma_start3A_261 = tpu.memref_slice %arg3[%reduce_sum3A_257, %dma_start3A_260] : memref<4096x500xf32, #tpu.memory_space<hbm>> -> memref<1x500xf32, #tpu.memory_space<hbm>>
      %dma_start3A_262 = arith.constant 0 : i32
      %dma_start3A_263 = tpu.memref_slice %arg9[%add3A_247, %dma_start3A_262] : memref<128x500xf32, #tpu.memory_space<vmem>> -> memref<1x500xf32, #tpu.memory_space<vmem>>
      %dma_start3A_264 = arith.constant 0 : i32
      %dma_start3A_265 = tpu.memref_slice %arg3[%reduce_sum3A_257, %dma_start3A_264] : memref<4096x500xf32, #tpu.memory_space<hbm>> -> memref<1x500xf32, #tpu.memory_space<hbm>>
      tpu.enqueue_dma source(%dma_start3A_265 : memref<1x500xf32, #tpu.memory_space<hbm>>) target(%dma_start3A_263 : memref<1x500xf32, #tpu.memory_space<vmem>>) target_semaphore(%arg10 : memref<!tpu.dma_semaphore, #tpu.memory_space<semaphore_mem>>)
      %mul3A_266 = arith.constant 16 : i32
      %mul3A_267 = arith.muli %scan3A_26, %mul3A_266 : i32
      %add3A_268 = arith.constant 11 : i32
      %add3A_269 = arith.addi %mul3A_267, %add3A_268 : i32
      %eq3A_270 = arith.constant 11 : i32
      %eq3A_271 = vector.broadcast %eq3A_270 : i32 to vector<16xi32>
      %eq3A_272 = arith.cmpi eq, %iota3A, %eq3A_271 : vector<16xi32>
      %jit3A_273 = arith.constant 0 : i32
      %broadcast_in_dim3A_274 = vector.broadcast %jit3A_273 : i32 to vector<16xi32>
      %select_n3A_275 = arith.select %eq3A_272, %get3A_29, %broadcast_in_dim3A_274 : vector<16xi1>, vector<16xi32>
      %reduce_sum3A_276 = arith.constant true
      %reduce_sum3A_277 = vector.broadcast %reduce_sum3A_276 : i1 to vector<16xi1>
      %reduce_sum3A_278 = tpu.scan <sum>, %select_n3A_275 masked %reduce_sum3A_277 : vector<16xi32>, vector<16xi1> -> vector<16xi32>
      %reduce_sum3A_279 = vector.extract %reduce_sum3A_278[15] : i32 from vector<16xi32>
      %dma_start3A_280 = arith.constant 0 : i32
      %dma_start3A_281 = tpu.memref_slice %arg9[%add3A_269, %dma_start3A_280] : memref<128x500xf32, #tpu.memory_space<vmem>> -> memref<1x500xf32, #tpu.memory_space<vmem>>
      %dma_start3A_282 = arith.constant 0 : i32
      %dma_start3A_283 = tpu.memref_slice %arg3[%reduce_sum3A_279, %dma_start3A_282] : memref<4096x500xf32, #tpu.memory_space<hbm>> -> memref<1x500xf32, #tpu.memory_space<hbm>>
      %dma_start3A_284 = arith.constant 0 : i32
      %dma_start3A_285 = tpu.memref_slice %arg9[%add3A_269, %dma_start3A_284] : memref<128x500xf32, #tpu.memory_space<vmem>> -> memref<1x500xf32, #tpu.memory_space<vmem>>
      %dma_start3A_286 = arith.constant 0 : i32
      %dma_start3A_287 = tpu.memref_slice %arg3[%reduce_sum3A_279, %dma_start3A_286] : memref<4096x500xf32, #tpu.memory_space<hbm>> -> memref<1x500xf32, #tpu.memory_space<hbm>>
      tpu.enqueue_dma source(%dma_start3A_287 : memref<1x500xf32, #tpu.memory_space<hbm>>) target(%dma_start3A_285 : memref<1x500xf32, #tpu.memory_space<vmem>>) target_semaphore(%arg10 : memref<!tpu.dma_semaphore, #tpu.memory_space<semaphore_mem>>)
      %mul3A_288 = arith.constant 16 : i32
      %mul3A_289 = arith.muli %scan3A_26, %mul3A_288 : i32
      %add3A_290 = arith.constant 12 : i32
      %add3A_291 = arith.addi %mul3A_289, %add3A_290 : i32
      %eq3A_292 = arith.constant 12 : i32
      %eq3A_293 = vector.broadcast %eq3A_292 : i32 to vector<16xi32>
      %eq3A_294 = arith.cmpi eq, %iota3A, %eq3A_293 : vector<16xi32>
      %jit3A_295 = arith.constant 0 : i32
      %broadcast_in_dim3A_296 = vector.broadcast %jit3A_295 : i32 to vector<16xi32>
      %select_n3A_297 = arith.select %eq3A_294, %get3A_29, %broadcast_in_dim3A_296 : vector<16xi1>, vector<16xi32>
      %reduce_sum3A_298 = arith.constant true
      %reduce_sum3A_299 = vector.broadcast %reduce_sum3A_298 : i1 to vector<16xi1>
      %reduce_sum3A_300 = tpu.scan <sum>, %select_n3A_297 masked %reduce_sum3A_299 : vector<16xi32>, vector<16xi1> -> vector<16xi32>
      %reduce_sum3A_301 = vector.extract %reduce_sum3A_300[15] : i32 from vector<16xi32>
      %dma_start3A_302 = arith.constant 0 : i32
      %dma_start3A_303 = tpu.memref_slice %arg9[%add3A_291, %dma_start3A_302] : memref<128x500xf32, #tpu.memory_space<vmem>> -> memref<1x500xf32, #tpu.memory_space<vmem>>
      %dma_start3A_304 = arith.constant 0 : i32
      %dma_start3A_305 = tpu.memref_slice %arg3[%reduce_sum3A_301, %dma_start3A_304] : memref<4096x500xf32, #tpu.memory_space<hbm>> -> memref<1x500xf32, #tpu.memory_space<hbm>>
      %dma_start3A_306 = arith.constant 0 : i32
      %dma_start3A_307 = tpu.memref_slice %arg9[%add3A_291, %dma_start3A_306] : memref<128x500xf32, #tpu.memory_space<vmem>> -> memref<1x500xf32, #tpu.memory_space<vmem>>
      %dma_start3A_308 = arith.constant 0 : i32
      %dma_start3A_309 = tpu.memref_slice %arg3[%reduce_sum3A_301, %dma_start3A_308] : memref<4096x500xf32, #tpu.memory_space<hbm>> -> memref<1x500xf32, #tpu.memory_space<hbm>>
      tpu.enqueue_dma source(%dma_start3A_309 : memref<1x500xf32, #tpu.memory_space<hbm>>) target(%dma_start3A_307 : memref<1x500xf32, #tpu.memory_space<vmem>>) target_semaphore(%arg10 : memref<!tpu.dma_semaphore, #tpu.memory_space<semaphore_mem>>)
      %mul3A_310 = arith.constant 16 : i32
      %mul3A_311 = arith.muli %scan3A_26, %mul3A_310 : i32
      %add3A_312 = arith.constant 13 : i32
      %add3A_313 = arith.addi %mul3A_311, %add3A_312 : i32
      %eq3A_314 = arith.constant 13 : i32
      %eq3A_315 = vector.broadcast %eq3A_314 : i32 to vector<16xi32>
      %eq3A_316 = arith.cmpi eq, %iota3A, %eq3A_315 : vector<16xi32>
      %jit3A_317 = arith.constant 0 : i32
      %broadcast_in_dim3A_318 = vector.broadcast %jit3A_317 : i32 to vector<16xi32>
      %select_n3A_319 = arith.select %eq3A_316, %get3A_29, %broadcast_in_dim3A_318 : vector<16xi1>, vector<16xi32>
      %reduce_sum3A_320 = arith.constant true
      %reduce_sum3A_321 = vector.broadcast %reduce_sum3A_320 : i1 to vector<16xi1>
      %reduce_sum3A_322 = tpu.scan <sum>, %select_n3A_319 masked %reduce_sum3A_321 : vector<16xi32>, vector<16xi1> -> vector<16xi32>
      %reduce_sum3A_323 = vector.extract %reduce_sum3A_322[15] : i32 from vector<16xi32>
      %dma_start3A_324 = arith.constant 0 : i32
      %dma_start3A_325 = tpu.memref_slice %arg9[%add3A_313, %dma_start3A_324] : memref<128x500xf32, #tpu.memory_space<vmem>> -> memref<1x500xf32, #tpu.memory_space<vmem>>
      %dma_start3A_326 = arith.constant 0 : i32
      %dma_start3A_327 = tpu.memref_slice %arg3[%reduce_sum3A_323, %dma_start3A_326] : memref<4096x500xf32, #tpu.memory_space<hbm>> -> memref<1x500xf32, #tpu.memory_space<hbm>>
      %dma_start3A_328 = arith.constant 0 : i32
      %dma_start3A_329 = tpu.memref_slice %arg9[%add3A_313, %dma_start3A_328] : memref<128x500xf32, #tpu.memory_space<vmem>> -> memref<1x500xf32, #tpu.memory_space<vmem>>
      %dma_start3A_330 = arith.constant 0 : i32
      %dma_start3A_331 = tpu.memref_slice %arg3[%reduce_sum3A_323, %dma_start3A_330] : memref<4096x500xf32, #tpu.memory_space<hbm>> -> memref<1x500xf32, #tpu.memory_space<hbm>>
      tpu.enqueue_dma source(%dma_start3A_331 : memref<1x500xf32, #tpu.memory_space<hbm>>) target(%dma_start3A_329 : memref<1x500xf32, #tpu.memory_space<vmem>>) target_semaphore(%arg10 : memref<!tpu.dma_semaphore, #tpu.memory_space<semaphore_mem>>)
      %mul3A_332 = arith.constant 16 : i32
      %mul3A_333 = arith.muli %scan3A_26, %mul3A_332 : i32
      %add3A_334 = arith.constant 14 : i32
      %add3A_335 = arith.addi %mul3A_333, %add3A_334 : i32
      %eq3A_336 = arith.constant 14 : i32
      %eq3A_337 = vector.broadcast %eq3A_336 : i32 to vector<16xi32>
      %eq3A_338 = arith.cmpi eq, %iota3A, %eq3A_337 : vector<16xi32>
      %jit3A_339 = arith.constant 0 : i32
      %broadcast_in_dim3A_340 = vector.broadcast %jit3A_339 : i32 to vector<16xi32>
      %select_n3A_341 = arith.select %eq3A_338, %get3A_29, %broadcast_in_dim3A_340 : vector<16xi1>, vector<16xi32>
      %reduce_sum3A_342 = arith.constant true
      %reduce_sum3A_343 = vector.broadcast %reduce_sum3A_342 : i1 to vector<16xi1>
      %reduce_sum3A_344 = tpu.scan <sum>, %select_n3A_341 masked %reduce_sum3A_343 : vector<16xi32>, vector<16xi1> -> vector<16xi32>
      %reduce_sum3A_345 = vector.extract %reduce_sum3A_344[15] : i32 from vector<16xi32>
      %dma_start3A_346 = arith.constant 0 : i32
      %dma_start3A_347 = tpu.memref_slice %arg9[%add3A_335, %dma_start3A_346] : memref<128x500xf32, #tpu.memory_space<vmem>> -> memref<1x500xf32, #tpu.memory_space<vmem>>
      %dma_start3A_348 = arith.constant 0 : i32
      %dma_start3A_349 = tpu.memref_slice %arg3[%reduce_sum3A_345, %dma_start3A_348] : memref<4096x500xf32, #tpu.memory_space<hbm>> -> memref<1x500xf32, #tpu.memory_space<hbm>>
      %dma_start3A_350 = arith.constant 0 : i32
      %dma_start3A_351 = tpu.memref_slice %arg9[%add3A_335, %dma_start3A_350] : memref<128x500xf32, #tpu.memory_space<vmem>> -> memref<1x500xf32, #tpu.memory_space<vmem>>
      %dma_start3A_352 = arith.constant 0 : i32
      %dma_start3A_353 = tpu.memref_slice %arg3[%reduce_sum3A_345, %dma_start3A_352] : memref<4096x500xf32, #tpu.memory_space<hbm>> -> memref<1x500xf32, #tpu.memory_space<hbm>>
      tpu.enqueue_dma source(%dma_start3A_353 : memref<1x500xf32, #tpu.memory_space<hbm>>) target(%dma_start3A_351 : memref<1x500xf32, #tpu.memory_space<vmem>>) target_semaphore(%arg10 : memref<!tpu.dma_semaphore, #tpu.memory_space<semaphore_mem>>)
      %mul3A_354 = arith.constant 16 : i32
      %mul3A_355 = arith.muli %scan3A_26, %mul3A_354 : i32
      %add3A_356 = arith.constant 15 : i32
      %add3A_357 = arith.addi %mul3A_355, %add3A_356 : i32
      %eq3A_358 = arith.constant 15 : i32
      %eq3A_359 = vector.broadcast %eq3A_358 : i32 to vector<16xi32>
      %eq3A_360 = arith.cmpi eq, %iota3A, %eq3A_359 : vector<16xi32>
      %jit3A_361 = arith.constant 0 : i32
      %broadcast_in_dim3A_362 = vector.broadcast %jit3A_361 : i32 to vector<16xi32>
      %select_n3A_363 = arith.select %eq3A_360, %get3A_29, %broadcast_in_dim3A_362 : vector<16xi1>, vector<16xi32>
      %reduce_sum3A_364 = arith.constant true
      %reduce_sum3A_365 = vector.broadcast %reduce_sum3A_364 : i1 to vector<16xi1>
      %reduce_sum3A_366 = tpu.scan <sum>, %select_n3A_363 masked %reduce_sum3A_365 : vector<16xi32>, vector<16xi1> -> vector<16xi32>
      %reduce_sum3A_367 = vector.extract %reduce_sum3A_366[15] : i32 from vector<16xi32>
      %dma_start3A_368 = arith.constant 0 : i32
      %dma_start3A_369 = tpu.memref_slice %arg9[%add3A_357, %dma_start3A_368] : memref<128x500xf32, #tpu.memory_space<vmem>> -> memref<1x500xf32, #tpu.memory_space<vmem>>
      %dma_start3A_370 = arith.constant 0 : i32
      %dma_start3A_371 = tpu.memref_slice %arg3[%reduce_sum3A_367, %dma_start3A_370] : memref<4096x500xf32, #tpu.memory_space<hbm>> -> memref<1x500xf32, #tpu.memory_space<hbm>>
      %dma_start3A_372 = arith.constant 0 : i32
      %dma_start3A_373 = tpu.memref_slice %arg9[%add3A_357, %dma_start3A_372] : memref<128x500xf32, #tpu.memory_space<vmem>> -> memref<1x500xf32, #tpu.memory_space<vmem>>
      %dma_start3A_374 = arith.constant 0 : i32
      %dma_start3A_375 = tpu.memref_slice %arg3[%reduce_sum3A_367, %dma_start3A_374] : memref<4096x500xf32, #tpu.memory_space<hbm>> -> memref<1x500xf32, #tpu.memory_space<hbm>>
      tpu.enqueue_dma source(%dma_start3A_375 : memref<1x500xf32, #tpu.memory_space<hbm>>) target(%dma_start3A_373 : memref<1x500xf32, #tpu.memory_space<vmem>>) target_semaphore(%arg10 : memref<!tpu.dma_semaphore, #tpu.memory_space<semaphore_mem>>)
    }
    %scan3A_7 = arith.constant 8 : i32
    %dma_wait3A = arith.constant 0 : i32
    %dma_wait3A_8 = arith.constant 0 : i32
    %dma_wait3A_9 = tpu.memref_slice %arg3[%dma_wait3A, %dma_wait3A_8] : memref<4096x500xf32, #tpu.memory_space<hbm>> -> memref<128x500xf32, #tpu.memory_space<hbm>>
    %dma_wait3A_10 = arith.constant 0 : i32
    %dma_wait3A_11 = arith.constant 0 : i32
    %dma_wait3A_12 = tpu.memref_slice %arg3[%dma_wait3A_10, %dma_wait3A_11] : memref<4096x500xf32, #tpu.memory_space<hbm>> -> memref<128x500xf32, #tpu.memory_space<hbm>>
    tpu.wait_dma2 semaphore(%arg10 : memref<!tpu.dma_semaphore, #tpu.memory_space<semaphore_mem>>) src(%dma_wait3A_12 : memref<128x500xf32, #tpu.memory_space<hbm>>) dst(%arg9 : memref<128x500xf32, #tpu.memory_space<vmem>>)
    %iota3A_13 = tpu.iota {dimensions = array<i32: 0>} : vector<16xi32>
    %scan3A_14 = arith.constant 0 : i32
    %scan3A_15 = arith.constant 0 : i32
    %scan3A_16 = arith.constant 8 : i32
    %scan3A_17 = arith.addi %scan3A_15, %scan3A_16 : i32
    %scan3A_18 = arith.constant 1 : i32
    scf.for %scan3A_26 = %scan3A_15 to %scan3A_17 step %scan3A_18  : i32 {
      %mul3A_27 = arith.constant 16 : i32
      %mul3A_28 = arith.muli %scan3A_26, %mul3A_27 : i32
      %get3A = arith.index_cast %mul3A_28 : i32 to index
      %get3A_29 = tpu.vector_load %arg7[%get3A] {strides = array<i32>} : memref<128xi32, #tpu.memory_space<vmem>>, vector<16xi32>,
      %mul3A_30 = arith.constant 16 : i32
      %mul3A_31 = arith.muli %scan3A_26, %mul3A_30 : i32
      %add3A_32 = arith.constant 0 : i32
      %add3A_33 = arith.addi %mul3A_31, %add3A_32 : i32
      %eq3A = arith.constant 0 : i32
      %eq3A_34 = vector.broadcast %eq3A : i32 to vector<16xi32>
      %eq3A_35 = arith.cmpi eq, %iota3A_13, %eq3A_34 : vector<16xi32>
      %jit3A = arith.constant 0 : i32
      %broadcast_in_dim3A = vector.broadcast %jit3A : i32 to vector<16xi32>
      %select_n3A = arith.select %eq3A_35, %get3A_29, %broadcast_in_dim3A : vector<16xi1>, vector<16xi32>
      %reduce_sum3A = arith.constant true
      %reduce_sum3A_36 = vector.broadcast %reduce_sum3A : i1 to vector<16xi1>
      %reduce_sum3A_37 = tpu.scan <sum>, %select_n3A masked %reduce_sum3A_36 : vector<16xi32>, vector<16xi1> -> vector<16xi32>
      %reduce_sum3A_38 = vector.extract %reduce_sum3A_37[15] : i32 from vector<16xi32>
      %dma_start3A = arith.constant 0 : i32
      %dma_start3A_39 = tpu.memref_slice %arg9[%add3A_33, %dma_start3A] : memref<128x500xf32, #tpu.memory_space<vmem>> -> memref<1x500xf32, #tpu.memory_space<vmem>>
      %dma_start3A_40 = arith.constant 0 : i32
      %dma_start3A_41 = tpu.memref_slice %arg6[%reduce_sum3A_38, %dma_start3A_40] : memref<100000x500xf32, #tpu.memory_space<hbm>> -> memref<1x500xf32, #tpu.memory_space<hbm>>
      %dma_start3A_42 = arith.constant 0 : i32
      %dma_start3A_43 = tpu.memref_slice %arg6[%reduce_sum3A_38, %dma_start3A_42] : memref<100000x500xf32, #tpu.memory_space<hbm>> -> memref<1x500xf32, #tpu.memory_space<hbm>>
      %dma_start3A_44 = arith.constant 0 : i32
      %dma_start3A_45 = tpu.memref_slice %arg9[%add3A_33, %dma_start3A_44] : memref<128x500xf32, #tpu.memory_space<vmem>> -> memref<1x500xf32, #tpu.memory_space<vmem>>
      tpu.enqueue_dma source(%dma_start3A_45 : memref<1x500xf32, #tpu.memory_space<vmem>>) target(%dma_start3A_43 : memref<1x500xf32, #tpu.memory_space<hbm>>) target_semaphore(%arg10 : memref<!tpu.dma_semaphore, #tpu.memory_space<semaphore_mem>>)
      %mul3A_46 = arith.constant 16 : i32
      %mul3A_47 = arith.muli %scan3A_26, %mul3A_46 : i32
      %add3A_48 = arith.constant 1 : i32
      %add3A_49 = arith.addi %mul3A_47, %add3A_48 : i32
      %eq3A_50 = arith.constant 1 : i32
      %eq3A_51 = vector.broadcast %eq3A_50 : i32 to vector<16xi32>
      %eq3A_52 = arith.cmpi eq, %iota3A_13, %eq3A_51 : vector<16xi32>
      %jit3A_53 = arith.constant 0 : i32
      %broadcast_in_dim3A_54 = vector.broadcast %jit3A_53 : i32 to vector<16xi32>
      %select_n3A_55 = arith.select %eq3A_52, %get3A_29, %broadcast_in_dim3A_54 : vector<16xi1>, vector<16xi32>
      %reduce_sum3A_56 = arith.constant true
      %reduce_sum3A_57 = vector.broadcast %reduce_sum3A_56 : i1 to vector<16xi1>
      %reduce_sum3A_58 = tpu.scan <sum>, %select_n3A_55 masked %reduce_sum3A_57 : vector<16xi32>, vector<16xi1> -> vector<16xi32>
      %reduce_sum3A_59 = vector.extract %reduce_sum3A_58[15] : i32 from vector<16xi32>
      %dma_start3A_60 = arith.constant 0 : i32
      %dma_start3A_61 = tpu.memref_slice %arg9[%add3A_49, %dma_start3A_60] : memref<128x500xf32, #tpu.memory_space<vmem>> -> memref<1x500xf32, #tpu.memory_space<vmem>>
      %dma_start3A_62 = arith.constant 0 : i32
      %dma_start3A_63 = tpu.memref_slice %arg6[%reduce_sum3A_59, %dma_start3A_62] : memref<100000x500xf32, #tpu.memory_space<hbm>> -> memref<1x500xf32, #tpu.memory_space<hbm>>
      %dma_start3A_64 = arith.constant 0 : i32
      %dma_start3A_65 = tpu.memref_slice %arg6[%reduce_sum3A_59, %dma_start3A_64] : memref<100000x500xf32, #tpu.memory_space<hbm>> -> memref<1x500xf32, #tpu.memory_space<hbm>>
      %dma_start3A_66 = arith.constant 0 : i32
      %dma_start3A_67 = tpu.memref_slice %arg9[%add3A_49, %dma_start3A_66] : memref<128x500xf32, #tpu.memory_space<vmem>> -> memref<1x500xf32, #tpu.memory_space<vmem>>
      tpu.enqueue_dma source(%dma_start3A_67 : memref<1x500xf32, #tpu.memory_space<vmem>>) target(%dma_start3A_65 : memref<1x500xf32, #tpu.memory_space<hbm>>) target_semaphore(%arg10 : memref<!tpu.dma_semaphore, #tpu.memory_space<semaphore_mem>>)
      %mul3A_68 = arith.constant 16 : i32
      %mul3A_69 = arith.muli %scan3A_26, %mul3A_68 : i32
      %add3A_70 = arith.constant 2 : i32
      %add3A_71 = arith.addi %mul3A_69, %add3A_70 : i32
      %eq3A_72 = arith.constant 2 : i32
      %eq3A_73 = vector.broadcast %eq3A_72 : i32 to vector<16xi32>
      %eq3A_74 = arith.cmpi eq, %iota3A_13, %eq3A_73 : vector<16xi32>
      %jit3A_75 = arith.constant 0 : i32
      %broadcast_in_dim3A_76 = vector.broadcast %jit3A_75 : i32 to vector<16xi32>
      %select_n3A_77 = arith.select %eq3A_74, %get3A_29, %broadcast_in_dim3A_76 : vector<16xi1>, vector<16xi32>
      %reduce_sum3A_78 = arith.constant true
      %reduce_sum3A_79 = vector.broadcast %reduce_sum3A_78 : i1 to vector<16xi1>
      %reduce_sum3A_80 = tpu.scan <sum>, %select_n3A_77 masked %reduce_sum3A_79 : vector<16xi32>, vector<16xi1> -> vector<16xi32>
      %reduce_sum3A_81 = vector.extract %reduce_sum3A_80[15] : i32 from vector<16xi32>
      %dma_start3A_82 = arith.constant 0 : i32
      %dma_start3A_83 = tpu.memref_slice %arg9[%add3A_71, %dma_start3A_82] : memref<128x500xf32, #tpu.memory_space<vmem>> -> memref<1x500xf32, #tpu.memory_space<vmem>>
      %dma_start3A_84 = arith.constant 0 : i32
      %dma_start3A_85 = tpu.memref_slice %arg6[%reduce_sum3A_81, %dma_start3A_84] : memref<100000x500xf32, #tpu.memory_space<hbm>> -> memref<1x500xf32, #tpu.memory_space<hbm>>
      %dma_start3A_86 = arith.constant 0 : i32
      %dma_start3A_87 = tpu.memref_slice %arg6[%reduce_sum3A_81, %dma_start3A_86] : memref<100000x500xf32, #tpu.memory_space<hbm>> -> memref<1x500xf32, #tpu.memory_space<hbm>>
      %dma_start3A_88 = arith.constant 0 : i32
      %dma_start3A_89 = tpu.memref_slice %arg9[%add3A_71, %dma_start3A_88] : memref<128x500xf32, #tpu.memory_space<vmem>> -> memref<1x500xf32, #tpu.memory_space<vmem>>
      tpu.enqueue_dma source(%dma_start3A_89 : memref<1x500xf32, #tpu.memory_space<vmem>>) target(%dma_start3A_87 : memref<1x500xf32, #tpu.memory_space<hbm>>) target_semaphore(%arg10 : memref<!tpu.dma_semaphore, #tpu.memory_space<semaphore_mem>>)
      %mul3A_90 = arith.constant 16 : i32
      %mul3A_91 = arith.muli %scan3A_26, %mul3A_90 : i32
      %add3A_92 = arith.constant 3 : i32
      %add3A_93 = arith.addi %mul3A_91, %add3A_92 : i32
      %eq3A_94 = arith.constant 3 : i32
      %eq3A_95 = vector.broadcast %eq3A_94 : i32 to vector<16xi32>
      %eq3A_96 = arith.cmpi eq, %iota3A_13, %eq3A_95 : vector<16xi32>
      %jit3A_97 = arith.constant 0 : i32
      %broadcast_in_dim3A_98 = vector.broadcast %jit3A_97 : i32 to vector<16xi32>
      %select_n3A_99 = arith.select %eq3A_96, %get3A_29, %broadcast_in_dim3A_98 : vector<16xi1>, vector<16xi32>
      %reduce_sum3A_100 = arith.constant true
      %reduce_sum3A_101 = vector.broadcast %reduce_sum3A_100 : i1 to vector<16xi1>
      %reduce_sum3A_102 = tpu.scan <sum>, %select_n3A_99 masked %reduce_sum3A_101 : vector<16xi32>, vector<16xi1> -> vector<16xi32>
      %reduce_sum3A_103 = vector.extract %reduce_sum3A_102[15] : i32 from vector<16xi32>
      %dma_start3A_104 = arith.constant 0 : i32
      %dma_start3A_105 = tpu.memref_slice %arg9[%add3A_93, %dma_start3A_104] : memref<128x500xf32, #tpu.memory_space<vmem>> -> memref<1x500xf32, #tpu.memory_space<vmem>>
      %dma_start3A_106 = arith.constant 0 : i32
      %dma_start3A_107 = tpu.memref_slice %arg6[%reduce_sum3A_103, %dma_start3A_106] : memref<100000x500xf32, #tpu.memory_space<hbm>> -> memref<1x500xf32, #tpu.memory_space<hbm>>
      %dma_start3A_108 = arith.constant 0 : i32
      %dma_start3A_109 = tpu.memref_slice %arg6[%reduce_sum3A_103, %dma_start3A_108] : memref<100000x500xf32, #tpu.memory_space<hbm>> -> memref<1x500xf32, #tpu.memory_space<hbm>>
      %dma_start3A_110 = arith.constant 0 : i32
      %dma_start3A_111 = tpu.memref_slice %arg9[%add3A_93, %dma_start3A_110] : memref<128x500xf32, #tpu.memory_space<vmem>> -> memref<1x500xf32, #tpu.memory_space<vmem>>
      tpu.enqueue_dma source(%dma_start3A_111 : memref<1x500xf32, #tpu.memory_space<vmem>>) target(%dma_start3A_109 : memref<1x500xf32, #tpu.memory_space<hbm>>) target_semaphore(%arg10 : memref<!tpu.dma_semaphore, #tpu.memory_space<semaphore_mem>>)
      %mul3A_112 = arith.constant 16 : i32
      %mul3A_113 = arith.muli %scan3A_26, %mul3A_112 : i32
      %add3A_114 = arith.constant 4 : i32
      %add3A_115 = arith.addi %mul3A_113, %add3A_114 : i32
      %eq3A_116 = arith.constant 4 : i32
      %eq3A_117 = vector.broadcast %eq3A_116 : i32 to vector<16xi32>
      %eq3A_118 = arith.cmpi eq, %iota3A_13, %eq3A_117 : vector<16xi32>
      %jit3A_119 = arith.constant 0 : i32
      %broadcast_in_dim3A_120 = vector.broadcast %jit3A_119 : i32 to vector<16xi32>
      %select_n3A_121 = arith.select %eq3A_118, %get3A_29, %broadcast_in_dim3A_120 : vector<16xi1>, vector<16xi32>
      %reduce_sum3A_122 = arith.constant true
      %reduce_sum3A_123 = vector.broadcast %reduce_sum3A_122 : i1 to vector<16xi1>
      %reduce_sum3A_124 = tpu.scan <sum>, %select_n3A_121 masked %reduce_sum3A_123 : vector<16xi32>, vector<16xi1> -> vector<16xi32>
      %reduce_sum3A_125 = vector.extract %reduce_sum3A_124[15] : i32 from vector<16xi32>
      %dma_start3A_126 = arith.constant 0 : i32
      %dma_start3A_127 = tpu.memref_slice %arg9[%add3A_115, %dma_start3A_126] : memref<128x500xf32, #tpu.memory_space<vmem>> -> memref<1x500xf32, #tpu.memory_space<vmem>>
      %dma_start3A_128 = arith.constant 0 : i32
      %dma_start3A_129 = tpu.memref_slice %arg6[%reduce_sum3A_125, %dma_start3A_128] : memref<100000x500xf32, #tpu.memory_space<hbm>> -> memref<1x500xf32, #tpu.memory_space<hbm>>
      %dma_start3A_130 = arith.constant 0 : i32
      %dma_start3A_131 = tpu.memref_slice %arg6[%reduce_sum3A_125, %dma_start3A_130] : memref<100000x500xf32, #tpu.memory_space<hbm>> -> memref<1x500xf32, #tpu.memory_space<hbm>>
      %dma_start3A_132 = arith.constant 0 : i32
      %dma_start3A_133 = tpu.memref_slice %arg9[%add3A_115, %dma_start3A_132] : memref<128x500xf32, #tpu.memory_space<vmem>> -> memref<1x500xf32, #tpu.memory_space<vmem>>
      tpu.enqueue_dma source(%dma_start3A_133 : memref<1x500xf32, #tpu.memory_space<vmem>>) target(%dma_start3A_131 : memref<1x500xf32, #tpu.memory_space<hbm>>) target_semaphore(%arg10 : memref<!tpu.dma_semaphore, #tpu.memory_space<semaphore_mem>>)
      %mul3A_134 = arith.constant 16 : i32
      %mul3A_135 = arith.muli %scan3A_26, %mul3A_134 : i32
      %add3A_136 = arith.constant 5 : i32
      %add3A_137 = arith.addi %mul3A_135, %add3A_136 : i32
      %eq3A_138 = arith.constant 5 : i32
      %eq3A_139 = vector.broadcast %eq3A_138 : i32 to vector<16xi32>
      %eq3A_140 = arith.cmpi eq, %iota3A_13, %eq3A_139 : vector<16xi32>
      %jit3A_141 = arith.constant 0 : i32
      %broadcast_in_dim3A_142 = vector.broadcast %jit3A_141 : i32 to vector<16xi32>
      %select_n3A_143 = arith.select %eq3A_140, %get3A_29, %broadcast_in_dim3A_142 : vector<16xi1>, vector<16xi32>
      %reduce_sum3A_144 = arith.constant true
      %reduce_sum3A_145 = vector.broadcast %reduce_sum3A_144 : i1 to vector<16xi1>
      %reduce_sum3A_146 = tpu.scan <sum>, %select_n3A_143 masked %reduce_sum3A_145 : vector<16xi32>, vector<16xi1> -> vector<16xi32>
      %reduce_sum3A_147 = vector.extract %reduce_sum3A_146[15] : i32 from vector<16xi32>
      %dma_start3A_148 = arith.constant 0 : i32
      %dma_start3A_149 = tpu.memref_slice %arg9[%add3A_137, %dma_start3A_148] : memref<128x500xf32, #tpu.memory_space<vmem>> -> memref<1x500xf32, #tpu.memory_space<vmem>>
      %dma_start3A_150 = arith.constant 0 : i32
      %dma_start3A_151 = tpu.memref_slice %arg6[%reduce_sum3A_147, %dma_start3A_150] : memref<100000x500xf32, #tpu.memory_space<hbm>> -> memref<1x500xf32, #tpu.memory_space<hbm>>
      %dma_start3A_152 = arith.constant 0 : i32
      %dma_start3A_153 = tpu.memref_slice %arg6[%reduce_sum3A_147, %dma_start3A_152] : memref<100000x500xf32, #tpu.memory_space<hbm>> -> memref<1x500xf32, #tpu.memory_space<hbm>>
      %dma_start3A_154 = arith.constant 0 : i32
      %dma_start3A_155 = tpu.memref_slice %arg9[%add3A_137, %dma_start3A_154] : memref<128x500xf32, #tpu.memory_space<vmem>> -> memref<1x500xf32, #tpu.memory_space<vmem>>
      tpu.enqueue_dma source(%dma_start3A_155 : memref<1x500xf32, #tpu.memory_space<vmem>>) target(%dma_start3A_153 : memref<1x500xf32, #tpu.memory_space<hbm>>) target_semaphore(%arg10 : memref<!tpu.dma_semaphore, #tpu.memory_space<semaphore_mem>>)
      %mul3A_156 = arith.constant 16 : i32
      %mul3A_157 = arith.muli %scan3A_26, %mul3A_156 : i32
      %add3A_158 = arith.constant 6 : i32
      %add3A_159 = arith.addi %mul3A_157, %add3A_158 : i32
      %eq3A_160 = arith.constant 6 : i32
      %eq3A_161 = vector.broadcast %eq3A_160 : i32 to vector<16xi32>
      %eq3A_162 = arith.cmpi eq, %iota3A_13, %eq3A_161 : vector<16xi32>
      %jit3A_163 = arith.constant 0 : i32
      %broadcast_in_dim3A_164 = vector.broadcast %jit3A_163 : i32 to vector<16xi32>
      %select_n3A_165 = arith.select %eq3A_162, %get3A_29, %broadcast_in_dim3A_164 : vector<16xi1>, vector<16xi32>
      %reduce_sum3A_166 = arith.constant true
      %reduce_sum3A_167 = vector.broadcast %reduce_sum3A_166 : i1 to vector<16xi1>
      %reduce_sum3A_168 = tpu.scan <sum>, %select_n3A_165 masked %reduce_sum3A_167 : vector<16xi32>, vector<16xi1> -> vector<16xi32>
      %reduce_sum3A_169 = vector.extract %reduce_sum3A_168[15] : i32 from vector<16xi32>
      %dma_start3A_170 = arith.constant 0 : i32
      %dma_start3A_171 = tpu.memref_slice %arg9[%add3A_159, %dma_start3A_170] : memref<128x500xf32, #tpu.memory_space<vmem>> -> memref<1x500xf32, #tpu.memory_space<vmem>>
      %dma_start3A_172 = arith.constant 0 : i32
      %dma_start3A_173 = tpu.memref_slice %arg6[%reduce_sum3A_169, %dma_start3A_172] : memref<100000x500xf32, #tpu.memory_space<hbm>> -> memref<1x500xf32, #tpu.memory_space<hbm>>
      %dma_start3A_174 = arith.constant 0 : i32
      %dma_start3A_175 = tpu.memref_slice %arg6[%reduce_sum3A_169, %dma_start3A_174] : memref<100000x500xf32, #tpu.memory_space<hbm>> -> memref<1x500xf32, #tpu.memory_space<hbm>>
      %dma_start3A_176 = arith.constant 0 : i32
      %dma_start3A_177 = tpu.memref_slice %arg9[%add3A_159, %dma_start3A_176] : memref<128x500xf32, #tpu.memory_space<vmem>> -> memref<1x500xf32, #tpu.memory_space<vmem>>
      tpu.enqueue_dma source(%dma_start3A_177 : memref<1x500xf32, #tpu.memory_space<vmem>>) target(%dma_start3A_175 : memref<1x500xf32, #tpu.memory_space<hbm>>) target_semaphore(%arg10 : memref<!tpu.dma_semaphore, #tpu.memory_space<semaphore_mem>>)
      %mul3A_178 = arith.constant 16 : i32
      %mul3A_179 = arith.muli %scan3A_26, %mul3A_178 : i32
      %add3A_180 = arith.constant 7 : i32
      %add3A_181 = arith.addi %mul3A_179, %add3A_180 : i32
      %eq3A_182 = arith.constant 7 : i32
      %eq3A_183 = vector.broadcast %eq3A_182 : i32 to vector<16xi32>
      %eq3A_184 = arith.cmpi eq, %iota3A_13, %eq3A_183 : vector<16xi32>
      %jit3A_185 = arith.constant 0 : i32
      %broadcast_in_dim3A_186 = vector.broadcast %jit3A_185 : i32 to vector<16xi32>
      %select_n3A_187 = arith.select %eq3A_184, %get3A_29, %broadcast_in_dim3A_186 : vector<16xi1>, vector<16xi32>
      %reduce_sum3A_188 = arith.constant true
      %reduce_sum3A_189 = vector.broadcast %reduce_sum3A_188 : i1 to vector<16xi1>
      %reduce_sum3A_190 = tpu.scan <sum>, %select_n3A_187 masked %reduce_sum3A_189 : vector<16xi32>, vector<16xi1> -> vector<16xi32>
      %reduce_sum3A_191 = vector.extract %reduce_sum3A_190[15] : i32 from vector<16xi32>
      %dma_start3A_192 = arith.constant 0 : i32
      %dma_start3A_193 = tpu.memref_slice %arg9[%add3A_181, %dma_start3A_192] : memref<128x500xf32, #tpu.memory_space<vmem>> -> memref<1x500xf32, #tpu.memory_space<vmem>>
      %dma_start3A_194 = arith.constant 0 : i32
      %dma_start3A_195 = tpu.memref_slice %arg6[%reduce_sum3A_191, %dma_start3A_194] : memref<100000x500xf32, #tpu.memory_space<hbm>> -> memref<1x500xf32, #tpu.memory_space<hbm>>
      %dma_start3A_196 = arith.constant 0 : i32
      %dma_start3A_197 = tpu.memref_slice %arg6[%reduce_sum3A_191, %dma_start3A_196] : memref<100000x500xf32, #tpu.memory_space<hbm>> -> memref<1x500xf32, #tpu.memory_space<hbm>>
      %dma_start3A_198 = arith.constant 0 : i32
      %dma_start3A_199 = tpu.memref_slice %arg9[%add3A_181, %dma_start3A_198] : memref<128x500xf32, #tpu.memory_space<vmem>> -> memref<1x500xf32, #tpu.memory_space<vmem>>
      tpu.enqueue_dma source(%dma_start3A_199 : memref<1x500xf32, #tpu.memory_space<vmem>>) target(%dma_start3A_197 : memref<1x500xf32, #tpu.memory_space<hbm>>) target_semaphore(%arg10 : memref<!tpu.dma_semaphore, #tpu.memory_space<semaphore_mem>>)
      %mul3A_200 = arith.constant 16 : i32
      %mul3A_201 = arith.muli %scan3A_26, %mul3A_200 : i32
      %add3A_202 = arith.constant 8 : i32
      %add3A_203 = arith.addi %mul3A_201, %add3A_202 : i32
      %eq3A_204 = arith.constant 8 : i32
      %eq3A_205 = vector.broadcast %eq3A_204 : i32 to vector<16xi32>
      %eq3A_206 = arith.cmpi eq, %iota3A_13, %eq3A_205 : vector<16xi32>
      %jit3A_207 = arith.constant 0 : i32
      %broadcast_in_dim3A_208 = vector.broadcast %jit3A_207 : i32 to vector<16xi32>
      %select_n3A_209 = arith.select %eq3A_206, %get3A_29, %broadcast_in_dim3A_208 : vector<16xi1>, vector<16xi32>
      %reduce_sum3A_210 = arith.constant true
      %reduce_sum3A_211 = vector.broadcast %reduce_sum3A_210 : i1 to vector<16xi1>
      %reduce_sum3A_212 = tpu.scan <sum>, %select_n3A_209 masked %reduce_sum3A_211 : vector<16xi32>, vector<16xi1> -> vector<16xi32>
      %reduce_sum3A_213 = vector.extract %reduce_sum3A_212[15] : i32 from vector<16xi32>
      %dma_start3A_214 = arith.constant 0 : i32
      %dma_start3A_215 = tpu.memref_slice %arg9[%add3A_203, %dma_start3A_214] : memref<128x500xf32, #tpu.memory_space<vmem>> -> memref<1x500xf32, #tpu.memory_space<vmem>>
      %dma_start3A_216 = arith.constant 0 : i32
      %dma_start3A_217 = tpu.memref_slice %arg6[%reduce_sum3A_213, %dma_start3A_216] : memref<100000x500xf32, #tpu.memory_space<hbm>> -> memref<1x500xf32, #tpu.memory_space<hbm>>
      %dma_start3A_218 = arith.constant 0 : i32
      %dma_start3A_219 = tpu.memref_slice %arg6[%reduce_sum3A_213, %dma_start3A_218] : memref<100000x500xf32, #tpu.memory_space<hbm>> -> memref<1x500xf32, #tpu.memory_space<hbm>>
      %dma_start3A_220 = arith.constant 0 : i32
      %dma_start3A_221 = tpu.memref_slice %arg9[%add3A_203, %dma_start3A_220] : memref<128x500xf32, #tpu.memory_space<vmem>> -> memref<1x500xf32, #tpu.memory_space<vmem>>
      tpu.enqueue_dma source(%dma_start3A_221 : memref<1x500xf32, #tpu.memory_space<vmem>>) target(%dma_start3A_219 : memref<1x500xf32, #tpu.memory_space<hbm>>) target_semaphore(%arg10 : memref<!tpu.dma_semaphore, #tpu.memory_space<semaphore_mem>>)
      %mul3A_222 = arith.constant 16 : i32
      %mul3A_223 = arith.muli %scan3A_26, %mul3A_222 : i32
      %add3A_224 = arith.constant 9 : i32
      %add3A_225 = arith.addi %mul3A_223, %add3A_224 : i32
      %eq3A_226 = arith.constant 9 : i32
      %eq3A_227 = vector.broadcast %eq3A_226 : i32 to vector<16xi32>
      %eq3A_228 = arith.cmpi eq, %iota3A_13, %eq3A_227 : vector<16xi32>
      %jit3A_229 = arith.constant 0 : i32
      %broadcast_in_dim3A_230 = vector.broadcast %jit3A_229 : i32 to vector<16xi32>
      %select_n3A_231 = arith.select %eq3A_228, %get3A_29, %broadcast_in_dim3A_230 : vector<16xi1>, vector<16xi32>
      %reduce_sum3A_232 = arith.constant true
      %reduce_sum3A_233 = vector.broadcast %reduce_sum3A_232 : i1 to vector<16xi1>
      %reduce_sum3A_234 = tpu.scan <sum>, %select_n3A_231 masked %reduce_sum3A_233 : vector<16xi32>, vector<16xi1> -> vector<16xi32>
      %reduce_sum3A_235 = vector.extract %reduce_sum3A_234[15] : i32 from vector<16xi32>
      %dma_start3A_236 = arith.constant 0 : i32
      %dma_start3A_237 = tpu.memref_slice %arg9[%add3A_225, %dma_start3A_236] : memref<128x500xf32, #tpu.memory_space<vmem>> -> memref<1x500xf32, #tpu.memory_space<vmem>>
      %dma_start3A_238 = arith.constant 0 : i32
      %dma_start3A_239 = tpu.memref_slice %arg6[%reduce_sum3A_235, %dma_start3A_238] : memref<100000x500xf32, #tpu.memory_space<hbm>> -> memref<1x500xf32, #tpu.memory_space<hbm>>
      %dma_start3A_240 = arith.constant 0 : i32
      %dma_start3A_241 = tpu.memref_slice %arg6[%reduce_sum3A_235, %dma_start3A_240] : memref<100000x500xf32, #tpu.memory_space<hbm>> -> memref<1x500xf32, #tpu.memory_space<hbm>>
      %dma_start3A_242 = arith.constant 0 : i32
      %dma_start3A_243 = tpu.memref_slice %arg9[%add3A_225, %dma_start3A_242] : memref<128x500xf32, #tpu.memory_space<vmem>> -> memref<1x500xf32, #tpu.memory_space<vmem>>
      tpu.enqueue_dma source(%dma_start3A_243 : memref<1x500xf32, #tpu.memory_space<vmem>>) target(%dma_start3A_241 : memref<1x500xf32, #tpu.memory_space<hbm>>) target_semaphore(%arg10 : memref<!tpu.dma_semaphore, #tpu.memory_space<semaphore_mem>>)
      %mul3A_244 = arith.constant 16 : i32
      %mul3A_245 = arith.muli %scan3A_26, %mul3A_244 : i32
      %add3A_246 = arith.constant 10 : i32
      %add3A_247 = arith.addi %mul3A_245, %add3A_246 : i32
      %eq3A_248 = arith.constant 10 : i32
      %eq3A_249 = vector.broadcast %eq3A_248 : i32 to vector<16xi32>
      %eq3A_250 = arith.cmpi eq, %iota3A_13, %eq3A_249 : vector<16xi32>
      %jit3A_251 = arith.constant 0 : i32
      %broadcast_in_dim3A_252 = vector.broadcast %jit3A_251 : i32 to vector<16xi32>
      %select_n3A_253 = arith.select %eq3A_250, %get3A_29, %broadcast_in_dim3A_252 : vector<16xi1>, vector<16xi32>
      %reduce_sum3A_254 = arith.constant true
      %reduce_sum3A_255 = vector.broadcast %reduce_sum3A_254 : i1 to vector<16xi1>
      %reduce_sum3A_256 = tpu.scan <sum>, %select_n3A_253 masked %reduce_sum3A_255 : vector<16xi32>, vector<16xi1> -> vector<16xi32>
      %reduce_sum3A_257 = vector.extract %reduce_sum3A_256[15] : i32 from vector<16xi32>
      %dma_start3A_258 = arith.constant 0 : i32
      %dma_start3A_259 = tpu.memref_slice %arg9[%add3A_247, %dma_start3A_258] : memref<128x500xf32, #tpu.memory_space<vmem>> -> memref<1x500xf32, #tpu.memory_space<vmem>>
      %dma_start3A_260 = arith.constant 0 : i32
      %dma_start3A_261 = tpu.memref_slice %arg6[%reduce_sum3A_257, %dma_start3A_260] : memref<100000x500xf32, #tpu.memory_space<hbm>> -> memref<1x500xf32, #tpu.memory_space<hbm>>
      %dma_start3A_262 = arith.constant 0 : i32
      %dma_start3A_263 = tpu.memref_slice %arg6[%reduce_sum3A_257, %dma_start3A_262] : memref<100000x500xf32, #tpu.memory_space<hbm>> -> memref<1x500xf32, #tpu.memory_space<hbm>>
      %dma_start3A_264 = arith.constant 0 : i32
      %dma_start3A_265 = tpu.memref_slice %arg9[%add3A_247, %dma_start3A_264] : memref<128x500xf32, #tpu.memory_space<vmem>> -> memref<1x500xf32, #tpu.memory_space<vmem>>
      tpu.enqueue_dma source(%dma_start3A_265 : memref<1x500xf32, #tpu.memory_space<vmem>>) target(%dma_start3A_263 : memref<1x500xf32, #tpu.memory_space<hbm>>) target_semaphore(%arg10 : memref<!tpu.dma_semaphore, #tpu.memory_space<semaphore_mem>>)
      %mul3A_266 = arith.constant 16 : i32
      %mul3A_267 = arith.muli %scan3A_26, %mul3A_266 : i32
      %add3A_268 = arith.constant 11 : i32
      %add3A_269 = arith.addi %mul3A_267, %add3A_268 : i32
      %eq3A_270 = arith.constant 11 : i32
      %eq3A_271 = vector.broadcast %eq3A_270 : i32 to vector<16xi32>
      %eq3A_272 = arith.cmpi eq, %iota3A_13, %eq3A_271 : vector<16xi32>
      %jit3A_273 = arith.constant 0 : i32
      %broadcast_in_dim3A_274 = vector.broadcast %jit3A_273 : i32 to vector<16xi32>
      %select_n3A_275 = arith.select %eq3A_272, %get3A_29, %broadcast_in_dim3A_274 : vector<16xi1>, vector<16xi32>
      %reduce_sum3A_276 = arith.constant true
      %reduce_sum3A_277 = vector.broadcast %reduce_sum3A_276 : i1 to vector<16xi1>
      %reduce_sum3A_278 = tpu.scan <sum>, %select_n3A_275 masked %reduce_sum3A_277 : vector<16xi32>, vector<16xi1> -> vector<16xi32>
      %reduce_sum3A_279 = vector.extract %reduce_sum3A_278[15] : i32 from vector<16xi32>
      %dma_start3A_280 = arith.constant 0 : i32
      %dma_start3A_281 = tpu.memref_slice %arg9[%add3A_269, %dma_start3A_280] : memref<128x500xf32, #tpu.memory_space<vmem>> -> memref<1x500xf32, #tpu.memory_space<vmem>>
      %dma_start3A_282 = arith.constant 0 : i32
      %dma_start3A_283 = tpu.memref_slice %arg6[%reduce_sum3A_279, %dma_start3A_282] : memref<100000x500xf32, #tpu.memory_space<hbm>> -> memref<1x500xf32, #tpu.memory_space<hbm>>
      %dma_start3A_284 = arith.constant 0 : i32
      %dma_start3A_285 = tpu.memref_slice %arg6[%reduce_sum3A_279, %dma_start3A_284] : memref<100000x500xf32, #tpu.memory_space<hbm>> -> memref<1x500xf32, #tpu.memory_space<hbm>>
      %dma_start3A_286 = arith.constant 0 : i32
      %dma_start3A_287 = tpu.memref_slice %arg9[%add3A_269, %dma_start3A_286] : memref<128x500xf32, #tpu.memory_space<vmem>> -> memref<1x500xf32, #tpu.memory_space<vmem>>
      tpu.enqueue_dma source(%dma_start3A_287 : memref<1x500xf32, #tpu.memory_space<vmem>>) target(%dma_start3A_285 : memref<1x500xf32, #tpu.memory_space<hbm>>) target_semaphore(%arg10 : memref<!tpu.dma_semaphore, #tpu.memory_space<semaphore_mem>>)
      %mul3A_288 = arith.constant 16 : i32
      %mul3A_289 = arith.muli %scan3A_26, %mul3A_288 : i32
      %add3A_290 = arith.constant 12 : i32
      %add3A_291 = arith.addi %mul3A_289, %add3A_290 : i32
      %eq3A_292 = arith.constant 12 : i32
      %eq3A_293 = vector.broadcast %eq3A_292 : i32 to vector<16xi32>
      %eq3A_294 = arith.cmpi eq, %iota3A_13, %eq3A_293 : vector<16xi32>
      %jit3A_295 = arith.constant 0 : i32
      %broadcast_in_dim3A_296 = vector.broadcast %jit3A_295 : i32 to vector<16xi32>
      %select_n3A_297 = arith.select %eq3A_294, %get3A_29, %broadcast_in_dim3A_296 : vector<16xi1>, vector<16xi32>
      %reduce_sum3A_298 = arith.constant true
      %reduce_sum3A_299 = vector.broadcast %reduce_sum3A_298 : i1 to vector<16xi1>
      %reduce_sum3A_300 = tpu.scan <sum>, %select_n3A_297 masked %reduce_sum3A_299 : vector<16xi32>, vector<16xi1> -> vector<16xi32>
      %reduce_sum3A_301 = vector.extract %reduce_sum3A_300[15] : i32 from vector<16xi32>
      %dma_start3A_302 = arith.constant 0 : i32
      %dma_start3A_303 = tpu.memref_slice %arg9[%add3A_291, %dma_start3A_302] : memref<128x500xf32, #tpu.memory_space<vmem>> -> memref<1x500xf32, #tpu.memory_space<vmem>>
      %dma_start3A_304 = arith.constant 0 : i32
      %dma_start3A_305 = tpu.memref_slice %arg6[%reduce_sum3A_301, %dma_start3A_304] : memref<100000x500xf32, #tpu.memory_space<hbm>> -> memref<1x500xf32, #tpu.memory_space<hbm>>
      %dma_start3A_306 = arith.constant 0 : i32
      %dma_start3A_307 = tpu.memref_slice %arg6[%reduce_sum3A_301, %dma_start3A_306] : memref<100000x500xf32, #tpu.memory_space<hbm>> -> memref<1x500xf32, #tpu.memory_space<hbm>>
      %dma_start3A_308 = arith.constant 0 : i32
      %dma_start3A_309 = tpu.memref_slice %arg9[%add3A_291, %dma_start3A_308] : memref<128x500xf32, #tpu.memory_space<vmem>> -> memref<1x500xf32, #tpu.memory_space<vmem>>
      tpu.enqueue_dma source(%dma_start3A_309 : memref<1x500xf32, #tpu.memory_space<vmem>>) target(%dma_start3A_307 : memref<1x500xf32, #tpu.memory_space<hbm>>) target_semaphore(%arg10 : memref<!tpu.dma_semaphore, #tpu.memory_space<semaphore_mem>>)
      %mul3A_310 = arith.constant 16 : i32
      %mul3A_311 = arith.muli %scan3A_26, %mul3A_310 : i32
      %add3A_312 = arith.constant 13 : i32
      %add3A_313 = arith.addi %mul3A_311, %add3A_312 : i32
      %eq3A_314 = arith.constant 13 : i32
      %eq3A_315 = vector.broadcast %eq3A_314 : i32 to vector<16xi32>
      %eq3A_316 = arith.cmpi eq, %iota3A_13, %eq3A_315 : vector<16xi32>
      %jit3A_317 = arith.constant 0 : i32
      %broadcast_in_dim3A_318 = vector.broadcast %jit3A_317 : i32 to vector<16xi32>
      %select_n3A_319 = arith.select %eq3A_316, %get3A_29, %broadcast_in_dim3A_318 : vector<16xi1>, vector<16xi32>
      %reduce_sum3A_320 = arith.constant true
      %reduce_sum3A_321 = vector.broadcast %reduce_sum3A_320 : i1 to vector<16xi1>
      %reduce_sum3A_322 = tpu.scan <sum>, %select_n3A_319 masked %reduce_sum3A_321 : vector<16xi32>, vector<16xi1> -> vector<16xi32>
      %reduce_sum3A_323 = vector.extract %reduce_sum3A_322[15] : i32 from vector<16xi32>
      %dma_start3A_324 = arith.constant 0 : i32
      %dma_start3A_325 = tpu.memref_slice %arg9[%add3A_313, %dma_start3A_324] : memref<128x500xf32, #tpu.memory_space<vmem>> -> memref<1x500xf32, #tpu.memory_space<vmem>>
      %dma_start3A_326 = arith.constant 0 : i32
      %dma_start3A_327 = tpu.memref_slice %arg6[%reduce_sum3A_323, %dma_start3A_326] : memref<100000x500xf32, #tpu.memory_space<hbm>> -> memref<1x500xf32, #tpu.memory_space<hbm>>
      %dma_start3A_328 = arith.constant 0 : i32
      %dma_start3A_329 = tpu.memref_slice %arg6[%reduce_sum3A_323, %dma_start3A_328] : memref<100000x500xf32, #tpu.memory_space<hbm>> -> memref<1x500xf32, #tpu.memory_space<hbm>>
      %dma_start3A_330 = arith.constant 0 : i32
      %dma_start3A_331 = tpu.memref_slice %arg9[%add3A_313, %dma_start3A_330] : memref<128x500xf32, #tpu.memory_space<vmem>> -> memref<1x500xf32, #tpu.memory_space<vmem>>
      tpu.enqueue_dma source(%dma_start3A_331 : memref<1x500xf32, #tpu.memory_space<vmem>>) target(%dma_start3A_329 : memref<1x500xf32, #tpu.memory_space<hbm>>) target_semaphore(%arg10 : memref<!tpu.dma_semaphore, #tpu.memory_space<semaphore_mem>>)
      %mul3A_332 = arith.constant 16 : i32
      %mul3A_333 = arith.muli %scan3A_26, %mul3A_332 : i32
      %add3A_334 = arith.constant 14 : i32
      %add3A_335 = arith.addi %mul3A_333, %add3A_334 : i32
      %eq3A_336 = arith.constant 14 : i32
      %eq3A_337 = vector.broadcast %eq3A_336 : i32 to vector<16xi32>
      %eq3A_338 = arith.cmpi eq, %iota3A_13, %eq3A_337 : vector<16xi32>
      %jit3A_339 = arith.constant 0 : i32
      %broadcast_in_dim3A_340 = vector.broadcast %jit3A_339 : i32 to vector<16xi32>
      %select_n3A_341 = arith.select %eq3A_338, %get3A_29, %broadcast_in_dim3A_340 : vector<16xi1>, vector<16xi32>
      %reduce_sum3A_342 = arith.constant true
      %reduce_sum3A_343 = vector.broadcast %reduce_sum3A_342 : i1 to vector<16xi1>
      %reduce_sum3A_344 = tpu.scan <sum>, %select_n3A_341 masked %reduce_sum3A_343 : vector<16xi32>, vector<16xi1> -> vector<16xi32>
      %reduce_sum3A_345 = vector.extract %reduce_sum3A_344[15] : i32 from vector<16xi32>
      %dma_start3A_346 = arith.constant 0 : i32
      %dma_start3A_347 = tpu.memref_slice %arg9[%add3A_335, %dma_start3A_346] : memref<128x500xf32, #tpu.memory_space<vmem>> -> memref<1x500xf32, #tpu.memory_space<vmem>>
      %dma_start3A_348 = arith.constant 0 : i32
      %dma_start3A_349 = tpu.memref_slice %arg6[%reduce_sum3A_345, %dma_start3A_348] : memref<100000x500xf32, #tpu.memory_space<hbm>> -> memref<1x500xf32, #tpu.memory_space<hbm>>
      %dma_start3A_350 = arith.constant 0 : i32
      %dma_start3A_351 = tpu.memref_slice %arg6[%reduce_sum3A_345, %dma_start3A_350] : memref<100000x500xf32, #tpu.memory_space<hbm>> -> memref<1x500xf32, #tpu.memory_space<hbm>>
      %dma_start3A_352 = arith.constant 0 : i32
      %dma_start3A_353 = tpu.memref_slice %arg9[%add3A_335, %dma_start3A_352] : memref<128x500xf32, #tpu.memory_space<vmem>> -> memref<1x500xf32, #tpu.memory_space<vmem>>
      tpu.enqueue_dma source(%dma_start3A_353 : memref<1x500xf32, #tpu.memory_space<vmem>>) target(%dma_start3A_351 : memref<1x500xf32, #tpu.memory_space<hbm>>) target_semaphore(%arg10 : memref<!tpu.dma_semaphore, #tpu.memory_space<semaphore_mem>>)
      %mul3A_354 = arith.constant 16 : i32
      %mul3A_355 = arith.muli %scan3A_26, %mul3A_354 : i32
      %add3A_356 = arith.constant 15 : i32
      %add3A_357 = arith.addi %mul3A_355, %add3A_356 : i32
      %eq3A_358 = arith.constant 15 : i32
      %eq3A_359 = vector.broadcast %eq3A_358 : i32 to vector<16xi32>
      %eq3A_360 = arith.cmpi eq, %iota3A_13, %eq3A_359 : vector<16xi32>
      %jit3A_361 = arith.constant 0 : i32
      %broadcast_in_dim3A_362 = vector.broadcast %jit3A_361 : i32 to vector<16xi32>
      %select_n3A_363 = arith.select %eq3A_360, %get3A_29, %broadcast_in_dim3A_362 : vector<16xi1>, vector<16xi32>
      %reduce_sum3A_364 = arith.constant true
      %reduce_sum3A_365 = vector.broadcast %reduce_sum3A_364 : i1 to vector<16xi1>
      %reduce_sum3A_366 = tpu.scan <sum>, %select_n3A_363 masked %reduce_sum3A_365 : vector<16xi32>, vector<16xi1> -> vector<16xi32>
      %reduce_sum3A_367 = vector.extract %reduce_sum3A_366[15] : i32 from vector<16xi32>
      %dma_start3A_368 = arith.constant 0 : i32
      %dma_start3A_369 = tpu.memref_slice %arg9[%add3A_357, %dma_start3A_368] : memref<128x500xf32, #tpu.memory_space<vmem>> -> memref<1x500xf32, #tpu.memory_space<vmem>>
      %dma_start3A_370 = arith.constant 0 : i32
      %dma_start3A_371 = tpu.memref_slice %arg6[%reduce_sum3A_367, %dma_start3A_370] : memref<100000x500xf32, #tpu.memory_space<hbm>> -> memref<1x500xf32, #tpu.memory_space<hbm>>
      %dma_start3A_372 = arith.constant 0 : i32
      %dma_start3A_373 = tpu.memref_slice %arg6[%reduce_sum3A_367, %dma_start3A_372] : memref<100000x500xf32, #tpu.memory_space<hbm>> -> memref<1x500xf32, #tpu.memory_space<hbm>>
      %dma_start3A_374 = arith.constant 0 : i32
      %dma_start3A_375 = tpu.memref_slice %arg9[%add3A_357, %dma_start3A_374] : memref<128x500xf32, #tpu.memory_space<vmem>> -> memref<1x500xf32, #tpu.memory_space<vmem>>
      tpu.enqueue_dma source(%dma_start3A_375 : memref<1x500xf32, #tpu.memory_space<vmem>>) target(%dma_start3A_373 : memref<1x500xf32, #tpu.memory_space<hbm>>) target_semaphore(%arg10 : memref<!tpu.dma_semaphore, #tpu.memory_space<semaphore_mem>>)
    }
    %scan3A_19 = arith.constant 8 : i32
    %dma_wait3A_20 = arith.constant 0 : i32
    %dma_wait3A_21 = arith.constant 0 : i32
    %dma_wait3A_22 = tpu.memref_slice %arg6[%dma_wait3A_20, %dma_wait3A_21] : memref<100000x500xf32, #tpu.memory_space<hbm>> -> memref<128x500xf32, #tpu.memory_space<hbm>>
    %dma_wait3A_23 = arith.constant 0 : i32
    %dma_wait3A_24 = arith.constant 0 : i32
    %dma_wait3A_25 = tpu.memref_slice %arg6[%dma_wait3A_23, %dma_wait3A_24] : memref<100000x500xf32, #tpu.memory_space<hbm>> -> memref<128x500xf32, #tpu.memory_space<hbm>>
    tpu.wait_dma2 semaphore(%arg10 : memref<!tpu.dma_semaphore, #tpu.memory_space<semaphore_mem>>) src(%arg9 : memref<128x500xf32, #tpu.memory_space<vmem>>) dst(%dma_wait3A_25 : memref<128x500xf32, #tpu.memory_space<hbm>>)
    return
  }
}

#map = affine_map<(d0, d1) -> (0)>
#map1 = affine_map<(d0, d1) -> (0, 0)>
module attributes {stable_mosaic.version = 14 : i64} {
  func.func @body(%arg0: i32, %arg1: i32, %arg2: memref<4096xi32, #tpu.memory_space<hbm>>, %arg3: memref<100000x500xf32, #tpu.memory_space<hbm>>, %arg4: memref<4096x500xf32, #tpu.memory_space<hbm>>, %arg5: memref<128xi32, #tpu.memory_space<vmem>>, %arg6: memref<128x500xf32, #tpu.memory_space<vmem>>, %arg7: memref<!tpu.dma_semaphore, #tpu.memory_space<semaphore_mem>>) attributes {dimension_semantics = [#tpu.dimension_semantics<core_parallel>, #tpu.dimension_semantics<subcore_parallel>], iteration_bounds = array<i64: 2, 16>, scalar_prefetch = 0 : i64, scratch_operands = 3 : i64, tpu.core_type = #tpu.core_type<sc_vector_subcore>, window_params = [{transform_indices = #map}, {transform_indices = #map1}, {transform_indices = #map1}]} {
    %mul3A = arith.constant 2 : i32
    %mul3A_0 = arith.muli %arg1, %mul3A : i32
    %add3A = arith.addi %mul3A_0, %arg0 : i32
    %mul3A_1 = arith.constant 128 : i32
    %mul3A_2 = arith.muli %add3A, %mul3A_1 : i32
    "tpu.region"() ({
      %run_scoped3A = tpu.sem_alloc : memref<!tpu.dma_semaphore, #tpu.memory_space<semaphore_mem>>
      %dma_start3A = tpu.memref_slice %arg2[%mul3A_2] : memref<4096xi32, #tpu.memory_space<hbm>> -> memref<128xi32, #tpu.memory_space<hbm>>
      %dma_start3A_13 = tpu.memref_slice %arg2[%mul3A_2] : memref<4096xi32, #tpu.memory_space<hbm>> -> memref<128xi32, #tpu.memory_space<hbm>>
      tpu.enqueue_dma source(%dma_start3A_13 : memref<128xi32, #tpu.memory_space<hbm>>) target(%arg5 : memref<128xi32, #tpu.memory_space<vmem>>) target_semaphore(%run_scoped3A : memref<!tpu.dma_semaphore, #tpu.memory_space<semaphore_mem>>)
      %dma_wait3A_14 = tpu.memref_slice %arg2[%mul3A_2] : memref<4096xi32, #tpu.memory_space<hbm>> -> memref<128xi32, #tpu.memory_space<hbm>>
      %dma_wait3A_15 = tpu.memref_slice %arg2[%mul3A_2] : memref<4096xi32, #tpu.memory_space<hbm>> -> memref<128xi32, #tpu.memory_space<hbm>>
      tpu.wait_dma2 semaphore(%run_scoped3A : memref<!tpu.dma_semaphore, #tpu.memory_space<semaphore_mem>>) src(%dma_wait3A_15 : memref<128xi32, #tpu.memory_space<hbm>>) dst(%arg5 : memref<128xi32, #tpu.memory_space<vmem>>)
      tpu.yield
    }) : () -> ()
    %iota3A = tpu.iota {dimensions = array<i32: 0>} : vector<16xi32>
    %scan3A = arith.constant 0 : i32
    %scan3A_3 = arith.constant 0 : i32
    %scan3A_4 = arith.constant 8 : i32
    %scan3A_5 = arith.addi %scan3A_3, %scan3A_4 : i32
    %scan3A_6 = arith.constant 1 : i32
    scf.for %scan3A_13 = %scan3A_3 to %scan3A_5 step %scan3A_6  : i32 {
      %mul3A_14 = arith.constant 16 : i32
      %mul3A_15 = arith.muli %scan3A_13, %mul3A_14 : i32
      %get3A = arith.index_cast %mul3A_15 : i32 to index
      %get3A_16 = tpu.vector_load %arg5[%get3A] {strides = array<i32>} : memref<128xi32, #tpu.memory_space<vmem>>, vector<16xi32>,
      %mul3A_17 = arith.constant 16 : i32
      %mul3A_18 = arith.muli %scan3A_13, %mul3A_17 : i32
      %add3A_19 = arith.constant 0 : i32
      %add3A_20 = arith.addi %mul3A_18, %add3A_19 : i32
      %eq3A = arith.constant 0 : i32
      %eq3A_21 = vector.broadcast %eq3A : i32 to vector<16xi32>
      %eq3A_22 = arith.cmpi eq, %iota3A, %eq3A_21 : vector<16xi32>
      %jit3A = arith.constant 0 : i32
      %broadcast_in_dim3A = vector.broadcast %jit3A : i32 to vector<16xi32>
      %select_n3A = arith.select %eq3A_22, %get3A_16, %broadcast_in_dim3A : vector<16xi1>, vector<16xi32>
      %reduce_sum3A = arith.constant true
      %reduce_sum3A_23 = vector.broadcast %reduce_sum3A : i1 to vector<16xi1>
      %reduce_sum3A_24 = tpu.scan <sum>, %select_n3A masked %reduce_sum3A_23 : vector<16xi32>, vector<16xi1> -> vector<16xi32>
      %reduce_sum3A_25 = vector.extract %reduce_sum3A_24[15] : i32 from vector<16xi32>
      %dma_start3A = arith.constant 0 : i32
      %dma_start3A_26 = tpu.memref_slice %arg6[%add3A_20, %dma_start3A] : memref<128x500xf32, #tpu.memory_space<vmem>> -> memref<1x500xf32, #tpu.memory_space<vmem>>
      %dma_start3A_27 = arith.constant 0 : i32
      %dma_start3A_28 = tpu.memref_slice %arg3[%reduce_sum3A_25, %dma_start3A_27] : memref<100000x500xf32, #tpu.memory_space<hbm>> -> memref<1x500xf32, #tpu.memory_space<hbm>>
      %dma_start3A_29 = arith.constant 0 : i32
      %dma_start3A_30 = tpu.memref_slice %arg6[%add3A_20, %dma_start3A_29] : memref<128x500xf32, #tpu.memory_space<vmem>> -> memref<1x500xf32, #tpu.memory_space<vmem>>
      %dma_start3A_31 = arith.constant 0 : i32
      %dma_start3A_32 = tpu.memref_slice %arg3[%reduce_sum3A_25, %dma_start3A_31] : memref<100000x500xf32, #tpu.memory_space<hbm>> -> memref<1x500xf32, #tpu.memory_space<hbm>>
      tpu.enqueue_dma source(%dma_start3A_32 : memref<1x500xf32, #tpu.memory_space<hbm>>) target(%dma_start3A_30 : memref<1x500xf32, #tpu.memory_space<vmem>>) target_semaphore(%arg7 : memref<!tpu.dma_semaphore, #tpu.memory_space<semaphore_mem>>)
      %mul3A_33 = arith.constant 16 : i32
      %mul3A_34 = arith.muli %scan3A_13, %mul3A_33 : i32
      %add3A_35 = arith.constant 1 : i32
      %add3A_36 = arith.addi %mul3A_34, %add3A_35 : i32
      %eq3A_37 = arith.constant 1 : i32
      %eq3A_38 = vector.broadcast %eq3A_37 : i32 to vector<16xi32>
      %eq3A_39 = arith.cmpi eq, %iota3A, %eq3A_38 : vector<16xi32>
      %jit3A_40 = arith.constant 0 : i32
      %broadcast_in_dim3A_41 = vector.broadcast %jit3A_40 : i32 to vector<16xi32>
      %select_n3A_42 = arith.select %eq3A_39, %get3A_16, %broadcast_in_dim3A_41 : vector<16xi1>, vector<16xi32>
      %reduce_sum3A_43 = arith.constant true
      %reduce_sum3A_44 = vector.broadcast %reduce_sum3A_43 : i1 to vector<16xi1>
      %reduce_sum3A_45 = tpu.scan <sum>, %select_n3A_42 masked %reduce_sum3A_44 : vector<16xi32>, vector<16xi1> -> vector<16xi32>
      %reduce_sum3A_46 = vector.extract %reduce_sum3A_45[15] : i32 from vector<16xi32>
      %dma_start3A_47 = arith.constant 0 : i32
      %dma_start3A_48 = tpu.memref_slice %arg6[%add3A_36, %dma_start3A_47] : memref<128x500xf32, #tpu.memory_space<vmem>> -> memref<1x500xf32, #tpu.memory_space<vmem>>
      %dma_start3A_49 = arith.constant 0 : i32
      %dma_start3A_50 = tpu.memref_slice %arg3[%reduce_sum3A_46, %dma_start3A_49] : memref<100000x500xf32, #tpu.memory_space<hbm>> -> memref<1x500xf32, #tpu.memory_space<hbm>>
      %dma_start3A_51 = arith.constant 0 : i32
      %dma_start3A_52 = tpu.memref_slice %arg6[%add3A_36, %dma_start3A_51] : memref<128x500xf32, #tpu.memory_space<vmem>> -> memref<1x500xf32, #tpu.memory_space<vmem>>
      %dma_start3A_53 = arith.constant 0 : i32
      %dma_start3A_54 = tpu.memref_slice %arg3[%reduce_sum3A_46, %dma_start3A_53] : memref<100000x500xf32, #tpu.memory_space<hbm>> -> memref<1x500xf32, #tpu.memory_space<hbm>>
      tpu.enqueue_dma source(%dma_start3A_54 : memref<1x500xf32, #tpu.memory_space<hbm>>) target(%dma_start3A_52 : memref<1x500xf32, #tpu.memory_space<vmem>>) target_semaphore(%arg7 : memref<!tpu.dma_semaphore, #tpu.memory_space<semaphore_mem>>)
      %mul3A_55 = arith.constant 16 : i32
      %mul3A_56 = arith.muli %scan3A_13, %mul3A_55 : i32
      %add3A_57 = arith.constant 2 : i32
      %add3A_58 = arith.addi %mul3A_56, %add3A_57 : i32
      %eq3A_59 = arith.constant 2 : i32
      %eq3A_60 = vector.broadcast %eq3A_59 : i32 to vector<16xi32>
      %eq3A_61 = arith.cmpi eq, %iota3A, %eq3A_60 : vector<16xi32>
      %jit3A_62 = arith.constant 0 : i32
      %broadcast_in_dim3A_63 = vector.broadcast %jit3A_62 : i32 to vector<16xi32>
      %select_n3A_64 = arith.select %eq3A_61, %get3A_16, %broadcast_in_dim3A_63 : vector<16xi1>, vector<16xi32>
      %reduce_sum3A_65 = arith.constant true
      %reduce_sum3A_66 = vector.broadcast %reduce_sum3A_65 : i1 to vector<16xi1>
      %reduce_sum3A_67 = tpu.scan <sum>, %select_n3A_64 masked %reduce_sum3A_66 : vector<16xi32>, vector<16xi1> -> vector<16xi32>
      %reduce_sum3A_68 = vector.extract %reduce_sum3A_67[15] : i32 from vector<16xi32>
      %dma_start3A_69 = arith.constant 0 : i32
      %dma_start3A_70 = tpu.memref_slice %arg6[%add3A_58, %dma_start3A_69] : memref<128x500xf32, #tpu.memory_space<vmem>> -> memref<1x500xf32, #tpu.memory_space<vmem>>
      %dma_start3A_71 = arith.constant 0 : i32
      %dma_start3A_72 = tpu.memref_slice %arg3[%reduce_sum3A_68, %dma_start3A_71] : memref<100000x500xf32, #tpu.memory_space<hbm>> -> memref<1x500xf32, #tpu.memory_space<hbm>>
      %dma_start3A_73 = arith.constant 0 : i32
      %dma_start3A_74 = tpu.memref_slice %arg6[%add3A_58, %dma_start3A_73] : memref<128x500xf32, #tpu.memory_space<vmem>> -> memref<1x500xf32, #tpu.memory_space<vmem>>
      %dma_start3A_75 = arith.constant 0 : i32
      %dma_start3A_76 = tpu.memref_slice %arg3[%reduce_sum3A_68, %dma_start3A_75] : memref<100000x500xf32, #tpu.memory_space<hbm>> -> memref<1x500xf32, #tpu.memory_space<hbm>>
      tpu.enqueue_dma source(%dma_start3A_76 : memref<1x500xf32, #tpu.memory_space<hbm>>) target(%dma_start3A_74 : memref<1x500xf32, #tpu.memory_space<vmem>>) target_semaphore(%arg7 : memref<!tpu.dma_semaphore, #tpu.memory_space<semaphore_mem>>)
      %mul3A_77 = arith.constant 16 : i32
      %mul3A_78 = arith.muli %scan3A_13, %mul3A_77 : i32
      %add3A_79 = arith.constant 3 : i32
      %add3A_80 = arith.addi %mul3A_78, %add3A_79 : i32
      %eq3A_81 = arith.constant 3 : i32
      %eq3A_82 = vector.broadcast %eq3A_81 : i32 to vector<16xi32>
      %eq3A_83 = arith.cmpi eq, %iota3A, %eq3A_82 : vector<16xi32>
      %jit3A_84 = arith.constant 0 : i32
      %broadcast_in_dim3A_85 = vector.broadcast %jit3A_84 : i32 to vector<16xi32>
      %select_n3A_86 = arith.select %eq3A_83, %get3A_16, %broadcast_in_dim3A_85 : vector<16xi1>, vector<16xi32>
      %reduce_sum3A_87 = arith.constant true
      %reduce_sum3A_88 = vector.broadcast %reduce_sum3A_87 : i1 to vector<16xi1>
      %reduce_sum3A_89 = tpu.scan <sum>, %select_n3A_86 masked %reduce_sum3A_88 : vector<16xi32>, vector<16xi1> -> vector<16xi32>
      %reduce_sum3A_90 = vector.extract %reduce_sum3A_89[15] : i32 from vector<16xi32>
      %dma_start3A_91 = arith.constant 0 : i32
      %dma_start3A_92 = tpu.memref_slice %arg6[%add3A_80, %dma_start3A_91] : memref<128x500xf32, #tpu.memory_space<vmem>> -> memref<1x500xf32, #tpu.memory_space<vmem>>
      %dma_start3A_93 = arith.constant 0 : i32
      %dma_start3A_94 = tpu.memref_slice %arg3[%reduce_sum3A_90, %dma_start3A_93] : memref<100000x500xf32, #tpu.memory_space<hbm>> -> memref<1x500xf32, #tpu.memory_space<hbm>>
      %dma_start3A_95 = arith.constant 0 : i32
      %dma_start3A_96 = tpu.memref_slice %arg6[%add3A_80, %dma_start3A_95] : memref<128x500xf32, #tpu.memory_space<vmem>> -> memref<1x500xf32, #tpu.memory_space<vmem>>
      %dma_start3A_97 = arith.constant 0 : i32
      %dma_start3A_98 = tpu.memref_slice %arg3[%reduce_sum3A_90, %dma_start3A_97] : memref<100000x500xf32, #tpu.memory_space<hbm>> -> memref<1x500xf32, #tpu.memory_space<hbm>>
      tpu.enqueue_dma source(%dma_start3A_98 : memref<1x500xf32, #tpu.memory_space<hbm>>) target(%dma_start3A_96 : memref<1x500xf32, #tpu.memory_space<vmem>>) target_semaphore(%arg7 : memref<!tpu.dma_semaphore, #tpu.memory_space<semaphore_mem>>)
      %mul3A_99 = arith.constant 16 : i32
      %mul3A_100 = arith.muli %scan3A_13, %mul3A_99 : i32
      %add3A_101 = arith.constant 4 : i32
      %add3A_102 = arith.addi %mul3A_100, %add3A_101 : i32
      %eq3A_103 = arith.constant 4 : i32
      %eq3A_104 = vector.broadcast %eq3A_103 : i32 to vector<16xi32>
      %eq3A_105 = arith.cmpi eq, %iota3A, %eq3A_104 : vector<16xi32>
      %jit3A_106 = arith.constant 0 : i32
      %broadcast_in_dim3A_107 = vector.broadcast %jit3A_106 : i32 to vector<16xi32>
      %select_n3A_108 = arith.select %eq3A_105, %get3A_16, %broadcast_in_dim3A_107 : vector<16xi1>, vector<16xi32>
      %reduce_sum3A_109 = arith.constant true
      %reduce_sum3A_110 = vector.broadcast %reduce_sum3A_109 : i1 to vector<16xi1>
      %reduce_sum3A_111 = tpu.scan <sum>, %select_n3A_108 masked %reduce_sum3A_110 : vector<16xi32>, vector<16xi1> -> vector<16xi32>
      %reduce_sum3A_112 = vector.extract %reduce_sum3A_111[15] : i32 from vector<16xi32>
      %dma_start3A_113 = arith.constant 0 : i32
      %dma_start3A_114 = tpu.memref_slice %arg6[%add3A_102, %dma_start3A_113] : memref<128x500xf32, #tpu.memory_space<vmem>> -> memref<1x500xf32, #tpu.memory_space<vmem>>
      %dma_start3A_115 = arith.constant 0 : i32
      %dma_start3A_116 = tpu.memref_slice %arg3[%reduce_sum3A_112, %dma_start3A_115] : memref<100000x500xf32, #tpu.memory_space<hbm>> -> memref<1x500xf32, #tpu.memory_space<hbm>>
      %dma_start3A_117 = arith.constant 0 : i32
      %dma_start3A_118 = tpu.memref_slice %arg6[%add3A_102, %dma_start3A_117] : memref<128x500xf32, #tpu.memory_space<vmem>> -> memref<1x500xf32, #tpu.memory_space<vmem>>
      %dma_start3A_119 = arith.constant 0 : i32
      %dma_start3A_120 = tpu.memref_slice %arg3[%reduce_sum3A_112, %dma_start3A_119] : memref<100000x500xf32, #tpu.memory_space<hbm>> -> memref<1x500xf32, #tpu.memory_space<hbm>>
      tpu.enqueue_dma source(%dma_start3A_120 : memref<1x500xf32, #tpu.memory_space<hbm>>) target(%dma_start3A_118 : memref<1x500xf32, #tpu.memory_space<vmem>>) target_semaphore(%arg7 : memref<!tpu.dma_semaphore, #tpu.memory_space<semaphore_mem>>)
      %mul3A_121 = arith.constant 16 : i32
      %mul3A_122 = arith.muli %scan3A_13, %mul3A_121 : i32
      %add3A_123 = arith.constant 5 : i32
      %add3A_124 = arith.addi %mul3A_122, %add3A_123 : i32
      %eq3A_125 = arith.constant 5 : i32
      %eq3A_126 = vector.broadcast %eq3A_125 : i32 to vector<16xi32>
      %eq3A_127 = arith.cmpi eq, %iota3A, %eq3A_126 : vector<16xi32>
      %jit3A_128 = arith.constant 0 : i32
      %broadcast_in_dim3A_129 = vector.broadcast %jit3A_128 : i32 to vector<16xi32>
      %select_n3A_130 = arith.select %eq3A_127, %get3A_16, %broadcast_in_dim3A_129 : vector<16xi1>, vector<16xi32>
      %reduce_sum3A_131 = arith.constant true
      %reduce_sum3A_132 = vector.broadcast %reduce_sum3A_131 : i1 to vector<16xi1>
      %reduce_sum3A_133 = tpu.scan <sum>, %select_n3A_130 masked %reduce_sum3A_132 : vector<16xi32>, vector<16xi1> -> vector<16xi32>
      %reduce_sum3A_134 = vector.extract %reduce_sum3A_133[15] : i32 from vector<16xi32>
      %dma_start3A_135 = arith.constant 0 : i32
      %dma_start3A_136 = tpu.memref_slice %arg6[%add3A_124, %dma_start3A_135] : memref<128x500xf32, #tpu.memory_space<vmem>> -> memref<1x500xf32, #tpu.memory_space<vmem>>
      %dma_start3A_137 = arith.constant 0 : i32
      %dma_start3A_138 = tpu.memref_slice %arg3[%reduce_sum3A_134, %dma_start3A_137] : memref<100000x500xf32, #tpu.memory_space<hbm>> -> memref<1x500xf32, #tpu.memory_space<hbm>>
      %dma_start3A_139 = arith.constant 0 : i32
      %dma_start3A_140 = tpu.memref_slice %arg6[%add3A_124, %dma_start3A_139] : memref<128x500xf32, #tpu.memory_space<vmem>> -> memref<1x500xf32, #tpu.memory_space<vmem>>
      %dma_start3A_141 = arith.constant 0 : i32
      %dma_start3A_142 = tpu.memref_slice %arg3[%reduce_sum3A_134, %dma_start3A_141] : memref<100000x500xf32, #tpu.memory_space<hbm>> -> memref<1x500xf32, #tpu.memory_space<hbm>>
      tpu.enqueue_dma source(%dma_start3A_142 : memref<1x500xf32, #tpu.memory_space<hbm>>) target(%dma_start3A_140 : memref<1x500xf32, #tpu.memory_space<vmem>>) target_semaphore(%arg7 : memref<!tpu.dma_semaphore, #tpu.memory_space<semaphore_mem>>)
      %mul3A_143 = arith.constant 16 : i32
      %mul3A_144 = arith.muli %scan3A_13, %mul3A_143 : i32
      %add3A_145 = arith.constant 6 : i32
      %add3A_146 = arith.addi %mul3A_144, %add3A_145 : i32
      %eq3A_147 = arith.constant 6 : i32
      %eq3A_148 = vector.broadcast %eq3A_147 : i32 to vector<16xi32>
      %eq3A_149 = arith.cmpi eq, %iota3A, %eq3A_148 : vector<16xi32>
      %jit3A_150 = arith.constant 0 : i32
      %broadcast_in_dim3A_151 = vector.broadcast %jit3A_150 : i32 to vector<16xi32>
      %select_n3A_152 = arith.select %eq3A_149, %get3A_16, %broadcast_in_dim3A_151 : vector<16xi1>, vector<16xi32>
      %reduce_sum3A_153 = arith.constant true
      %reduce_sum3A_154 = vector.broadcast %reduce_sum3A_153 : i1 to vector<16xi1>
      %reduce_sum3A_155 = tpu.scan <sum>, %select_n3A_152 masked %reduce_sum3A_154 : vector<16xi32>, vector<16xi1> -> vector<16xi32>
      %reduce_sum3A_156 = vector.extract %reduce_sum3A_155[15] : i32 from vector<16xi32>
      %dma_start3A_157 = arith.constant 0 : i32
      %dma_start3A_158 = tpu.memref_slice %arg6[%add3A_146, %dma_start3A_157] : memref<128x500xf32, #tpu.memory_space<vmem>> -> memref<1x500xf32, #tpu.memory_space<vmem>>
      %dma_start3A_159 = arith.constant 0 : i32
      %dma_start3A_160 = tpu.memref_slice %arg3[%reduce_sum3A_156, %dma_start3A_159] : memref<100000x500xf32, #tpu.memory_space<hbm>> -> memref<1x500xf32, #tpu.memory_space<hbm>>
      %dma_start3A_161 = arith.constant 0 : i32
      %dma_start3A_162 = tpu.memref_slice %arg6[%add3A_146, %dma_start3A_161] : memref<128x500xf32, #tpu.memory_space<vmem>> -> memref<1x500xf32, #tpu.memory_space<vmem>>
      %dma_start3A_163 = arith.constant 0 : i32
      %dma_start3A_164 = tpu.memref_slice %arg3[%reduce_sum3A_156, %dma_start3A_163] : memref<100000x500xf32, #tpu.memory_space<hbm>> -> memref<1x500xf32, #tpu.memory_space<hbm>>
      tpu.enqueue_dma source(%dma_start3A_164 : memref<1x500xf32, #tpu.memory_space<hbm>>) target(%dma_start3A_162 : memref<1x500xf32, #tpu.memory_space<vmem>>) target_semaphore(%arg7 : memref<!tpu.dma_semaphore, #tpu.memory_space<semaphore_mem>>)
      %mul3A_165 = arith.constant 16 : i32
      %mul3A_166 = arith.muli %scan3A_13, %mul3A_165 : i32
      %add3A_167 = arith.constant 7 : i32
      %add3A_168 = arith.addi %mul3A_166, %add3A_167 : i32
      %eq3A_169 = arith.constant 7 : i32
      %eq3A_170 = vector.broadcast %eq3A_169 : i32 to vector<16xi32>
      %eq3A_171 = arith.cmpi eq, %iota3A, %eq3A_170 : vector<16xi32>
      %jit3A_172 = arith.constant 0 : i32
      %broadcast_in_dim3A_173 = vector.broadcast %jit3A_172 : i32 to vector<16xi32>
      %select_n3A_174 = arith.select %eq3A_171, %get3A_16, %broadcast_in_dim3A_173 : vector<16xi1>, vector<16xi32>
      %reduce_sum3A_175 = arith.constant true
      %reduce_sum3A_176 = vector.broadcast %reduce_sum3A_175 : i1 to vector<16xi1>
      %reduce_sum3A_177 = tpu.scan <sum>, %select_n3A_174 masked %reduce_sum3A_176 : vector<16xi32>, vector<16xi1> -> vector<16xi32>
      %reduce_sum3A_178 = vector.extract %reduce_sum3A_177[15] : i32 from vector<16xi32>
      %dma_start3A_179 = arith.constant 0 : i32
      %dma_start3A_180 = tpu.memref_slice %arg6[%add3A_168, %dma_start3A_179] : memref<128x500xf32, #tpu.memory_space<vmem>> -> memref<1x500xf32, #tpu.memory_space<vmem>>
      %dma_start3A_181 = arith.constant 0 : i32
      %dma_start3A_182 = tpu.memref_slice %arg3[%reduce_sum3A_178, %dma_start3A_181] : memref<100000x500xf32, #tpu.memory_space<hbm>> -> memref<1x500xf32, #tpu.memory_space<hbm>>
      %dma_start3A_183 = arith.constant 0 : i32
      %dma_start3A_184 = tpu.memref_slice %arg6[%add3A_168, %dma_start3A_183] : memref<128x500xf32, #tpu.memory_space<vmem>> -> memref<1x500xf32, #tpu.memory_space<vmem>>
      %dma_start3A_185 = arith.constant 0 : i32
      %dma_start3A_186 = tpu.memref_slice %arg3[%reduce_sum3A_178, %dma_start3A_185] : memref<100000x500xf32, #tpu.memory_space<hbm>> -> memref<1x500xf32, #tpu.memory_space<hbm>>
      tpu.enqueue_dma source(%dma_start3A_186 : memref<1x500xf32, #tpu.memory_space<hbm>>) target(%dma_start3A_184 : memref<1x500xf32, #tpu.memory_space<vmem>>) target_semaphore(%arg7 : memref<!tpu.dma_semaphore, #tpu.memory_space<semaphore_mem>>)
      %mul3A_187 = arith.constant 16 : i32
      %mul3A_188 = arith.muli %scan3A_13, %mul3A_187 : i32
      %add3A_189 = arith.constant 8 : i32
      %add3A_190 = arith.addi %mul3A_188, %add3A_189 : i32
      %eq3A_191 = arith.constant 8 : i32
      %eq3A_192 = vector.broadcast %eq3A_191 : i32 to vector<16xi32>
      %eq3A_193 = arith.cmpi eq, %iota3A, %eq3A_192 : vector<16xi32>
      %jit3A_194 = arith.constant 0 : i32
      %broadcast_in_dim3A_195 = vector.broadcast %jit3A_194 : i32 to vector<16xi32>
      %select_n3A_196 = arith.select %eq3A_193, %get3A_16, %broadcast_in_dim3A_195 : vector<16xi1>, vector<16xi32>
      %reduce_sum3A_197 = arith.constant true
      %reduce_sum3A_198 = vector.broadcast %reduce_sum3A_197 : i1 to vector<16xi1>
      %reduce_sum3A_199 = tpu.scan <sum>, %select_n3A_196 masked %reduce_sum3A_198 : vector<16xi32>, vector<16xi1> -> vector<16xi32>
      %reduce_sum3A_200 = vector.extract %reduce_sum3A_199[15] : i32 from vector<16xi32>
      %dma_start3A_201 = arith.constant 0 : i32
      %dma_start3A_202 = tpu.memref_slice %arg6[%add3A_190, %dma_start3A_201] : memref<128x500xf32, #tpu.memory_space<vmem>> -> memref<1x500xf32, #tpu.memory_space<vmem>>
      %dma_start3A_203 = arith.constant 0 : i32
      %dma_start3A_204 = tpu.memref_slice %arg3[%reduce_sum3A_200, %dma_start3A_203] : memref<100000x500xf32, #tpu.memory_space<hbm>> -> memref<1x500xf32, #tpu.memory_space<hbm>>
      %dma_start3A_205 = arith.constant 0 : i32
      %dma_start3A_206 = tpu.memref_slice %arg6[%add3A_190, %dma_start3A_205] : memref<128x500xf32, #tpu.memory_space<vmem>> -> memref<1x500xf32, #tpu.memory_space<vmem>>
      %dma_start3A_207 = arith.constant 0 : i32
      %dma_start3A_208 = tpu.memref_slice %arg3[%reduce_sum3A_200, %dma_start3A_207] : memref<100000x500xf32, #tpu.memory_space<hbm>> -> memref<1x500xf32, #tpu.memory_space<hbm>>
      tpu.enqueue_dma source(%dma_start3A_208 : memref<1x500xf32, #tpu.memory_space<hbm>>) target(%dma_start3A_206 : memref<1x500xf32, #tpu.memory_space<vmem>>) target_semaphore(%arg7 : memref<!tpu.dma_semaphore, #tpu.memory_space<semaphore_mem>>)
      %mul3A_209 = arith.constant 16 : i32
      %mul3A_210 = arith.muli %scan3A_13, %mul3A_209 : i32
      %add3A_211 = arith.constant 9 : i32
      %add3A_212 = arith.addi %mul3A_210, %add3A_211 : i32
      %eq3A_213 = arith.constant 9 : i32
      %eq3A_214 = vector.broadcast %eq3A_213 : i32 to vector<16xi32>
      %eq3A_215 = arith.cmpi eq, %iota3A, %eq3A_214 : vector<16xi32>
      %jit3A_216 = arith.constant 0 : i32
      %broadcast_in_dim3A_217 = vector.broadcast %jit3A_216 : i32 to vector<16xi32>
      %select_n3A_218 = arith.select %eq3A_215, %get3A_16, %broadcast_in_dim3A_217 : vector<16xi1>, vector<16xi32>
      %reduce_sum3A_219 = arith.constant true
      %reduce_sum3A_220 = vector.broadcast %reduce_sum3A_219 : i1 to vector<16xi1>
      %reduce_sum3A_221 = tpu.scan <sum>, %select_n3A_218 masked %reduce_sum3A_220 : vector<16xi32>, vector<16xi1> -> vector<16xi32>
      %reduce_sum3A_222 = vector.extract %reduce_sum3A_221[15] : i32 from vector<16xi32>
      %dma_start3A_223 = arith.constant 0 : i32
      %dma_start3A_224 = tpu.memref_slice %arg6[%add3A_212, %dma_start3A_223] : memref<128x500xf32, #tpu.memory_space<vmem>> -> memref<1x500xf32, #tpu.memory_space<vmem>>
      %dma_start3A_225 = arith.constant 0 : i32
      %dma_start3A_226 = tpu.memref_slice %arg3[%reduce_sum3A_222, %dma_start3A_225] : memref<100000x500xf32, #tpu.memory_space<hbm>> -> memref<1x500xf32, #tpu.memory_space<hbm>>
      %dma_start3A_227 = arith.constant 0 : i32
      %dma_start3A_228 = tpu.memref_slice %arg6[%add3A_212, %dma_start3A_227] : memref<128x500xf32, #tpu.memory_space<vmem>> -> memref<1x500xf32, #tpu.memory_space<vmem>>
      %dma_start3A_229 = arith.constant 0 : i32
      %dma_start3A_230 = tpu.memref_slice %arg3[%reduce_sum3A_222, %dma_start3A_229] : memref<100000x500xf32, #tpu.memory_space<hbm>> -> memref<1x500xf32, #tpu.memory_space<hbm>>
      tpu.enqueue_dma source(%dma_start3A_230 : memref<1x500xf32, #tpu.memory_space<hbm>>) target(%dma_start3A_228 : memref<1x500xf32, #tpu.memory_space<vmem>>) target_semaphore(%arg7 : memref<!tpu.dma_semaphore, #tpu.memory_space<semaphore_mem>>)
      %mul3A_231 = arith.constant 16 : i32
      %mul3A_232 = arith.muli %scan3A_13, %mul3A_231 : i32
      %add3A_233 = arith.constant 10 : i32
      %add3A_234 = arith.addi %mul3A_232, %add3A_233 : i32
      %eq3A_235 = arith.constant 10 : i32
      %eq3A_236 = vector.broadcast %eq3A_235 : i32 to vector<16xi32>
      %eq3A_237 = arith.cmpi eq, %iota3A, %eq3A_236 : vector<16xi32>
      %jit3A_238 = arith.constant 0 : i32
      %broadcast_in_dim3A_239 = vector.broadcast %jit3A_238 : i32 to vector<16xi32>
      %select_n3A_240 = arith.select %eq3A_237, %get3A_16, %broadcast_in_dim3A_239 : vector<16xi1>, vector<16xi32>
      %reduce_sum3A_241 = arith.constant true
      %reduce_sum3A_242 = vector.broadcast %reduce_sum3A_241 : i1 to vector<16xi1>
      %reduce_sum3A_243 = tpu.scan <sum>, %select_n3A_240 masked %reduce_sum3A_242 : vector<16xi32>, vector<16xi1> -> vector<16xi32>
      %reduce_sum3A_244 = vector.extract %reduce_sum3A_243[15] : i32 from vector<16xi32>
      %dma_start3A_245 = arith.constant 0 : i32
      %dma_start3A_246 = tpu.memref_slice %arg6[%add3A_234, %dma_start3A_245] : memref<128x500xf32, #tpu.memory_space<vmem>> -> memref<1x500xf32, #tpu.memory_space<vmem>>
      %dma_start3A_247 = arith.constant 0 : i32
      %dma_start3A_248 = tpu.memref_slice %arg3[%reduce_sum3A_244, %dma_start3A_247] : memref<100000x500xf32, #tpu.memory_space<hbm>> -> memref<1x500xf32, #tpu.memory_space<hbm>>
      %dma_start3A_249 = arith.constant 0 : i32
      %dma_start3A_250 = tpu.memref_slice %arg6[%add3A_234, %dma_start3A_249] : memref<128x500xf32, #tpu.memory_space<vmem>> -> memref<1x500xf32, #tpu.memory_space<vmem>>
      %dma_start3A_251 = arith.constant 0 : i32
      %dma_start3A_252 = tpu.memref_slice %arg3[%reduce_sum3A_244, %dma_start3A_251] : memref<100000x500xf32, #tpu.memory_space<hbm>> -> memref<1x500xf32, #tpu.memory_space<hbm>>
      tpu.enqueue_dma source(%dma_start3A_252 : memref<1x500xf32, #tpu.memory_space<hbm>>) target(%dma_start3A_250 : memref<1x500xf32, #tpu.memory_space<vmem>>) target_semaphore(%arg7 : memref<!tpu.dma_semaphore, #tpu.memory_space<semaphore_mem>>)
      %mul3A_253 = arith.constant 16 : i32
      %mul3A_254 = arith.muli %scan3A_13, %mul3A_253 : i32
      %add3A_255 = arith.constant 11 : i32
      %add3A_256 = arith.addi %mul3A_254, %add3A_255 : i32
      %eq3A_257 = arith.constant 11 : i32
      %eq3A_258 = vector.broadcast %eq3A_257 : i32 to vector<16xi32>
      %eq3A_259 = arith.cmpi eq, %iota3A, %eq3A_258 : vector<16xi32>
      %jit3A_260 = arith.constant 0 : i32
      %broadcast_in_dim3A_261 = vector.broadcast %jit3A_260 : i32 to vector<16xi32>
      %select_n3A_262 = arith.select %eq3A_259, %get3A_16, %broadcast_in_dim3A_261 : vector<16xi1>, vector<16xi32>
      %reduce_sum3A_263 = arith.constant true
      %reduce_sum3A_264 = vector.broadcast %reduce_sum3A_263 : i1 to vector<16xi1>
      %reduce_sum3A_265 = tpu.scan <sum>, %select_n3A_262 masked %reduce_sum3A_264 : vector<16xi32>, vector<16xi1> -> vector<16xi32>
      %reduce_sum3A_266 = vector.extract %reduce_sum3A_265[15] : i32 from vector<16xi32>
      %dma_start3A_267 = arith.constant 0 : i32
      %dma_start3A_268 = tpu.memref_slice %arg6[%add3A_256, %dma_start3A_267] : memref<128x500xf32, #tpu.memory_space<vmem>> -> memref<1x500xf32, #tpu.memory_space<vmem>>
      %dma_start3A_269 = arith.constant 0 : i32
      %dma_start3A_270 = tpu.memref_slice %arg3[%reduce_sum3A_266, %dma_start3A_269] : memref<100000x500xf32, #tpu.memory_space<hbm>> -> memref<1x500xf32, #tpu.memory_space<hbm>>
      %dma_start3A_271 = arith.constant 0 : i32
      %dma_start3A_272 = tpu.memref_slice %arg6[%add3A_256, %dma_start3A_271] : memref<128x500xf32, #tpu.memory_space<vmem>> -> memref<1x500xf32, #tpu.memory_space<vmem>>
      %dma_start3A_273 = arith.constant 0 : i32
      %dma_start3A_274 = tpu.memref_slice %arg3[%reduce_sum3A_266, %dma_start3A_273] : memref<100000x500xf32, #tpu.memory_space<hbm>> -> memref<1x500xf32, #tpu.memory_space<hbm>>
      tpu.enqueue_dma source(%dma_start3A_274 : memref<1x500xf32, #tpu.memory_space<hbm>>) target(%dma_start3A_272 : memref<1x500xf32, #tpu.memory_space<vmem>>) target_semaphore(%arg7 : memref<!tpu.dma_semaphore, #tpu.memory_space<semaphore_mem>>)
      %mul3A_275 = arith.constant 16 : i32
      %mul3A_276 = arith.muli %scan3A_13, %mul3A_275 : i32
      %add3A_277 = arith.constant 12 : i32
      %add3A_278 = arith.addi %mul3A_276, %add3A_277 : i32
      %eq3A_279 = arith.constant 12 : i32
      %eq3A_280 = vector.broadcast %eq3A_279 : i32 to vector<16xi32>
      %eq3A_281 = arith.cmpi eq, %iota3A, %eq3A_280 : vector<16xi32>
      %jit3A_282 = arith.constant 0 : i32
      %broadcast_in_dim3A_283 = vector.broadcast %jit3A_282 : i32 to vector<16xi32>
      %select_n3A_284 = arith.select %eq3A_281, %get3A_16, %broadcast_in_dim3A_283 : vector<16xi1>, vector<16xi32>
      %reduce_sum3A_285 = arith.constant true
      %reduce_sum3A_286 = vector.broadcast %reduce_sum3A_285 : i1 to vector<16xi1>
      %reduce_sum3A_287 = tpu.scan <sum>, %select_n3A_284 masked %reduce_sum3A_286 : vector<16xi32>, vector<16xi1> -> vector<16xi32>
      %reduce_sum3A_288 = vector.extract %reduce_sum3A_287[15] : i32 from vector<16xi32>
      %dma_start3A_289 = arith.constant 0 : i32
      %dma_start3A_290 = tpu.memref_slice %arg6[%add3A_278, %dma_start3A_289] : memref<128x500xf32, #tpu.memory_space<vmem>> -> memref<1x500xf32, #tpu.memory_space<vmem>>
      %dma_start3A_291 = arith.constant 0 : i32
      %dma_start3A_292 = tpu.memref_slice %arg3[%reduce_sum3A_288, %dma_start3A_291] : memref<100000x500xf32, #tpu.memory_space<hbm>> -> memref<1x500xf32, #tpu.memory_space<hbm>>
      %dma_start3A_293 = arith.constant 0 : i32
      %dma_start3A_294 = tpu.memref_slice %arg6[%add3A_278, %dma_start3A_293] : memref<128x500xf32, #tpu.memory_space<vmem>> -> memref<1x500xf32, #tpu.memory_space<vmem>>
      %dma_start3A_295 = arith.constant 0 : i32
      %dma_start3A_296 = tpu.memref_slice %arg3[%reduce_sum3A_288, %dma_start3A_295] : memref<100000x500xf32, #tpu.memory_space<hbm>> -> memref<1x500xf32, #tpu.memory_space<hbm>>
      tpu.enqueue_dma source(%dma_start3A_296 : memref<1x500xf32, #tpu.memory_space<hbm>>) target(%dma_start3A_294 : memref<1x500xf32, #tpu.memory_space<vmem>>) target_semaphore(%arg7 : memref<!tpu.dma_semaphore, #tpu.memory_space<semaphore_mem>>)
      %mul3A_297 = arith.constant 16 : i32
      %mul3A_298 = arith.muli %scan3A_13, %mul3A_297 : i32
      %add3A_299 = arith.constant 13 : i32
      %add3A_300 = arith.addi %mul3A_298, %add3A_299 : i32
      %eq3A_301 = arith.constant 13 : i32
      %eq3A_302 = vector.broadcast %eq3A_301 : i32 to vector<16xi32>
      %eq3A_303 = arith.cmpi eq, %iota3A, %eq3A_302 : vector<16xi32>
      %jit3A_304 = arith.constant 0 : i32
      %broadcast_in_dim3A_305 = vector.broadcast %jit3A_304 : i32 to vector<16xi32>
      %select_n3A_306 = arith.select %eq3A_303, %get3A_16, %broadcast_in_dim3A_305 : vector<16xi1>, vector<16xi32>
      %reduce_sum3A_307 = arith.constant true
      %reduce_sum3A_308 = vector.broadcast %reduce_sum3A_307 : i1 to vector<16xi1>
      %reduce_sum3A_309 = tpu.scan <sum>, %select_n3A_306 masked %reduce_sum3A_308 : vector<16xi32>, vector<16xi1> -> vector<16xi32>
      %reduce_sum3A_310 = vector.extract %reduce_sum3A_309[15] : i32 from vector<16xi32>
      %dma_start3A_311 = arith.constant 0 : i32
      %dma_start3A_312 = tpu.memref_slice %arg6[%add3A_300, %dma_start3A_311] : memref<128x500xf32, #tpu.memory_space<vmem>> -> memref<1x500xf32, #tpu.memory_space<vmem>>
      %dma_start3A_313 = arith.constant 0 : i32
      %dma_start3A_314 = tpu.memref_slice %arg3[%reduce_sum3A_310, %dma_start3A_313] : memref<100000x500xf32, #tpu.memory_space<hbm>> -> memref<1x500xf32, #tpu.memory_space<hbm>>
      %dma_start3A_315 = arith.constant 0 : i32
      %dma_start3A_316 = tpu.memref_slice %arg6[%add3A_300, %dma_start3A_315] : memref<128x500xf32, #tpu.memory_space<vmem>> -> memref<1x500xf32, #tpu.memory_space<vmem>>
      %dma_start3A_317 = arith.constant 0 : i32
      %dma_start3A_318 = tpu.memref_slice %arg3[%reduce_sum3A_310, %dma_start3A_317] : memref<100000x500xf32, #tpu.memory_space<hbm>> -> memref<1x500xf32, #tpu.memory_space<hbm>>
      tpu.enqueue_dma source(%dma_start3A_318 : memref<1x500xf32, #tpu.memory_space<hbm>>) target(%dma_start3A_316 : memref<1x500xf32, #tpu.memory_space<vmem>>) target_semaphore(%arg7 : memref<!tpu.dma_semaphore, #tpu.memory_space<semaphore_mem>>)
      %mul3A_319 = arith.constant 16 : i32
      %mul3A_320 = arith.muli %scan3A_13, %mul3A_319 : i32
      %add3A_321 = arith.constant 14 : i32
      %add3A_322 = arith.addi %mul3A_320, %add3A_321 : i32
      %eq3A_323 = arith.constant 14 : i32
      %eq3A_324 = vector.broadcast %eq3A_323 : i32 to vector<16xi32>
      %eq3A_325 = arith.cmpi eq, %iota3A, %eq3A_324 : vector<16xi32>
      %jit3A_326 = arith.constant 0 : i32
      %broadcast_in_dim3A_327 = vector.broadcast %jit3A_326 : i32 to vector<16xi32>
      %select_n3A_328 = arith.select %eq3A_325, %get3A_16, %broadcast_in_dim3A_327 : vector<16xi1>, vector<16xi32>
      %reduce_sum3A_329 = arith.constant true
      %reduce_sum3A_330 = vector.broadcast %reduce_sum3A_329 : i1 to vector<16xi1>
      %reduce_sum3A_331 = tpu.scan <sum>, %select_n3A_328 masked %reduce_sum3A_330 : vector<16xi32>, vector<16xi1> -> vector<16xi32>
      %reduce_sum3A_332 = vector.extract %reduce_sum3A_331[15] : i32 from vector<16xi32>
      %dma_start3A_333 = arith.constant 0 : i32
      %dma_start3A_334 = tpu.memref_slice %arg6[%add3A_322, %dma_start3A_333] : memref<128x500xf32, #tpu.memory_space<vmem>> -> memref<1x500xf32, #tpu.memory_space<vmem>>
      %dma_start3A_335 = arith.constant 0 : i32
      %dma_start3A_336 = tpu.memref_slice %arg3[%reduce_sum3A_332, %dma_start3A_335] : memref<100000x500xf32, #tpu.memory_space<hbm>> -> memref<1x500xf32, #tpu.memory_space<hbm>>
      %dma_start3A_337 = arith.constant 0 : i32
      %dma_start3A_338 = tpu.memref_slice %arg6[%add3A_322, %dma_start3A_337] : memref<128x500xf32, #tpu.memory_space<vmem>> -> memref<1x500xf32, #tpu.memory_space<vmem>>
      %dma_start3A_339 = arith.constant 0 : i32
      %dma_start3A_340 = tpu.memref_slice %arg3[%reduce_sum3A_332, %dma_start3A_339] : memref<100000x500xf32, #tpu.memory_space<hbm>> -> memref<1x500xf32, #tpu.memory_space<hbm>>
      tpu.enqueue_dma source(%dma_start3A_340 : memref<1x500xf32, #tpu.memory_space<hbm>>) target(%dma_start3A_338 : memref<1x500xf32, #tpu.memory_space<vmem>>) target_semaphore(%arg7 : memref<!tpu.dma_semaphore, #tpu.memory_space<semaphore_mem>>)
      %mul3A_341 = arith.constant 16 : i32
      %mul3A_342 = arith.muli %scan3A_13, %mul3A_341 : i32
      %add3A_343 = arith.constant 15 : i32
      %add3A_344 = arith.addi %mul3A_342, %add3A_343 : i32
      %eq3A_345 = arith.constant 15 : i32
      %eq3A_346 = vector.broadcast %eq3A_345 : i32 to vector<16xi32>
      %eq3A_347 = arith.cmpi eq, %iota3A, %eq3A_346 : vector<16xi32>
      %jit3A_348 = arith.constant 0 : i32
      %broadcast_in_dim3A_349 = vector.broadcast %jit3A_348 : i32 to vector<16xi32>
      %select_n3A_350 = arith.select %eq3A_347, %get3A_16, %broadcast_in_dim3A_349 : vector<16xi1>, vector<16xi32>
      %reduce_sum3A_351 = arith.constant true
      %reduce_sum3A_352 = vector.broadcast %reduce_sum3A_351 : i1 to vector<16xi1>
      %reduce_sum3A_353 = tpu.scan <sum>, %select_n3A_350 masked %reduce_sum3A_352 : vector<16xi32>, vector<16xi1> -> vector<16xi32>
      %reduce_sum3A_354 = vector.extract %reduce_sum3A_353[15] : i32 from vector<16xi32>
      %dma_start3A_355 = arith.constant 0 : i32
      %dma_start3A_356 = tpu.memref_slice %arg6[%add3A_344, %dma_start3A_355] : memref<128x500xf32, #tpu.memory_space<vmem>> -> memref<1x500xf32, #tpu.memory_space<vmem>>
      %dma_start3A_357 = arith.constant 0 : i32
      %dma_start3A_358 = tpu.memref_slice %arg3[%reduce_sum3A_354, %dma_start3A_357] : memref<100000x500xf32, #tpu.memory_space<hbm>> -> memref<1x500xf32, #tpu.memory_space<hbm>>
      %dma_start3A_359 = arith.constant 0 : i32
      %dma_start3A_360 = tpu.memref_slice %arg6[%add3A_344, %dma_start3A_359] : memref<128x500xf32, #tpu.memory_space<vmem>> -> memref<1x500xf32, #tpu.memory_space<vmem>>
      %dma_start3A_361 = arith.constant 0 : i32
      %dma_start3A_362 = tpu.memref_slice %arg3[%reduce_sum3A_354, %dma_start3A_361] : memref<100000x500xf32, #tpu.memory_space<hbm>> -> memref<1x500xf32, #tpu.memory_space<hbm>>
      tpu.enqueue_dma source(%dma_start3A_362 : memref<1x500xf32, #tpu.memory_space<hbm>>) target(%dma_start3A_360 : memref<1x500xf32, #tpu.memory_space<vmem>>) target_semaphore(%arg7 : memref<!tpu.dma_semaphore, #tpu.memory_space<semaphore_mem>>)
    }
    %scan3A_7 = arith.constant 8 : i32
    %dma_wait3A = arith.constant 0 : i32
    %dma_wait3A_8 = arith.constant 0 : i32
    %dma_wait3A_9 = tpu.memref_slice %arg3[%dma_wait3A, %dma_wait3A_8] : memref<100000x500xf32, #tpu.memory_space<hbm>> -> memref<128x500xf32, #tpu.memory_space<hbm>>
    %dma_wait3A_10 = arith.constant 0 : i32
    %dma_wait3A_11 = arith.constant 0 : i32
    %dma_wait3A_12 = tpu.memref_slice %arg3[%dma_wait3A_10, %dma_wait3A_11] : memref<100000x500xf32, #tpu.memory_space<hbm>> -> memref<128x500xf32, #tpu.memory_space<hbm>>
    tpu.wait_dma2 semaphore(%arg7 : memref<!tpu.dma_semaphore, #tpu.memory_space<semaphore_mem>>) src(%dma_wait3A_12 : memref<128x500xf32, #tpu.memory_space<hbm>>) dst(%arg6 : memref<128x500xf32, #tpu.memory_space<vmem>>)
    "tpu.region"() ({
      %run_scoped3A = tpu.sem_alloc : memref<!tpu.dma_semaphore, #tpu.memory_space<semaphore_mem>>
      %dma_start3A = arith.constant 0 : i32
      %dma_start3A_13 = tpu.memref_slice %arg4[%mul3A_2, %dma_start3A] : memref<4096x500xf32, #tpu.memory_space<hbm>> -> memref<128x500xf32, #tpu.memory_space<hbm>>
      %dma_start3A_14 = arith.constant 0 : i32
      %dma_start3A_15 = tpu.memref_slice %arg4[%mul3A_2, %dma_start3A_14] : memref<4096x500xf32, #tpu.memory_space<hbm>> -> memref<128x500xf32, #tpu.memory_space<hbm>>
      tpu.enqueue_dma source(%arg6 : memref<128x500xf32, #tpu.memory_space<vmem>>) target(%dma_start3A_15 : memref<128x500xf32, #tpu.memory_space<hbm>>) target_semaphore(%run_scoped3A : memref<!tpu.dma_semaphore, #tpu.memory_space<semaphore_mem>>)
      %dma_wait3A_16 = arith.constant 0 : i32
      %dma_wait3A_17 = tpu.memref_slice %arg4[%mul3A_2, %dma_wait3A_16] : memref<4096x500xf32, #tpu.memory_space<hbm>> -> memref<128x500xf32, #tpu.memory_space<hbm>>
      %dma_wait3A_18 = arith.constant 0 : i32
      %dma_wait3A_19 = tpu.memref_slice %arg4[%mul3A_2, %dma_wait3A_18] : memref<4096x500xf32, #tpu.memory_space<hbm>> -> memref<128x500xf32, #tpu.memory_space<hbm>>
      tpu.wait_dma2 semaphore(%run_scoped3A : memref<!tpu.dma_semaphore, #tpu.memory_space<semaphore_mem>>) src(%arg6 : memref<128x500xf32, #tpu.memory_space<vmem>>) dst(%dma_wait3A_19 : memref<128x500xf32, #tpu.memory_space<hbm>>)
      tpu.yield
    }) : () -> ()
    return
  }
}

#map = affine_map<(d0, d1) -> (0)>
module attributes {stable_mosaic.version = 14 : i64} {
  func.func @body(%arg0: i32, %arg1: i32, %arg2: memref<100000xf32, #tpu.memory_space<hbm>>, %arg3: memref<4096xi32, #tpu.memory_space<hbm>>, %arg4: memref<4096xi32, #tpu.memory_space<hbm>>, %arg5: memref<4096xf32, #tpu.memory_space<hbm>>, %arg6: memref<100000xf32, #tpu.memory_space<hbm>>, %arg7: memref<3128xf32, #tpu.memory_space<vmem>>, %arg8: memref<4096xi32, #tpu.memory_space<vmem>>, %arg9: memref<4096xi32, #tpu.memory_space<vmem>>, %arg10: memref<4096xf32, #tpu.memory_space<vmem>>) attributes {dimension_semantics = [#tpu.dimension_semantics<core_parallel>, #tpu.dimension_semantics<subcore_parallel>], iteration_bounds = array<i64: 2, 16>, scalar_prefetch = 0 : i64, scratch_operands = 4 : i64, tpu.core_type = #tpu.core_type<sc_vector_subcore>, window_params = [{transform_indices = #map}, {transform_indices = #map}, {transform_indices = #map}, {transform_indices = #map}, {transform_indices = #map}]} {
    %mul3A = arith.constant 2 : i32
    %mul3A_0 = arith.muli %arg1, %mul3A : i32
    %add3A = arith.addi %mul3A_0, %arg0 : i32
    %mul3A_1 = arith.constant 3128 : i32
    %mul3A_2 = arith.muli %add3A, %mul3A_1 : i32
    %eq3A = arith.constant 31 : i32
    %eq3A_3 = arith.cmpi eq, %add3A, %eq3A : i32
    %jit3A = arith.constant 3032 : i32
    %jit3A_4 = arith.constant 3128 : i32
    %select_n3A = arith.select %eq3A_3, %jit3A, %jit3A_4 : i32
    %lt3A = arith.constant 31 : i32
    %lt3A_5 = arith.cmpi slt, %add3A, %lt3A : i32
    %convert_element_type3A = arith.extui %lt3A_5 : i1 to i32
    %cond3A = arith.constant 0 : i32
    %cond3A_6 = arith.cmpi ne, %convert_element_type3A, %cond3A : i32
    scf.if %cond3A_6 {
      "tpu.region"() ({
        %run_scoped3A = tpu.sem_alloc : memref<!tpu.dma_semaphore, #tpu.memory_space<semaphore_mem>>
        %dma_start3A = tpu.memref_slice %arg2[%mul3A_2] : memref<100000xf32, #tpu.memory_space<hbm>> -> memref<3128xf32, #tpu.memory_space<hbm>>
        %dma_start3A_27 = tpu.memref_slice %arg2[%mul3A_2] : memref<100000xf32, #tpu.memory_space<hbm>> -> memref<3128xf32, #tpu.memory_space<hbm>>
        tpu.enqueue_dma source(%dma_start3A_27 : memref<3128xf32, #tpu.memory_space<hbm>>) target(%arg7 : memref<3128xf32, #tpu.memory_space<vmem>>) target_semaphore(%run_scoped3A : memref<!tpu.dma_semaphore, #tpu.memory_space<semaphore_mem>>)
        %dma_wait3A = tpu.memref_slice %arg2[%mul3A_2] : memref<100000xf32, #tpu.memory_space<hbm>> -> memref<3128xf32, #tpu.memory_space<hbm>>
        %dma_wait3A_28 = tpu.memref_slice %arg2[%mul3A_2] : memref<100000xf32, #tpu.memory_space<hbm>> -> memref<3128xf32, #tpu.memory_space<hbm>>
        tpu.wait_dma2 semaphore(%run_scoped3A : memref<!tpu.dma_semaphore, #tpu.memory_space<semaphore_mem>>) src(%dma_wait3A_28 : memref<3128xf32, #tpu.memory_space<hbm>>) dst(%arg7 : memref<3128xf32, #tpu.memory_space<vmem>>)
        tpu.yield
      }) : () -> ()
    } else {
    }
    %eq3A_7 = arith.constant 31 : i32
    %eq3A_8 = arith.cmpi eq, %add3A, %eq3A_7 : i32
    %convert_element_type3A_9 = arith.extui %eq3A_8 : i1 to i32
    %cond3A_10 = arith.constant 0 : i32
    %cond3A_11 = arith.cmpi ne, %convert_element_type3A_9, %cond3A_10 : i32
    scf.if %cond3A_11 {
      "tpu.region"() ({
        %run_scoped3A = tpu.sem_alloc : memref<!tpu.dma_semaphore, #tpu.memory_space<semaphore_mem>>
        %dma_start3A = arith.constant 0 : i32
        %dma_start3A_27 = tpu.memref_slice %arg7[%dma_start3A] : memref<3128xf32, #tpu.memory_space<vmem>> -> memref<3032xf32, #tpu.memory_space<vmem>>
        %dma_start3A_28 = arith.constant 96968 : i32
        %dma_start3A_29 = tpu.memref_slice %arg2[%dma_start3A_28] : memref<100000xf32, #tpu.memory_space<hbm>> -> memref<3032xf32, #tpu.memory_space<hbm>>
        %dma_start3A_30 = arith.constant 0 : i32
        %dma_start3A_31 = tpu.memref_slice %arg7[%dma_start3A_30] : memref<3128xf32, #tpu.memory_space<vmem>> -> memref<3032xf32, #tpu.memory_space<vmem>>
        %dma_start3A_32 = arith.constant 96968 : i32
        %dma_start3A_33 = tpu.memref_slice %arg2[%dma_start3A_32] : memref<100000xf32, #tpu.memory_space<hbm>> -> memref<3032xf32, #tpu.memory_space<hbm>>
        tpu.enqueue_dma source(%dma_start3A_33 : memref<3032xf32, #tpu.memory_space<hbm>>) target(%dma_start3A_31 : memref<3032xf32, #tpu.memory_space<vmem>>) target_semaphore(%run_scoped3A : memref<!tpu.dma_semaphore, #tpu.memory_space<semaphore_mem>>)
        %dma_wait3A = arith.constant 0 : i32
        %dma_wait3A_34 = tpu.memref_slice %arg7[%dma_wait3A] : memref<3128xf32, #tpu.memory_space<vmem>> -> memref<3032xf32, #tpu.memory_space<vmem>>
        %dma_wait3A_35 = arith.constant 96968 : i32
        %dma_wait3A_36 = tpu.memref_slice %arg2[%dma_wait3A_35] : memref<100000xf32, #tpu.memory_space<hbm>> -> memref<3032xf32, #tpu.memory_space<hbm>>
        %dma_wait3A_37 = arith.constant 0 : i32
        %dma_wait3A_38 = tpu.memref_slice %arg7[%dma_wait3A_37] : memref<3128xf32, #tpu.memory_space<vmem>> -> memref<3032xf32, #tpu.memory_space<vmem>>
        %dma_wait3A_39 = arith.constant 96968 : i32
        %dma_wait3A_40 = tpu.memref_slice %arg2[%dma_wait3A_39] : memref<100000xf32, #tpu.memory_space<hbm>> -> memref<3032xf32, #tpu.memory_space<hbm>>
        tpu.wait_dma2 semaphore(%run_scoped3A : memref<!tpu.dma_semaphore, #tpu.memory_space<semaphore_mem>>) src(%dma_wait3A_40 : memref<3032xf32, #tpu.memory_space<hbm>>) dst(%dma_wait3A_38 : memref<3032xf32, #tpu.memory_space<vmem>>)
        tpu.yield
      }) : () -> ()
    } else {
    }
    "tpu.region"() ({
      %run_scoped3A = tpu.sem_alloc : memref<!tpu.dma_semaphore, #tpu.memory_space<semaphore_mem>>
      tpu.enqueue_dma source(%arg3 : memref<4096xi32, #tpu.memory_space<hbm>>) target(%arg8 : memref<4096xi32, #tpu.memory_space<vmem>>) target_semaphore(%run_scoped3A : memref<!tpu.dma_semaphore, #tpu.memory_space<semaphore_mem>>)
      tpu.wait_dma2 semaphore(%run_scoped3A : memref<!tpu.dma_semaphore, #tpu.memory_space<semaphore_mem>>) src(%arg3 : memref<4096xi32, #tpu.memory_space<hbm>>) dst(%arg8 : memref<4096xi32, #tpu.memory_space<vmem>>)
      tpu.yield
    }) : () -> ()
    "tpu.region"() ({
      %run_scoped3A = tpu.sem_alloc : memref<!tpu.dma_semaphore, #tpu.memory_space<semaphore_mem>>
      tpu.enqueue_dma source(%arg4 : memref<4096xi32, #tpu.memory_space<hbm>>) target(%arg9 : memref<4096xi32, #tpu.memory_space<vmem>>) target_semaphore(%run_scoped3A : memref<!tpu.dma_semaphore, #tpu.memory_space<semaphore_mem>>)
      tpu.wait_dma2 semaphore(%run_scoped3A : memref<!tpu.dma_semaphore, #tpu.memory_space<semaphore_mem>>) src(%arg4 : memref<4096xi32, #tpu.memory_space<hbm>>) dst(%arg9 : memref<4096xi32, #tpu.memory_space<vmem>>)
      tpu.yield
    }) : () -> ()
    "tpu.region"() ({
      %run_scoped3A = tpu.sem_alloc : memref<!tpu.dma_semaphore, #tpu.memory_space<semaphore_mem>>
      tpu.enqueue_dma source(%arg5 : memref<4096xf32, #tpu.memory_space<hbm>>) target(%arg10 : memref<4096xf32, #tpu.memory_space<vmem>>) target_semaphore(%run_scoped3A : memref<!tpu.dma_semaphore, #tpu.memory_space<semaphore_mem>>)
      tpu.wait_dma2 semaphore(%run_scoped3A : memref<!tpu.dma_semaphore, #tpu.memory_space<semaphore_mem>>) src(%arg5 : memref<4096xf32, #tpu.memory_space<hbm>>) dst(%arg10 : memref<4096xf32, #tpu.memory_space<vmem>>)
      tpu.yield
    }) : () -> ()
    %scan3A = arith.constant 0 : i32
    %scan3A_12 = arith.constant 0 : i32
    %scan3A_13 = arith.constant 256 : i32
    %scan3A_14 = arith.addi %scan3A_12, %scan3A_13 : i32
    %scan3A_15 = arith.constant 1 : i32
    scf.for %scan3A_27 = %scan3A_12 to %scan3A_14 step %scan3A_15  : i32 {
      %mul3A_28 = arith.constant 16 : i32
      %mul3A_29 = arith.muli %scan3A_27, %mul3A_28 : i32
      %get3A = arith.index_cast %mul3A_29 : i32 to index
      %get3A_30 = tpu.vector_load %arg8[%get3A] {strides = array<i32>} : memref<4096xi32, #tpu.memory_space<vmem>>, vector<16xi32>,
      %mul3A_31 = arith.constant 16 : i32
      %mul3A_32 = arith.muli %scan3A_27, %mul3A_31 : i32
      %get3A_33 = arith.index_cast %mul3A_32 : i32 to index
      %get3A_34 = tpu.vector_load %arg9[%get3A_33] {strides = array<i32>} : memref<4096xi32, #tpu.memory_space<vmem>>, vector<16xi32>,
      %gather3A = tpu.vector_load_idx %arg10[%get3A_34] : memref<4096xf32, #tpu.memory_space<vmem>>[vector<16xi32>], vector<16xf32>,
      %ge3A = vector.broadcast %mul3A_2 : i32 to vector<16xi32>
      %ge3A_35 = arith.cmpi sge, %get3A_30, %ge3A : vector<16xi32>
      %add3A_36 = arith.addi %mul3A_2, %select_n3A : i32
      %lt3A_37 = vector.broadcast %add3A_36 : i32 to vector<16xi32>
      %lt3A_38 = arith.cmpi slt, %get3A_30, %lt3A_37 : vector<16xi32>
      %and3A = arith.andi %ge3A_35, %lt3A_38 : vector<16xi1>
      %sub3A = vector.broadcast %mul3A_2 : i32 to vector<16xi32>
      %sub3A_39 = arith.subi %get3A_30, %sub3A : vector<16xi32>
      tpu.vector_store_idx %arg7[%sub3A_39], %gather3A masked %and3A : memref<3128xf32, #tpu.memory_space<vmem>>[vector<16xi32>], vector<16xf32>, vector<16xi1>
    }
    %scan3A_16 = arith.constant 256 : i32
    %lt3A_17 = arith.constant 31 : i32
    %lt3A_18 = arith.cmpi slt, %add3A, %lt3A_17 : i32
    %convert_element_type3A_19 = arith.extui %lt3A_18 : i1 to i32
    %cond3A_20 = arith.constant 0 : i32
    %cond3A_21 = arith.cmpi ne, %convert_element_type3A_19, %cond3A_20 : i32
    scf.if %cond3A_21 {
      "tpu.region"() ({
        %run_scoped3A = tpu.sem_alloc : memref<!tpu.dma_semaphore, #tpu.memory_space<semaphore_mem>>
        %dma_start3A = tpu.memref_slice %arg6[%mul3A_2] : memref<100000xf32, #tpu.memory_space<hbm>> -> memref<3128xf32, #tpu.memory_space<hbm>>
        %dma_start3A_27 = tpu.memref_slice %arg6[%mul3A_2] : memref<100000xf32, #tpu.memory_space<hbm>> -> memref<3128xf32, #tpu.memory_space<hbm>>
        tpu.enqueue_dma source(%arg7 : memref<3128xf32, #tpu.memory_space<vmem>>) target(%dma_start3A_27 : memref<3128xf32, #tpu.memory_space<hbm>>) target_semaphore(%run_scoped3A : memref<!tpu.dma_semaphore, #tpu.memory_space<semaphore_mem>>)
        %dma_wait3A = tpu.memref_slice %arg6[%mul3A_2] : memref<100000xf32, #tpu.memory_space<hbm>> -> memref<3128xf32, #tpu.memory_space<hbm>>
        %dma_wait3A_28 = tpu.memref_slice %arg6[%mul3A_2] : memref<100000xf32, #tpu.memory_space<hbm>> -> memref<3128xf32, #tpu.memory_space<hbm>>
        tpu.wait_dma2 semaphore(%run_scoped3A : memref<!tpu.dma_semaphore, #tpu.memory_space<semaphore_mem>>) src(%arg7 : memref<3128xf32, #tpu.memory_space<vmem>>) dst(%dma_wait3A_28 : memref<3128xf32, #tpu.memory_space<hbm>>)
        tpu.yield
      }) : () -> ()
    } else {
    }
    %eq3A_22 = arith.constant 31 : i32
    %eq3A_23 = arith.cmpi eq, %add3A, %eq3A_22 : i32
    %convert_element_type3A_24 = arith.extui %eq3A_23 : i1 to i32
    %cond3A_25 = arith.constant 0 : i32
    %cond3A_26 = arith.cmpi ne, %convert_element_type3A_24, %cond3A_25 : i32
    scf.if %cond3A_26 {
      "tpu.region"() ({
        %run_scoped3A = tpu.sem_alloc : memref<!tpu.dma_semaphore, #tpu.memory_space<semaphore_mem>>
        %dma_start3A = arith.constant 0 : i32
        %dma_start3A_27 = tpu.memref_slice %arg7[%dma_start3A] : memref<3128xf32, #tpu.memory_space<vmem>> -> memref<3032xf32, #tpu.memory_space<vmem>>
        %dma_start3A_28 = arith.constant 96968 : i32
        %dma_start3A_29 = tpu.memref_slice %arg6[%dma_start3A_28] : memref<100000xf32, #tpu.memory_space<hbm>> -> memref<3032xf32, #tpu.memory_space<hbm>>
        %dma_start3A_30 = arith.constant 96968 : i32
        %dma_start3A_31 = tpu.memref_slice %arg6[%dma_start3A_30] : memref<100000xf32, #tpu.memory_space<hbm>> -> memref<3032xf32, #tpu.memory_space<hbm>>
        %dma_start3A_32 = arith.constant 0 : i32
        %dma_start3A_33 = tpu.memref_slice %arg7[%dma_start3A_32] : memref<3128xf32, #tpu.memory_space<vmem>> -> memref<3032xf32, #tpu.memory_space<vmem>>
        tpu.enqueue_dma source(%dma_start3A_33 : memref<3032xf32, #tpu.memory_space<vmem>>) target(%dma_start3A_31 : memref<3032xf32, #tpu.memory_space<hbm>>) target_semaphore(%run_scoped3A : memref<!tpu.dma_semaphore, #tpu.memory_space<semaphore_mem>>)
        %dma_wait3A = arith.constant 0 : i32
        %dma_wait3A_34 = tpu.memref_slice %arg7[%dma_wait3A] : memref<3128xf32, #tpu.memory_space<vmem>> -> memref<3032xf32, #tpu.memory_space<vmem>>
        %dma_wait3A_35 = arith.constant 96968 : i32
        %dma_wait3A_36 = tpu.memref_slice %arg6[%dma_wait3A_35] : memref<100000xf32, #tpu.memory_space<hbm>> -> memref<3032xf32, #tpu.memory_space<hbm>>
        %dma_wait3A_37 = arith.constant 96968 : i32
        %dma_wait3A_38 = tpu.memref_slice %arg6[%dma_wait3A_37] : memref<100000xf32, #tpu.memory_space<hbm>> -> memref<3032xf32, #tpu.memory_space<hbm>>
        %dma_wait3A_39 = arith.constant 0 : i32
        %dma_wait3A_40 = tpu.memref_slice %arg7[%dma_wait3A_39] : memref<3128xf32, #tpu.memory_space<vmem>> -> memref<3032xf32, #tpu.memory_space<vmem>>
        tpu.wait_dma2 semaphore(%run_scoped3A : memref<!tpu.dma_semaphore, #tpu.memory_space<semaphore_mem>>) src(%dma_wait3A_40 : memref<3032xf32, #tpu.memory_space<vmem>>) dst(%dma_wait3A_38 : memref<3032xf32, #tpu.memory_space<hbm>>)
        tpu.yield
      }) : () -> ()
    } else {
    }
    return
  }
}

module attributes {stable_mosaic.version = 14 : i64} {
  func.func @body(%arg0: i32, %arg1: memref<4096xi32, #tpu.memory_space<vmem>>, %arg2: memref<1272x256xf32, #tpu.memory_space<vmem>>, %arg3: memref<256x500xf32, #tpu.memory_space<vmem>>, %arg4: memref<500x1272xbf16, #tpu.memory_space<vmem>>, %arg5: memref<500x1272xbf16, #tpu.memory_space<vmem>>, %arg6: memref<500x1272xbf16, #tpu.memory_space<vmem>>, %arg7: memref<500x500xbf16, #tpu.memory_space<vmem>>, %arg8: memref<500x500xbf16, #tpu.memory_space<vmem>>, %arg9: memref<500x500xbf16, #tpu.memory_space<vmem>>, %arg10: memref<1x500xf32, #tpu.memory_space<vmem>>, %arg11: memref<1x500xf32, #tpu.memory_space<vmem>>, %arg12: memref<1x500xf32, #tpu.memory_space<vmem>>, %arg13: memref<1x500xf32, #tpu.memory_space<vmem>>, %arg14: memref<256x500xf32, #tpu.memory_space<vmem>>, %arg15: memref<256xi32, #tpu.memory_space<vmem>>) attributes {dimension_semantics = [#tpu.dimension_semantics<arbitrary>], iteration_bounds = array<i64: 16>, scalar_prefetch = 0 : i64, scratch_operands = 0 : i64, tpu.core_type = #tpu.core_type<tc>, window_params = [{pipeline_mode = #tpu.pipeline_mode<synchronous>, transform_indices = @transform_0, window_bounds = array<i64: 4096>}, {transform_indices = @transform_1, window_bounds = array<i64: 1272, 256>}, {transform_indices = @transform_2, window_bounds = array<i64: 256, 500>}, {pipeline_mode = #tpu.pipeline_mode<synchronous>, transform_indices = @transform_3, window_bounds = array<i64: 500, 1272>}, {pipeline_mode = #tpu.pipeline_mode<synchronous>, transform_indices = @transform_4, window_bounds = array<i64: 500, 1272>}, {pipeline_mode = #tpu.pipeline_mode<synchronous>, transform_indices = @transform_5, window_bounds = array<i64: 500, 1272>}, {pipeline_mode = #tpu.pipeline_mode<synchronous>, transform_indices = @transform_6, window_bounds = array<i64: 500, 500>}, {pipeline_mode = #tpu.pipeline_mode<synchronous>, transform_indices = @transform_7, window_bounds = array<i64: 500, 500>}, {pipeline_mode = #tpu.pipeline_mode<synchronous>, transform_indices = @transform_8, window_bounds = array<i64: 500, 500>}, {pipeline_mode = #tpu.pipeline_mode<synchronous>, transform_indices = @transform_9, window_bounds = array<i64: 1, 500>}, {pipeline_mode = #tpu.pipeline_mode<synchronous>, transform_indices = @transform_10, window_bounds = array<i64: 1, 500>}, {pipeline_mode = #tpu.pipeline_mode<synchronous>, transform_indices = @transform_11, window_bounds = array<i64: 1, 500>}, {pipeline_mode = #tpu.pipeline_mode<synchronous>, transform_indices = @transform_12, window_bounds = array<i64: 1, 500>}, {transform_indices = @transform_13, window_bounds = array<i64: 256, 500>}, {transform_indices = @transform_14, window_bounds = array<i64: 256>}]} {
    %get3A = arith.constant 0 : index
    %get3A_0 = arith.constant 0 : index
    %get3A_1 = vector.load %arg2[%get3A, %get3A_0] : memref<1272x256xf32, #tpu.memory_space<vmem>>, vector<1272x256xf32>
    %convert_element_type3A = arith.truncf %get3A_1 : vector<1272x256xf32> to vector<1272x256xbf16>
    %get3A_2 = arith.constant 0 : index
    %get3A_3 = arith.constant 0 : index
    %get3A_4 = vector.load %arg3[%get3A_2, %get3A_3] : memref<256x500xf32, #tpu.memory_space<vmem>>, vector<256x500xf32>
    %convert_element_type3A_5 = arith.truncf %get3A_4 : vector<256x500xf32> to vector<256x500xbf16>
    %get3A_6 = arith.constant 0 : index
    %get3A_7 = arith.constant 0 : index
    %get3A_8 = vector.load %arg4[%get3A_6, %get3A_7] : memref<500x1272xbf16, #tpu.memory_space<vmem>>, vector<500x1272xbf16>
    %dot_general3A = arith.constant dense<0.000000e+00> : vector<256x500xf32>
    %dot_general3A_9 = tpu.matmul %convert_element_type3A, %get3A_8, %dot_general3A {dimension_numbers = #tpu.dot_dimension_numbers<[0], [1], [1], [0], [0, 1, 1, 0], [], []>, transpose_lhs_hint = false} : vector<1272x256xbf16>, vector<500x1272xbf16>, vector<256x500xf32> -> vector<256x500xf32>
    %get3A_10 = arith.constant 0 : index
    %get3A_11 = arith.constant 0 : index
    %get3A_12 = vector.load %arg7[%get3A_10, %get3A_11] : memref<500x500xbf16, #tpu.memory_space<vmem>>, vector<500x500xbf16>
    %dot_general3A_13 = arith.constant dense<0.000000e+00> : vector<256x500xf32>
    %dot_general3A_14 = tpu.matmul %convert_element_type3A_5, %get3A_12, %dot_general3A_13 {dimension_numbers = #tpu.dot_dimension_numbers<[1], [1], [0], [0], [0, 0, 1, 0], [], []>, transpose_lhs_hint = false} : vector<256x500xbf16>, vector<500x500xbf16>, vector<256x500xf32> -> vector<256x500xf32>
    %add3A = arith.addf %dot_general3A_9, %dot_general3A_14 : vector<256x500xf32>
    %get3A_15 = arith.constant 0 : index
    %get3A_16 = arith.constant 0 : index
    %get3A_17 = vector.load %arg10[%get3A_15, %get3A_16] : memref<1x500xf32, #tpu.memory_space<vmem>>, vector<1x500xf32>
    %add3A_18 = vector.broadcast %get3A_17 : vector<1x500xf32> to vector<256x500xf32>
    %add3A_19 = arith.addf %add3A, %add3A_18 : vector<256x500xf32>
    %logistic3A = arith.negf %add3A_19 : vector<256x500xf32>
    %logistic3A_20 = math.exp %logistic3A : vector<256x500xf32>
    %logistic3A_21 = arith.constant 1.000000e+00 : f32
    %logistic3A_22 = vector.broadcast %logistic3A_21 : f32 to vector<256x500xf32>
    %logistic3A_23 = arith.addf %logistic3A_22, %logistic3A_20 : vector<256x500xf32>
    %logistic3A_24 = arith.divf %logistic3A_22, %logistic3A_23 : vector<256x500xf32>
    %get3A_25 = arith.constant 0 : index
    %get3A_26 = arith.constant 0 : index
    %get3A_27 = vector.load %arg5[%get3A_25, %get3A_26] : memref<500x1272xbf16, #tpu.memory_space<vmem>>, vector<500x1272xbf16>
    %dot_general3A_28 = arith.constant dense<0.000000e+00> : vector<256x500xf32>
    %dot_general3A_29 = tpu.matmul %convert_element_type3A, %get3A_27, %dot_general3A_28 {dimension_numbers = #tpu.dot_dimension_numbers<[0], [1], [1], [0], [0, 1, 1, 0], [], []>, transpose_lhs_hint = false} : vector<1272x256xbf16>, vector<500x1272xbf16>, vector<256x500xf32> -> vector<256x500xf32>
    %get3A_30 = arith.constant 0 : index
    %get3A_31 = arith.constant 0 : index
    %get3A_32 = vector.load %arg8[%get3A_30, %get3A_31] : memref<500x500xbf16, #tpu.memory_space<vmem>>, vector<500x500xbf16>
    %dot_general3A_33 = arith.constant dense<0.000000e+00> : vector<256x500xf32>
    %dot_general3A_34 = tpu.matmul %convert_element_type3A_5, %get3A_32, %dot_general3A_33 {dimension_numbers = #tpu.dot_dimension_numbers<[1], [1], [0], [0], [0, 0, 1, 0], [], []>, transpose_lhs_hint = false} : vector<256x500xbf16>, vector<500x500xbf16>, vector<256x500xf32> -> vector<256x500xf32>
    %add3A_35 = arith.addf %dot_general3A_29, %dot_general3A_34 : vector<256x500xf32>
    %get3A_36 = arith.constant 0 : index
    %get3A_37 = arith.constant 0 : index
    %get3A_38 = vector.load %arg11[%get3A_36, %get3A_37] : memref<1x500xf32, #tpu.memory_space<vmem>>, vector<1x500xf32>
    %add3A_39 = vector.broadcast %get3A_38 : vector<1x500xf32> to vector<256x500xf32>
    %add3A_40 = arith.addf %add3A_35, %add3A_39 : vector<256x500xf32>
    %logistic3A_41 = arith.negf %add3A_40 : vector<256x500xf32>
    %logistic3A_42 = math.exp %logistic3A_41 : vector<256x500xf32>
    %logistic3A_43 = arith.constant 1.000000e+00 : f32
    %logistic3A_44 = vector.broadcast %logistic3A_43 : f32 to vector<256x500xf32>
    %logistic3A_45 = arith.addf %logistic3A_44, %logistic3A_42 : vector<256x500xf32>
    %logistic3A_46 = arith.divf %logistic3A_44, %logistic3A_45 : vector<256x500xf32>
    %get3A_47 = arith.constant 0 : index
    %get3A_48 = arith.constant 0 : index
    %get3A_49 = vector.load %arg6[%get3A_47, %get3A_48] : memref<500x1272xbf16, #tpu.memory_space<vmem>>, vector<500x1272xbf16>
    %dot_general3A_50 = arith.constant dense<0.000000e+00> : vector<256x500xf32>
    %dot_general3A_51 = tpu.matmul %convert_element_type3A, %get3A_49, %dot_general3A_50 {dimension_numbers = #tpu.dot_dimension_numbers<[0], [1], [1], [0], [0, 1, 1, 0], [], []>, transpose_lhs_hint = false} : vector<1272x256xbf16>, vector<500x1272xbf16>, vector<256x500xf32> -> vector<256x500xf32>
    %get3A_52 = arith.constant 0 : index
    %get3A_53 = arith.constant 0 : index
    %get3A_54 = vector.load %arg12[%get3A_52, %get3A_53] : memref<1x500xf32, #tpu.memory_space<vmem>>, vector<1x500xf32>
    %add3A_55 = vector.broadcast %get3A_54 : vector<1x500xf32> to vector<256x500xf32>
    %add3A_56 = arith.addf %dot_general3A_51, %add3A_55 : vector<256x500xf32>
    %get3A_57 = arith.constant 0 : index
    %get3A_58 = arith.constant 0 : index
    %get3A_59 = vector.load %arg9[%get3A_57, %get3A_58] : memref<500x500xbf16, #tpu.memory_space<vmem>>, vector<500x500xbf16>
    %dot_general3A_60 = arith.constant dense<0.000000e+00> : vector<256x500xf32>
    %dot_general3A_61 = tpu.matmul %convert_element_type3A_5, %get3A_59, %dot_general3A_60 {dimension_numbers = #tpu.dot_dimension_numbers<[1], [1], [0], [0], [0, 0, 1, 0], [], []>, transpose_lhs_hint = false} : vector<256x500xbf16>, vector<500x500xbf16>, vector<256x500xf32> -> vector<256x500xf32>
    %get3A_62 = arith.constant 0 : index
    %get3A_63 = arith.constant 0 : index
    %get3A_64 = vector.load %arg13[%get3A_62, %get3A_63] : memref<1x500xf32, #tpu.memory_space<vmem>>, vector<1x500xf32>
    %add3A_65 = vector.broadcast %get3A_64 : vector<1x500xf32> to vector<256x500xf32>
    %add3A_66 = arith.addf %dot_general3A_61, %add3A_65 : vector<256x500xf32>
    %mul3A = arith.mulf %logistic3A_24, %add3A_66 : vector<256x500xf32>
    %add3A_67 = arith.addf %add3A_56, %mul3A : vector<256x500xf32>
    %tanh3A = math.tanh %add3A_67 : vector<256x500xf32>
    %sub3A = arith.constant 1.000000e+00 : f32
    %sub3A_68 = vector.broadcast %sub3A : f32 to vector<256x500xf32>
    %sub3A_69 = arith.subf %sub3A_68, %logistic3A_46 : vector<256x500xf32>
    %mul3A_70 = arith.mulf %sub3A_69, %tanh3A : vector<256x500xf32>
    %mul3A_71 = arith.mulf %logistic3A_46, %get3A_4 : vector<256x500xf32>
    %add3A_72 = arith.addf %mul3A_70, %mul3A_71 : vector<256x500xf32>
    %swap3A = arith.constant 0 : index
    %swap3A_73 = arith.constant 0 : index
    %swap3A_74 = vector.load %arg14[%swap3A, %swap3A_73] : memref<256x500xf32, #tpu.memory_space<vmem>>, vector<256x500xf32>
    tpu.vector_store %arg14[%swap3A, %swap3A_73], %add3A_72 {strides = array<i32>} : memref<256x500xf32, #tpu.memory_space<vmem>>, vector<256x500xf32>,
    %get3A_75 = arith.constant 0 : index
    %get3A_76 = vector.load %arg1[%get3A_75] : memref<4096xi32, #tpu.memory_space<vmem>>, vector<4096xi32>
    %mul3A_77 = arith.constant 256 : i32
    %mul3A_78 = arith.muli %arg0, %mul3A_77 : i32
    %get3A_79 = arith.index_cast %mul3A_78 : i32 to index
    %get3A_80 = vector.load %arg1[%get3A_79] : memref<4096xi32, #tpu.memory_space<vmem>>, vector<256xi32>
    %broadcast_in_dim3A = vector.shape_cast %get3A_80 : vector<256xi32> to vector<256x1xi32>
    %broadcast_in_dim3A_81 = vector.shape_cast %get3A_76 : vector<4096xi32> to vector<1x4096xi32>
    %eq3A = vector.broadcast %broadcast_in_dim3A : vector<256x1xi32> to vector<256x4096xi32>
    %eq3A_82 = vector.broadcast %broadcast_in_dim3A_81 : vector<1x4096xi32> to vector<256x4096xi32>
    %eq3A_83 = arith.cmpi eq, %eq3A, %eq3A_82 : vector<256x4096xi32>
    %iota3A = tpu.iota {dimensions = array<i32: 1>} : vector<256x4096xi32>
    %convert_element_type3A_84 = arith.sitofp %iota3A : vector<256x4096xi32> to vector<256x4096xf32>
    %jit3A = arith.constant -1.000000e+00 : f32
    %broadcast_in_dim3A_85 = vector.broadcast %jit3A : f32 to vector<256x4096xf32>
    %select_n3A = arith.select %eq3A_83, %convert_element_type3A_84, %broadcast_in_dim3A_85 : vector<256x4096xi1>, vector<256x4096xf32>
    %reduce_max3A = arith.constant dense<0xFF800000> : vector<256xf32>
    %reduce_max3A_86 = vector.multi_reduction <maximumf>, %select_n3A, %reduce_max3A [1] : vector<256x4096xf32> to vector<256xf32>
    %convert_element_type3A_87 = arith.fptosi %reduce_max3A_86 : vector<256xf32> to vector<256xi32>
    %swap3A_88 = arith.constant 0 : index
    %swap3A_89 = vector.load %arg15[%swap3A_88] : memref<256xi32, #tpu.memory_space<vmem>>, vector<256xi32>
    tpu.vector_store %arg15[%swap3A_88], %convert_element_type3A_87 {strides = array<i32>} : memref<256xi32, #tpu.memory_space<vmem>>, vector<256xi32>,
    return
  }
  func.func @transform_0(%arg0: i32) -> i32 {
    %c0_i32 = arith.constant 0 : i32
    %c0_i32_0 = arith.constant 0 : i32
    return %c0_i32 : i32
  }
  func.func @transform_1(%arg0: i32) -> (i32, i32) {
    %c0_i32 = arith.constant 0 : i32
    %c0_i32_0 = arith.constant 0 : i32
    return %c0_i32, %arg0 : i32, i32
  }
  func.func @transform_2(%arg0: i32) -> (i32, i32) {
    %c0_i32 = arith.constant 0 : i32
    %c0_i32_0 = arith.constant 0 : i32
    return %arg0, %c0_i32 : i32, i32
  }
  func.func @transform_3(%arg0: i32) -> (i32, i32) {
    %c0_i32 = arith.constant 0 : i32
    %c0_i32_0 = arith.constant 0 : i32
    %c0_i32_1 = arith.constant 0 : i32
    return %c0_i32, %c0_i32_0 : i32, i32
  }
  func.func @transform_4(%arg0: i32) -> (i32, i32) {
    %c0_i32 = arith.constant 0 : i32
    %c0_i32_0 = arith.constant 0 : i32
    %c0_i32_1 = arith.constant 0 : i32
    return %c0_i32, %c0_i32_0 : i32, i32
  }
  func.func @transform_5(%arg0: i32) -> (i32, i32) {
    %c0_i32 = arith.constant 0 : i32
    %c0_i32_0 = arith.constant 0 : i32
    %c0_i32_1 = arith.constant 0 : i32
    return %c0_i32, %c0_i32_0 : i32, i32
  }
  func.func @transform_6(%arg0: i32) -> (i32, i32) {
    %c0_i32 = arith.constant 0 : i32
    %c0_i32_0 = arith.constant 0 : i32
    %c0_i32_1 = arith.constant 0 : i32
    return %c0_i32, %c0_i32_0 : i32, i32
  }
  func.func @transform_7(%arg0: i32) -> (i32, i32) {
    %c0_i32 = arith.constant 0 : i32
    %c0_i32_0 = arith.constant 0 : i32
    %c0_i32_1 = arith.constant 0 : i32
    return %c0_i32, %c0_i32_0 : i32, i32
  }
  func.func @transform_8(%arg0: i32) -> (i32, i32) {
    %c0_i32 = arith.constant 0 : i32
    %c0_i32_0 = arith.constant 0 : i32
    %c0_i32_1 = arith.constant 0 : i32
    return %c0_i32, %c0_i32_0 : i32, i32
  }
  func.func @transform_9(%arg0: i32) -> (i32, i32) {
    %c0_i32 = arith.constant 0 : i32
    %c0_i32_0 = arith.constant 0 : i32
    %c0_i32_1 = arith.constant 0 : i32
    return %c0_i32, %c0_i32_0 : i32, i32
  }
  func.func @transform_10(%arg0: i32) -> (i32, i32) {
    %c0_i32 = arith.constant 0 : i32
    %c0_i32_0 = arith.constant 0 : i32
    %c0_i32_1 = arith.constant 0 : i32
    return %c0_i32, %c0_i32_0 : i32, i32
  }
  func.func @transform_11(%arg0: i32) -> (i32, i32) {
    %c0_i32 = arith.constant 0 : i32
    %c0_i32_0 = arith.constant 0 : i32
    %c0_i32_1 = arith.constant 0 : i32
    return %c0_i32, %c0_i32_0 : i32, i32
  }
  func.func @transform_12(%arg0: i32) -> (i32, i32) {
    %c0_i32 = arith.constant 0 : i32
    %c0_i32_0 = arith.constant 0 : i32
    %c0_i32_1 = arith.constant 0 : i32
    return %c0_i32, %c0_i32_0 : i32, i32
  }
  func.func @transform_13(%arg0: i32) -> (i32, i32) {
    %c0_i32 = arith.constant 0 : i32
    %c0_i32_0 = arith.constant 0 : i32
    return %arg0, %c0_i32 : i32, i32
  }
  func.func @transform_14(%arg0: i32) -> i32 {
    %c0_i32 = arith.constant 0 : i32
    return %arg0 : i32
  }
}

</mosaic_0001>

<sc_bundles>
// kernel: kernel.12.cloned.1.call-start
scs
__scs_entry_jumppad:
0x0: {  	(pc) =	sbr.rel $0x88, $3  }
0x1: {  	(tag) =	ssettag $0x0;
	lr =	simm.s32 $0x1  }
0x2: {  	[smem:$0x3F98] =	sst lr;
	_ =	strace $0xD0000000  }
0x3: {  	_ = 	snop  }
0x4: {  	_ = 	snop  }
0x5: {  	_ = 	snop  }
0x6: {  	_ = 	snop  }
0x7: {  	_ = 	snop  }
__scs_overlays_trampoline_lowered:
0x8: {  	[smem:$0x3FA7] =	sst s0  }
0x9: {  	[smem:$0x3FA8] =	sst s1  }
0xa: {  	[smem:$0x3FA9] =	sst s2  }
0xb: {  	[smem:$0x3FAA] =	sst s3  }
0xc: {  	[smem:$0x3FAB] =	sst s4  }
0xd: {  	[smem:$0x3FAC] =	sst s5  }
0xe: {  	[smem:$0x3FAD] =	sst s6  }
0xf: {  	[smem:$0x3FAE] =	sst s7  }
0x10: {  	[smem:$0x3FAF] =	sst s8  }
0x11: {  	[smem:$0x3FB0] =	sst s9;
	s0 =	simm.s32 @!p0 $0x0  }
0x12: {  	s1 =	sld [smem:$0x3F96];
	s0 =	simm.s32 @p0 $0x1  }
0x13: {  	[smem:$0x3FB1] =	sst s0;
	s0 =	simm.s32 @!p1 $0x0  }
0x14: {  	s2 =	sld [smem:$0x3F95];
	s0 =	simm.s32 @p1 $0x1  }
0x15: {  	[smem:$0x3FB2] =	sst s0;
	s0 =	simm.s32 @!p2 $0x0  }
0x16: {  	s3 =	sld [smem:$0x3FDB];
	s0 =	simm.s32 @p2 $0x1  }
0x17: {  	s4 =	simm.s32 $0x1BF5;
	[smem:$0x3FB4] =	sst s0  }
0x18: {  	s0 =	sld [smem:$0x3F97];
	_ =	swait.ge [sflag:s4], $0x0  }
0x19: {  	s7 =	sld [smem:$0x3F98]  }
0x1a: {  	s8 =	sadd.s32 $0xFFFFE003, lr  }
0x1b: {  	s9 =	sadd.s32 $0xFFFFFEF7, lr;
	s5 =	simm.s32 $0xFFFFFFFF;
	p2 =	slt.u32 s8, $0xFFFFF086  }
0x1c: {  	p1 =	slt.u32 s9, $0xF7A;
	s5 =	simm.s32 @!p2 $0x0  }
0x1d: {  	s5 =	simm.s32 @p1 $0x1;
	p0 =	seq.s32 s7, s2  }
0x1e: {  	s7 =	smul.u32 @!p0 $0xF7A, s2;
	p2 =	seq.s32 @!p0 s5, $0x0  }
0x1f: {  	s9 =	smul.u32 $0xF7A, s1;
	s8 =	simm.s32 @!p0 $0x1BF5;
	p2 =	por !p2, p0  }
0x20: {  	[sflag:s8] =	ssyncset.s32 @!p0 $0xFFFFF086;
	s6 =	sadd.s32 @!p0 s3, s7;
	s7 =	simm.s32 @!p0 $0x108  }
0x21: {  	s3 =	sadd.s32 s3, s9;
	s6 =	sadd.s32 @!p0 $0x88, s6;
	s7 =	simm.s32 @p2 $0x1082  }
0x22: {  	[simem:s7], [sflag:s8] =	dma.local @!p0 [hbm:s6], $0xF7A  }
0x23: {  	s9 =	sor.u32 $0xD0000000, s2;
	s6 =	simm.s32 $0x108;
	_ =	swait.ge @!p0 [sflag:s8], $0x0  }
0x24: {  	s3 =	sadd.s32 $0x88, s3;
	s6 =	simm.s32 @!p1 $0x1082;
	[sflag:s4] =	ssyncset.s32 $0xFFFFF086  }
0x25: {  	[simem:s6], [sflag:s4] =	dma.local [hbm:s3], $0xF7A  }
0x26: {  	[smem:$0x3F98] =	sst s1;
	(tag) =	ssettag s2;
	_ =	strace s9  }
0x27: {  	s1 =	sld [smem:$0x3FA8]  }
0x28: {  	s2 =	sld [smem:$0x3FA9]  }
0x29: {  	s4 =	sld [smem:$0x3FAB]  }
0x2a: {  	p0 =	seq.s32 s5, $0x0;
	s5 =	sld [smem:$0x3FAC]  }
0x2b: {  	s6 =	sld [smem:$0x3FAD]  }
0x2c: {  	s7 =	sld [smem:$0x3FAE]  }
0x2d: {  	s3 =	simm.s32 $0x108;
	s8 =	sld [smem:$0x3FAF]  }
0x2e: {  	s3 =	simm.s32 @!p0 $0x1082;
	s9 =	sld [smem:$0x3FB0]  }
0x2f: {  	lr =	sadd.s32 s0, s3;
	s0 =	sld [smem:$0x3FA7]  }
0x30: {  	s3 =	sld [smem:$0x3FAA]  }
0x31: {  	[smem:$0x3FB3] =	sst s10  }
0x32: {  	s10 =	sld [smem:$0x3FB1];
	_ =	sdelay $0x3  }
0x33: {  	p0 =	seq.s32 s10, $0x1;
	s10 =	sld [smem:$0x3FB3];
	_ =	sdelay $0x3  }
0x34: {  	[smem:$0x3FB3] =	sst s10  }
0x35: {  	s10 =	sld [smem:$0x3FB2];
	_ =	sdelay $0x3  }
0x36: {  	p1 =	seq.s32 s10, $0x1;
	s10 =	sld [smem:$0x3FB3];
	_ =	sdelay $0x3  }
0x37: {  	[smem:$0x3FB3] =	sst s10  }
0x38: {  	s10 =	sld [smem:$0x3FB4]  }
0x39: {  	_ = 	snop;
	(pc) =	sbr.ind lr, $3  }
0x3a: {  	_ = 	snop  }
0x3b: {  	_ = 	snop  }
0x3c: {  	p2 =	seq.s32 s10, $0x1;
	s10 =	sld [smem:$0x3FB3]  }
0x3d: {  	_ =	shalt  }
0x3e: {  	_ =	shalt  }
0x3f: {  	_ =	shalt  }
0x40: {  	_ =	shalt  }
0x41: {  	_ =	shalt  }
0x42: {  	_ =	shalt  }
0x43: {  	_ =	shalt  }
0x44: {  	_ =	shalt  }
0x45: {  	_ =	shalt  }
0x46: {  	_ =	shalt  }
0x47: {  	_ =	shalt  }
0x48: {  	_ =	shalt  }
0x49: {  	_ =	shalt  }
0x4a: {  	_ =	shalt  }
0x4b: {  	_ =	shalt  }
0x4c: {  	_ =	shalt  }
0x4d: {  	_ =	shalt  }
0x4e: {  	_ =	shalt  }
0x4f: {  	_ =	shalt  }
0x50: {  	_ =	shalt  }
0x51: {  	_ =	shalt  }
0x52: {  	_ =	shalt  }
0x53: {  	_ =	shalt  }
0x54: {  	_ =	shalt  }
0x55: {  	_ =	shalt  }
0x56: {  	_ =	shalt  }
0x57: {  	_ =	shalt  }
0x58: {  	_ =	shalt  }
0x59: {  	_ =	shalt  }
0x5a: {  	_ =	shalt  }
0x5b: {  	_ =	shalt  }
0x5c: {  	_ =	shalt  }
0x5d: {  	_ =	shalt  }
0x5e: {  	_ =	shalt  }
0x5f: {  	_ =	shalt  }
0x60: {  	_ =	shalt  }
0x61: {  	_ =	shalt  }
0x62: {  	_ =	shalt  }
0x63: {  	_ =	shalt  }
0x64: {  	_ =	shalt  }
0x65: {  	_ =	shalt  }
0x66: {  	_ =	shalt  }
0x67: {  	_ =	shalt  }
0x68: {  	_ =	shalt  }
0x69: {  	_ =	shalt  }
0x6a: {  	_ =	shalt  }
0x6b: {  	_ =	shalt  }
0x6c: {  	_ =	shalt  }
0x6d: {  	_ =	shalt  }
0x6e: {  	_ =	shalt  }
0x6f: {  	_ =	shalt  }
0x70: {  	_ =	shalt  }
0x71: {  	_ =	shalt  }
0x72: {  	_ =	shalt  }
0x73: {  	_ =	shalt  }
0x74: {  	_ =	shalt  }
0x75: {  	_ =	shalt  }
0x76: {  	_ =	shalt  }
0x77: {  	_ =	shalt  }
0x78: {  	_ =	shalt  }
0x79: {  	_ =	shalt  }
0x7a: {  	_ =	shalt  }
0x7b: {  	_ =	shalt  }
0x7c: {  	_ =	shalt  }
0x7d: {  	_ =	shalt  }
0x7e: {  	_ =	shalt  }
0x7f: {  	_ =	shalt  }
0x80: {  	_ =	shalt  }
0x81: {  	_ =	shalt  }
0x82: {  	_ =	shalt  }
0x83: {  	_ =	shalt  }
0x84: {  	_ =	shalt  }
0x85: {  	_ =	shalt  }
0x86: {  	_ =	shalt  }
0x87: {  	_ =	shalt  }
.Lfunc_end0:
.L_simem_size_0:
called_computation.2_lowered:
.L_overlay_start_0:
0x88: {  	s2 =	sld [smem:$0x3FD9]  }
0x89: {  	s3 =	sld [smem:$0x3FFE];
	_ =	sdelay $0x1  }
0x8a: {  	s1 =	srdreg.scid  }
0x8b: {  	s0 =	sand.u32 $0x1, s1  }
0x8c: {  	s15 =	sshll.u32 s0, $0xA;
	s2 =	sadd.s32 s3, s2  }
0x8d: {  	s2 =	sadd.s32 s2, s15  }
0x8e: {  	[smem:$0x3FBF] =	sst s2  }
0x8f: {  	_ = 	snop  }
0x90: {  	s4 =	sld [smem:$0x3FD0]  }
0x91: {  	s16 =	sld [smem:$0x3FC8]  }
0x92: {  	s2 =	sld [smem:$0x3FC6]  }
0x93: {  	s6 =	simm.s32 $0xB;
	s7 =	simm.s32 $0x10;
	s5 =	sld [smem:$0x3FC1]  }
0x94: {  	[smem:s7], [sflag:s6] =	dma.local [hbm:s4], $0x1  }
0x95: {  	_ =	swait.eq [sflag:s6], $0x1  }
0x96: {  	[sflag:s6] =	ssyncset.done $0x0  }
0x97: {  	[sflag:s6] =	ssyncadd.s32 $0xFFFFFFFF  }
0x98: {  	s17 =	sld [smem:$0x11];
	(tm) =	ssettm $0x1  }
0x99: {  	s18 =	sld [smem:$0x3FFB];
	_ =	sdelay $0x3  }
0x9a: {  	_ =	strace s18  }
0x9b: {  	s4 =	sld [smem:$0x3FFC];
	_ =	sdelay $0x3  }
0x9c: {  	_ =	strace s4  }
0x9d: {  	s4 =	sld [smem:$0x3FFD];
	_ =	sdelay $0x3  }
0x9e: {  	_ =	strace s4  }
0x9f: {  	_ =	strace $0x8FFFFFFF  }
0xa0: {  	s19 =	sld [smem:$0x3FDB];
	_ =	sdelay $0x1  }
0xa1: {  	s20 =	simm.s32 $_scs_section_size  }
0xa2: {  	s8 =	simm.s32 $_size__tile_overlayer_lowered;
	s9 =	simm.s32 $_tile_overlayer_lowered  }
0xa3: {  	s10 =	simm.s32 $0x1BFF;
	s21 =	sshll.u32 s9, $0x1;
	s7 =	sadd.s32 s20, s19  }
0xa4: {  	s22 =	simm.s32 $0x0;
	s8 =	sshll.u32 s8, $0x1;
	s9 =	sadd.s32 s21, s7  }
0xa5: {  	[timem:s22], [sflag:s10] =	dma.local [hbm:s9], s8  }
0xa6: {  	_ =	swait.ge [sflag:s10], s8  }
0xa7: {  	s8 =	ssub.s32 $0x0, s8;
	[sflag:s10] =	ssyncset.done $0x0  }
0xa8: {  	[sflag:s10] =	ssyncadd.s32 s8;
	_ =	sdelay $0x1  }
0xa9: {  	s23 =	simm.s32 $0x1B8B  }
0xaa: {  	_ =	swait.ge [sflag:s23], $0x1  }
0xab: {  	[sflag:s23] =	ssyncset.done $0x0  }
0xac: {  	[sflag:s23] =	ssyncadd.s32 $0xFFFFFFFF  }
0xad: {  	s8 =	sld [smem:$0x0]  }
0xae: {  	s9 =	sand.u32 $0xFFFFFFFE, s1  }
0xaf: {  	p0 =	sne.s32 s1, s9  }
0xb0: {  	s9 =	sshll.u32 @p0 s9, $0xE  }
0xb1: {  	s9 =	sadd.s32 @p0 $0x11B8D, s9;
	s10 =	sshll.u32 @p0 s8, $0x11  }
0xb2: {  	s9 =	sor.u32 @p0 s10, s9  }
0xb3: {  	[sflag:s9] =	ssyncadd.remote.s32 @p0 $0x1;
	_ =	sdelay $0x1  }
0xb4: {  	s9 =	simm.s32 @p0 $0x1B8D  }
0xb5: {  	_ =	swait.eq @p0 [sflag:s9], $0x1  }
0xb6: {  	[sflag:s9] =	ssyncadd.s32 @p0 $0xFFFFFFFF  }
0xb7: {  	s10 =	sshll.u32 @!p0 s1, $0xE  }
0xb8: {  	s10 =	sor.u32 @!p0 $0x4000, s10;
	s9 =	simm.s32 @!p0 $0x1B8D  }
0xb9: {  	s8 =	sshll.u32 @!p0 s8, $0x11;
	s10 =	sadd.s32 @!p0 $0x11B8D, s10;
	_ =	swait.eq @!p0 [sflag:s9], $0x1  }
0xba: {  	s8 =	sor.u32 @!p0 s8, s10;
	[sflag:s9] =	ssyncadd.s32 @!p0 $0xFFFFFFFF  }
0xbb: {  	s25 =	simm.s32 $0x1B8E;
	s24 =	sld [smem:$0x3FFE];
	[sflag:s8] =	ssyncadd.remote.s32 @!p0 $0x1  }
0xbc: {  	s26 =	simm.s32 $execute0_lowered;
	[smem:$0x3FD2] =	sst s25  }
0xbd: {  	s9 =	sshll.u32 s26, $0x1;
	_ =	strace $0x8000004C;
	[dreg:$0x1] =	wrdreg $0xFFFFFFFF  }
0xbe: {  	s28 =	simm.s32 $_size_execute0_lowered;
	s7 =	sadd.s32 s7, s9;
	[dreg:$0x0] =	wrdreg $0x0  }
0xbf: {  	s9 =	sshll.u32 s28, $0x1;
	[dreg:$0x2] =	wrdreg s7  }
0xc0: {  	[dreg:$0x3] =	wrdreg s9  }
0xc1: {  	[dreg:$0x4] =	wrdreg $0xC0  }
0xc2: {  	_ =	task [dreg:s22], $0x5FFFF  }
0xc3: {  	[dreg:$0x1] =	wrdreg $0xFFFFFFFF  }
0xc4: {  	[dreg:$0x0] =	wrdreg $0x60  }
0xc5: {  	[dreg:$0x2] =	wrdreg s16  }
0xc6: {  	[dreg:$0x3] =	wrdreg s5  }
0xc7: {  	[dreg:$0x4] =	wrdreg s24  }
0xc8: {  	[dreg:$0x5] =	wrdreg s2  }
0xc9: {  	[dreg:$0x6] =	wrdreg s17  }
0xca: {  	[dreg:$0x7] =	wrdreg $0xA  }
0xcb: {  	_ =	task.clear_ibuf [dreg:s22], $0x8FFFF;
	_ =	strace $0x9000004C  }
0xcc: {  	s29 =	simm.s32 $0xA;
	_ =	strace $0x8000004E  }
0xcd: {  	_ =	swait.ge [sflag:s29], $0x1  }
0xce: {  	[sflag:s29] =	ssyncadd.s32 $0xFFFFFFFF  }
0xcf: {  	_ =	strace $0x9000004E  }
0xd0: {  	_ =	sfence  }
0xd1: {  	s30 =	sld [smem:$0x0];
	_ =	sdelay $0x2  }
0xd2: {  	s31 =	sshll.u32 s1, $0xD;
	s1 =	sshrl.u32 s1, $0x2  }
0xd3: {  	s3 =	sand.u32 $0x4000, s31;
	s1 =	sadd.s32 s1, s30  }
0xd4: {  	s0 =	sor.u32 s3, s0;
	s1 =	sshll.u32 s1, $0x11  }
0xd5: {  	s0 =	sor.u32 s1, s0  }
0xd6: {  	s0 =	sadd.s32 $0x8F2B, s0  }
0xd7: {  	[sflag:s0] =	ssyncadd.remote.s32 $0x1  }
0xd8: {  	_ =	sfence.sel $0xFFFF  }
0xd9: {  	[dreg:$0x0] =	wrdreg $0xFFFFFFFF;
	(pc) =	sbr.abs _section_cstart, $3  }
0xda: {  	[dreg:$0x1] =	wrdreg $0xFFFFFFFF  }
0xdb: {  	_ =	task.clear_ibuf [dreg:s22], $0x2FFFF;
	_ =	strace $0x9FFFFFFF  }
0xdc: {  	(tm) =	ssettm $0x7FFFFFFF  }
0xdd: {  	_ =	shalt  }
tec
execute0_lowered:
.L_overlay_start_1:
0x0: {  	(tag) =	ssettag $0x1  }
0x1: {  	s7 =	rddreg [dreg:$0x0]  }
0x2: {  	s1 =	rddreg [dreg:$0x1]  }
0x3: {  	s5 =	rddreg [dreg:$0x2]  }
0x4: {  	s3 =	rddreg [dreg:$0x3]  }
0x5: {  	s9 =	rddreg [dreg:$0x4]  }
0x6: {  	s4 =	srdreg.scid;
	s2 =	stileid.u32  }
0x7: {  	s0 =	rddreg [dreg:$0x5];
	s12 =	simm.s32 $0x1;
	s15 =	simm.s32 $0x0  }
0x8: {  	s6 =	sand.u32 $0x1, s4;
	s8 =	sshll.u32 s2, $0x1;
	s4 =	simm.s32 $0x0  }
0x9: {  	s5 =	sadd.s32 $0x686200, s5;
	s10 =	ssub.s32 $0x2, s6;
	s6 =	sor.u32 s6, s8  }
0xa: {  	[smem:$0x7FF] =	sst s4;
	s8 =	simm.s32 $0xBD8;
	s13 =	smul.u32 $0xC38, s6  }
0xb: {  	s31 =	sshrl.u32 s10, $0x1;
	_ =	strace $0x8000004D;
	p0 =	seq.s32 s6, $0x1F  }
0xc: {  	s10 =	ssub.s32 s10, s31;
	s8 =	simm.s32 @!p0 $0xC38;
	s11 =	sshrl.u32 s13, $0x3  }
0xd: {  	s14 =	sadd.s32 s13, s8;
	s10 =	smax.u32 s10, $0x1;
	v0 =	vmov s13;
	s13 =	simm.s32 $0x1C80  }
0xe: {  	s6 =	sadd.s32 s7, s11;
	s7 =	sadd.s32 $0x2F59, s7;
	s8 =	sadd.s32 s9, s11  }
0xf: {  	s9 =	sadd.s32 $0x2F59, s9;
	s11 =	simm.s32 $0xC80;
	v1 =	vmov s14;
	s14 =	simm.s32 $0x2C80  }
.LBB2_1:
0x10: {  	s16 =	simm.s32 @p0 $0x0  }
0x11: {  	[tilespmem:s16], [sflag:$0x1] =	stream.linear.gather @p0 [hbm4b:s7+s16], $0xBD8, $0x38;
	[tilespmem:$0x3C80] =	vst v63  }
0x12: {  	s16 =	simm.s32 @p0 $0x1  }
0x13: {  	_ =	swait.ge @p0 [sflag:s16], $0xBD8  }
0x14: {  	[sflag:s16] =	ssyncset.done @p0 $0x0  }
0x15: {  	[sflag:s16] =	ssyncadd.s32 @p0 $0xFFFFF428;
	s16 =	simm.s32 @!p0 $0x0  }
0x16: {  	[tilespmem:s16], [sflag:$0x1] =	stream.linear.gather @!p0 [hbm4b:s6+s16], $0xC38, $0x38;
	[tilespmem:$0x3C80] =	vst v63  }
0x17: {  	s16 =	simm.s32 @!p0 $0x1  }
0x18: {  	_ =	swait.ge @!p0 [sflag:s16], $0xC38  }
0x19: {  	[sflag:s16] =	ssyncset.done @!p0 $0x0  }
0x1a: {  	[sflag:s16] =	ssyncadd.s32 @!p0 $0xFFFFF3C8  }
0x1b: {  	[tilespmem:s11], [sflag:$0x1] =	stream.linear.gather [hbm4b:s1+s4], $0x1000, $0x38;
	[tilespmem:$0x3C80] =	vst v63  }
0x1c: {  	_ =	swait.ge [sflag:s12], $0x1000  }
0x1d: {  	[sflag:s12] =	ssyncset.done $0x0  }
0x1e: {  	[sflag:s12] =	ssyncadd.s32 $0xFFFFF000  }
0x1f: {  	[tilespmem:s13], [sflag:$0x1] =	stream.linear.gather [hbm4b:s5+s4], $0x1000, $0x38;
	[tilespmem:$0x3C80] =	vst v63  }
0x20: {  	_ =	swait.ge [sflag:s12], $0x1000  }
0x21: {  	[sflag:s12] =	ssyncset.done $0x0  }
0x22: {  	[sflag:s12] =	ssyncadd.s32 $0xFFFFF000  }
0x23: {  	[tilespmem:s14], [sflag:$0x1] =	stream.linear.gather [hbm4b:s3+s4], $0x1000, $0x38;
	[tilespmem:$0x3C80] =	vst v63  }
0x24: {  	_ =	swait.ge [sflag:s12], $0x1000  }
0x25: {  	[sflag:s12] =	ssyncset.done $0x0  }
0x26: {  	s17 =	simm.s32 $0x0;
	s16 =	simm.s32 $0x40;
	[sflag:s12] =	ssyncadd.s32 $0xFFFFF000  }
.LBB2_2:
0x27: {  	p1 =	sne.s32 s16, $0x3FC0;
	v2 =	vld [tilespmem:s17+$0x1C80];
	_ =	sdelay $0x1  }
0x28: {  	v3 =	vld [tilespmem:s17+$0xC80];
	_ =	sdelay $0x4  }
0x29: {  	vm0 =	vge.s32 v3, v0;
	vm1 =	vlt.s32 v3, v1  }
0x2a: {  	v2 =	vld.idx.msk [tilespmem:v2+s14+$0x0], $0xffff;
	vm0 =	vmand vm0, vm1  }
0x2b: {  	v3 =	vsub.s32 v3, v0  }
.Ltmp0:
0x2c: {  	(pc) =	sbr.rel @p1 .LBB2_2-.Ltmp0, $2  }
0x2d: {  	_ =	sdelay $0x2  }
0x2e: {  	s17 =	sshra.s32 s16, $0x2;
	s16 =	sadd.s32 $0x40, s16;
	[tilespmem:v3+s4+$0x0] =	vst.idx.msk vm0, v2  }
0x2f: {  	v2 =	vld [tilespmem:s17+$0x1C80]  }
0x30: {  	v3 =	vld [tilespmem:s17+$0xC80];
	_ =	sdelay $0x4  }
0x31: {  	vm0 =	vge.s32 v3, v0;
	vm1 =	vlt.s32 v3, v1  }
0x32: {  	vm0 =	vmand vm0, vm1  }
0x33: {  	v3 =	vsub.s32 v3, v0;
	v2 =	vld.idx.msk [tilespmem:v2+s14+$0x0], $0xffff;
	_ =	sdelay $0x4  }
0x34: {  	s16 =	simm.s32 @p0 $0x0;
	[tilespmem:v3+s4+$0x0] =	vst.idx.msk vm0, v2  }
0x35: {  	[hbm4b:s9+s16] =	stream.linear.scatter @p0 [tilespmem:s16], [sflag:$0x1], $0xBD8, $0x38;
	[tilespmem:$0x3C80] =	vst v63  }
0x36: {  	s16 =	simm.s32 @p0 $0x1  }
0x37: {  	_ =	swait.ge @p0 [sflag:s16], $0xBD8  }
0x38: {  	s15 =	sadd.s32 $0x1, s15;
	[sflag:s16] =	ssyncset.done @p0 $0x0  }
0x39: {  	p1 =	sne.s32 s15, s10;
	[sflag:s16] =	ssyncadd.s32 @p0 $0xFFFFF428;
	s16 =	simm.s32 @!p0 $0x0  }
0x3a: {  	[hbm4b:s8+s16] =	stream.linear.scatter @!p0 [tilespmem:s16], [sflag:$0x1], $0xC38, $0x38;
	[tilespmem:$0x3C80] =	vst v63  }
.Ltmp1:
0x3b: {  	_ = 	snop;
	(pc) =	sbr.rel @p1 .LBB2_1-.Ltmp1, $4  }
0x3c: {  	s16 =	simm.s32 @!p0 $0x1  }
0x3d: {  	_ =	swait.ge @!p0 [sflag:s16], $0xC38  }
0x3e: {  	[sflag:s16] =	ssyncset.done @!p0 $0x0  }
0x3f: {  	[sflag:s16] =	ssyncadd.s32 @!p0 $0xFFFFF3C8  }
0x40: {  	_ =	sfence.sel $0x180000  }
0x41: {  	[bflag:$0x0] =	sbarrier.arrive $0xFFFF  }
0x42: {  	p0 =	sne.s32 s2, $0x0;
	_ =	strace $0x9000004D  }
0x43: {  	s0 =	sadd.s32 @!p0 $0x100000, s0;
	[bflag:$0x2] =	sbarrier.arrive $0xFFFF  }
0x44: {  	[sflag:s0] =	ssyncadd.tile.s32 @!p0 $0x1;
	_ =	shalt  }
.Lfunc_end2:
_tile_overlayer_lowered:
.L_overlay_start_2:
0x45: {  	(tag) =	ssettag $0x2  }
0x46: {  	s0 =	rddreg [dreg:$0x0];
	s2 =	stileid.u32  }
0x47: {  	s1 =	rddreg [dreg:$0x1];
	p0 =	sne.s32 s2, $0x0  }
0x48: {  	s3 =	rddreg [dreg:$0x2];
	[bflag:$0x3] =	sbarrier.arrive $0xFFFF;
	s2 =	simm.s32 @!p0 $0x1C01  }
0x49: {  	[timem:s3], [sflag:s2] =	dma.local @!p0 [hbm:s0], s1  }
0x4a: {  	s0 =	simm.s32 @!p0 $0x1  }
0x4b: {  	_ =	swait.ge @!p0 [sflag:s0], s1  }
0x4c: {  	s1 =	ssub.s32 @!p0 $0x0, s1;
	[sflag:s0] =	ssyncset.done @!p0 $0x0  }
0x4d: {  	[sflag:s0] =	ssyncadd.s32 @!p0 s1  }
0x4e: {  	[bflag:$0x3] =	sbarrier.arrive $0xFFFF  }
0x4f: {  	_ =	shalt  }

// kernel: kernel.6.cloned.1.call-start
scs
__scs_entry_jumppad:
0x0: {  	(pc) =	sbr.rel $0x88, $3  }
0x1: {  	(tag) =	ssettag $0x0;
	lr =	simm.s32 $0x1  }
0x2: {  	[smem:$0x3F98] =	sst lr;
	_ =	strace $0xD0000000  }
0x3: {  	_ = 	snop  }
0x4: {  	_ = 	snop  }
0x5: {  	_ = 	snop  }
0x6: {  	_ = 	snop  }
0x7: {  	_ = 	snop  }
__scs_overlays_trampoline_lowered:
0x8: {  	[smem:$0x3FA7] =	sst s0  }
0x9: {  	[smem:$0x3FA8] =	sst s1  }
0xa: {  	[smem:$0x3FA9] =	sst s2  }
0xb: {  	[smem:$0x3FAA] =	sst s3  }
0xc: {  	[smem:$0x3FAB] =	sst s4  }
0xd: {  	[smem:$0x3FAC] =	sst s5  }
0xe: {  	[smem:$0x3FAD] =	sst s6  }
0xf: {  	[smem:$0x3FAE] =	sst s7  }
0x10: {  	[smem:$0x3FAF] =	sst s8  }
0x11: {  	[smem:$0x3FB0] =	sst s9;
	s0 =	simm.s32 @!p0 $0x0  }
0x12: {  	s1 =	sld [smem:$0x3F96];
	s0 =	simm.s32 @p0 $0x1  }
0x13: {  	[smem:$0x3FB1] =	sst s0;
	s0 =	simm.s32 @!p1 $0x0  }
0x14: {  	s2 =	sld [smem:$0x3F95];
	s0 =	simm.s32 @p1 $0x1  }
0x15: {  	[smem:$0x3FB2] =	sst s0;
	s0 =	simm.s32 @!p2 $0x0  }
0x16: {  	s3 =	sld [smem:$0x3FDB];
	s0 =	simm.s32 @p2 $0x1  }
0x17: {  	s4 =	simm.s32 $0x1BF5;
	[smem:$0x3FB4] =	sst s0  }
0x18: {  	s0 =	sld [smem:$0x3F97];
	_ =	swait.ge [sflag:s4], $0x0  }
0x19: {  	s7 =	sld [smem:$0x3F98]  }
0x1a: {  	s8 =	sadd.s32 $0xFFFFE003, lr  }
0x1b: {  	s9 =	sadd.s32 $0xFFFFFEF7, lr;
	s5 =	simm.s32 $0xFFFFFFFF;
	p2 =	slt.u32 s8, $0xFFFFF086  }
0x1c: {  	p1 =	slt.u32 s9, $0xF7A;
	s5 =	simm.s32 @!p2 $0x0  }
0x1d: {  	s5 =	simm.s32 @p1 $0x1;
	p0 =	seq.s32 s7, s2  }
0x1e: {  	s7 =	smul.u32 @!p0 $0xF7A, s2;
	p2 =	seq.s32 @!p0 s5, $0x0  }
0x1f: {  	s9 =	smul.u32 $0xF7A, s1;
	s8 =	simm.s32 @!p0 $0x1BF5;
	p2 =	por !p2, p0  }
0x20: {  	[sflag:s8] =	ssyncset.s32 @!p0 $0xFFFFF086;
	s6 =	sadd.s32 @!p0 s3, s7;
	s7 =	simm.s32 @!p0 $0x108  }
0x21: {  	s3 =	sadd.s32 s3, s9;
	s6 =	sadd.s32 @!p0 $0x88, s6;
	s7 =	simm.s32 @p2 $0x1082  }
0x22: {  	[simem:s7], [sflag:s8] =	dma.local @!p0 [hbm:s6], $0xF7A  }
0x23: {  	s9 =	sor.u32 $0xD0000000, s2;
	s6 =	simm.s32 $0x108;
	_ =	swait.ge @!p0 [sflag:s8], $0x0  }
0x24: {  	s3 =	sadd.s32 $0x88, s3;
	s6 =	simm.s32 @!p1 $0x1082;
	[sflag:s4] =	ssyncset.s32 $0xFFFFF086  }
0x25: {  	[simem:s6], [sflag:s4] =	dma.local [hbm:s3], $0xF7A  }
0x26: {  	[smem:$0x3F98] =	sst s1;
	(tag) =	ssettag s2;
	_ =	strace s9  }
0x27: {  	s1 =	sld [smem:$0x3FA8]  }
0x28: {  	s2 =	sld [smem:$0x3FA9]  }
0x29: {  	s4 =	sld [smem:$0x3FAB]  }
0x2a: {  	p0 =	seq.s32 s5, $0x0;
	s5 =	sld [smem:$0x3FAC]  }
0x2b: {  	s6 =	sld [smem:$0x3FAD]  }
0x2c: {  	s7 =	sld [smem:$0x3FAE]  }
0x2d: {  	s3 =	simm.s32 $0x108;
	s8 =	sld [smem:$0x3FAF]  }
0x2e: {  	s3 =	simm.s32 @!p0 $0x1082;
	s9 =	sld [smem:$0x3FB0]  }
0x2f: {  	lr =	sadd.s32 s0, s3;
	s0 =	sld [smem:$0x3FA7]  }
0x30: {  	s3 =	sld [smem:$0x3FAA]  }
0x31: {  	[smem:$0x3FB3] =	sst s10  }
0x32: {  	s10 =	sld [smem:$0x3FB1];
	_ =	sdelay $0x3  }
0x33: {  	p0 =	seq.s32 s10, $0x1;
	s10 =	sld [smem:$0x3FB3];
	_ =	sdelay $0x3  }
0x34: {  	[smem:$0x3FB3] =	sst s10  }
0x35: {  	s10 =	sld [smem:$0x3FB2];
	_ =	sdelay $0x3  }
0x36: {  	p1 =	seq.s32 s10, $0x1;
	s10 =	sld [smem:$0x3FB3];
	_ =	sdelay $0x3  }
0x37: {  	[smem:$0x3FB3] =	sst s10  }
0x38: {  	s10 =	sld [smem:$0x3FB4]  }
0x39: {  	_ = 	snop;
	(pc) =	sbr.ind lr, $3  }
0x3a: {  	_ = 	snop  }
0x3b: {  	_ = 	snop  }
0x3c: {  	p2 =	seq.s32 s10, $0x1;
	s10 =	sld [smem:$0x3FB3]  }
0x3d: {  	_ =	shalt  }
0x3e: {  	_ =	shalt  }
0x3f: {  	_ =	shalt  }
0x40: {  	_ =	shalt  }
0x41: {  	_ =	shalt  }
0x42: {  	_ =	shalt  }
0x43: {  	_ =	shalt  }
0x44: {  	_ =	shalt  }
0x45: {  	_ =	shalt  }
0x46: {  	_ =	shalt  }
0x47: {  	_ =	shalt  }
0x48: {  	_ =	shalt  }
0x49: {  	_ =	shalt  }
0x4a: {  	_ =	shalt  }
0x4b: {  	_ =	shalt  }
0x4c: {  	_ =	shalt  }
0x4d: {  	_ =	shalt  }
0x4e: {  	_ =	shalt  }
0x4f: {  	_ =	shalt  }
0x50: {  	_ =	shalt  }
0x51: {  	_ =	shalt  }
0x52: {  	_ =	shalt  }
0x53: {  	_ =	shalt  }
0x54: {  	_ =	shalt  }
0x55: {  	_ =	shalt  }
0x56: {  	_ =	shalt  }
0x57: {  	_ =	shalt  }
0x58: {  	_ =	shalt  }
0x59: {  	_ =	shalt  }
0x5a: {  	_ =	shalt  }
0x5b: {  	_ =	shalt  }
0x5c: {  	_ =	shalt  }
0x5d: {  	_ =	shalt  }
0x5e: {  	_ =	shalt  }
0x5f: {  	_ =	shalt  }
0x60: {  	_ =	shalt  }
0x61: {  	_ =	shalt  }
0x62: {  	_ =	shalt  }
0x63: {  	_ =	shalt  }
0x64: {  	_ =	shalt  }
0x65: {  	_ =	shalt  }
0x66: {  	_ =	shalt  }
0x67: {  	_ =	shalt  }
0x68: {  	_ =	shalt  }
0x69: {  	_ =	shalt  }
0x6a: {  	_ =	shalt  }
0x6b: {  	_ =	shalt  }
0x6c: {  	_ =	shalt  }
0x6d: {  	_ =	shalt  }
0x6e: {  	_ =	shalt  }
0x6f: {  	_ =	shalt  }
0x70: {  	_ =	shalt  }
0x71: {  	_ =	shalt  }
0x72: {  	_ =	shalt  }
0x73: {  	_ =	shalt  }
0x74: {  	_ =	shalt  }
0x75: {  	_ =	shalt  }
0x76: {  	_ =	shalt  }
0x77: {  	_ =	shalt  }
0x78: {  	_ =	shalt  }
0x79: {  	_ =	shalt  }
0x7a: {  	_ =	shalt  }
0x7b: {  	_ =	shalt  }
0x7c: {  	_ =	shalt  }
0x7d: {  	_ =	shalt  }
0x7e: {  	_ =	shalt  }
0x7f: {  	_ =	shalt  }
0x80: {  	_ =	shalt  }
0x81: {  	_ =	shalt  }
0x82: {  	_ =	shalt  }
0x83: {  	_ =	shalt  }
0x84: {  	_ =	shalt  }
0x85: {  	_ =	shalt  }
0x86: {  	_ =	shalt  }
0x87: {  	_ =	shalt  }
.Lfunc_end0:
.L_simem_size_0:
called_computation_lowered:
.L_overlay_start_0:
0x88: {  	s2 =	sld [smem:$0x3FD9]  }
0x89: {  	s3 =	sld [smem:$0x3FFE];
	_ =	sdelay $0x1  }
0x8a: {  	s1 =	srdreg.scid  }
0x8b: {  	s0 =	sand.u32 $0x1, s1  }
0x8c: {  	s17 =	sshll.u32 s0, $0xA;
	s2 =	sadd.s32 s3, s2  }
0x8d: {  	s2 =	sadd.s32 s2, s17  }
0x8e: {  	[smem:$0x3FBF] =	sst s2  }
0x8f: {  	_ = 	snop  }
0x90: {  	s2 =	sld [smem:$0x3FC1];
	(tm) =	ssettm $0x1  }
0x91: {  	s18 =	sld [smem:$0x3FFB];
	_ =	sdelay $0x3  }
0x92: {  	_ =	strace s18  }
0x93: {  	s3 =	sld [smem:$0x3FFC];
	_ =	sdelay $0x3  }
0x94: {  	_ =	strace s3  }
0x95: {  	s3 =	sld [smem:$0x3FFD];
	_ =	sdelay $0x3  }
0x96: {  	_ =	strace s3  }
0x97: {  	_ =	strace $0x8FFFFFFF  }
0x98: {  	s19 =	sld [smem:$0x3FDB];
	_ =	sdelay $0x1  }
0x99: {  	s4 =	simm.s32 $_scs_section_size  }
0x9a: {  	s5 =	simm.s32 $_size__tile_overlayer_lowered;
	s6 =	simm.s32 $_tile_overlayer_lowered  }
0x9b: {  	s22 =	simm.s32 $0x1BFF;
	s21 =	sshll.u32 s6, $0x1;
	s3 =	sadd.s32 s4, s19  }
0x9c: {  	s7 =	simm.s32 $0x0;
	s20 =	sshll.u32 s5, $0x1;
	s5 =	sadd.s32 s21, s3  }
0x9d: {  	[timem:s7], [sflag:s22] =	dma.local [hbm:s5], s20  }
0x9e: {  	_ =	swait.ge [sflag:s22], s20  }
0x9f: {  	s4 =	ssub.s32 $0x0, s20;
	[sflag:s22] =	ssyncset.done $0x0  }
0xa0: {  	[sflag:s22] =	ssyncadd.s32 s4;
	_ =	sdelay $0x1  }
0xa1: {  	s23 =	simm.s32 $0x1B8B  }
0xa2: {  	_ =	swait.ge [sflag:s23], $0x1  }
0xa3: {  	[sflag:s23] =	ssyncset.done $0x0  }
0xa4: {  	s25 =	simm.s32 $0x1B8E;
	s24 =	sld [smem:$0x3FFE];
	[sflag:s23] =	ssyncadd.s32 $0xFFFFFFFF  }
0xa5: {  	s26 =	simm.s32 $execute0_lowered;
	[smem:$0x3FD2] =	sst s25  }
0xa6: {  	s5 =	sshll.u32 s26, $0x1;
	_ =	strace $0x80000046;
	[dreg:$0x1] =	wrdreg $0xFFFFFFFF  }
0xa7: {  	s28 =	simm.s32 $_size_execute0_lowered;
	s3 =	sadd.s32 s3, s5;
	[dreg:$0x0] =	wrdreg $0x0  }
0xa8: {  	s5 =	sshll.u32 s28, $0x1;
	[dreg:$0x2] =	wrdreg s3  }
0xa9: {  	[dreg:$0x3] =	wrdreg s5  }
0xaa: {  	[dreg:$0x4] =	wrdreg $0xC0  }
0xab: {  	_ =	task [dreg:s7], $0x5FFFF  }
0xac: {  	[dreg:$0x1] =	wrdreg $0xFFFFFFFF  }
0xad: {  	[dreg:$0x0] =	wrdreg $0x60  }
0xae: {  	[dreg:$0x2] =	wrdreg s2  }
0xaf: {  	[dreg:$0x3] =	wrdreg s24  }
0xb0: {  	[dreg:$0x4] =	wrdreg $0x9  }
0xb1: {  	_ =	task.clear_ibuf [dreg:s7], $0x5FFFF;
	_ =	strace $0x90000046  }
0xb2: {  	s29 =	simm.s32 $0x9;
	_ =	strace $0x80000048  }
0xb3: {  	_ =	swait.ge [sflag:s29], $0x1  }
0xb4: {  	[sflag:s29] =	ssyncadd.s32 $0xFFFFFFFF  }
0xb5: {  	_ =	strace $0x90000048  }
0xb6: {  	_ =	sfence  }
0xb7: {  	s30 =	sld [smem:$0x0];
	_ =	sdelay $0x2  }
0xb8: {  	s31 =	sshll.u32 s1, $0xD;
	s1 =	sshrl.u32 s1, $0x2  }
0xb9: {  	s3 =	sand.u32 $0x4000, s31;
	s1 =	sadd.s32 s1, s30  }
0xba: {  	s0 =	sor.u32 s3, s0;
	s1 =	sshll.u32 s1, $0x11  }
0xbb: {  	s0 =	sor.u32 s1, s0  }
0xbc: {  	s0 =	sadd.s32 $0x8F2B, s0  }
0xbd: {  	[sflag:s0] =	ssyncadd.remote.s32 $0x1  }
0xbe: {  	_ =	sfence.sel $0xFFFF  }
0xbf: {  	[dreg:$0x0] =	wrdreg $0xFFFFFFFF;
	(pc) =	sbr.abs _section_cstart, $3  }
0xc0: {  	[dreg:$0x1] =	wrdreg $0xFFFFFFFF  }
0xc1: {  	_ =	task.clear_ibuf [dreg:s7], $0x2FFFF;
	_ =	strace $0x9FFFFFFF  }
0xc2: {  	(tm) =	ssettm $0x7FFFFFFF  }
0xc3: {  	_ =	shalt  }
tec
execute0_lowered:
.L_overlay_start_1:
0x0: {  	(tag) =	ssettag $0x1  }
0x1: {  	s0 =	rddreg [dreg:$0x0]  }
0x2: {  	s1 =	rddreg [dreg:$0x1];
	s3 =	srdreg.scid  }
0x3: {  	s2 =	simm.s32 $0x0;
	s5 =	stileid.u32;
	s4 =	sand.u32 $0x1, s3  }
0x4: {  	[smem:$0x7FF] =	sst s2;
	s5 =	sshll.u32 s5, $0x8;
	s6 =	sshll.u32 s4, $0x7  }
0x5: {  	vm0 =	vmmov $0x1;
	s3 =	sadd.s32 $0x1A00, s1;
	s4 =	ssub.s32 $0x2, s4;
	s5 =	sor.u32 s6, s5  }
0x6: {  	vm1 =	vcmask $0x308;
	vm2 =	vcmask $0x70C;
	vm3 =	vcmask $0xB10;
	s7 =	sshrl.u32 s4, $0x1;
	s6 =	sshll.u32 s5, $0x6;
	s5 =	sshrl.u32 s5, $0x3  }
0x7: {  	vm4 =	vcmask $0xF14;
	vm5 =	vcmask $0x1318;
	vm6 =	vcmask $0x171C;
	_ =	strace $0x80000047;
	s4 =	ssub.s32 s4, s7;
	s0 =	sadd.s32 s0, s5  }
0x8: {  	vm7 =	vcmask $0x1B20;
	vm8 =	vcmask $0x1F24;
	vm9 =	vcmask $0x2328;
	s1 =	sadd.s32 s6, s1;
	s31 =	smax.u32 s4, $0x1;
	[dreg:$0xe] =	wrdreg s0  }
0x9: {  	vm10 =	vcmask $0x272C;
	vm11 =	vcmask $0x2B30;
	vm12 =	vcmask $0x2F34;
	s30 =	sadd.s32 $0x61C200, s1;
	[dreg:$0x10] =	wrdreg s31  }
0xa: {  	vm13 =	vcmask $0x3338;
	vm14 =	vcmask $0x373C;
	vm15 =	vmmov $0x7fff;
	s4 =	simm.s32 $0x0;
	s1 =	simm.s32 $0x2;
	[dreg:$0xf] =	wrdreg s30  }
.LBB2_1:
0xb: {  	[dreg:$0x11] =	wrdreg s4  }
0xc: {  	s0 =	rddreg [dreg:$0xe]  }
0xd: {  	[tilespmem:s2], [sflag:$0x2] =	stream.linear.gather [hbm4b:s0+s2], $0x80, $0x38;
	[tilespmem:$0x10080] =	vst v63  }
0xe: {  	_ =	swait.ge [sflag:s1], $0x80  }
0xf: {  	[sflag:s1] =	ssyncset.done $0x0  }
0x10: {  	[sflag:s1] =	ssyncadd.s32 $0xFFFFFF80  }
0x11: {  	v6 =	vld [tilespmem:s2+$0x0];
	_ =	sdelay $0x4  }
0x12: {  	v0 =	vsel vm1, $0x0, v6  }
0x13: {  	v1 =	vnsel vm0, $0x0, v6;
	(xrf0) =	vadd.scan.msk.s32 $0xffff, v0  }
0x14: {  	(xrf0) =	vadd.scan.msk.s32 $0xffff, v1;
	_ =	sdelay $0x4  }
0x15: {  	v0, _, _ =	vpop (xrf0)  }
0x16: {  	v1, _, _ =	vpop (xrf0);
	(v2sf) =	vpush v0, $0xF  }
0x17: {  	v45 =	vsel vm9, $0x0, v6;
	(v2sf) =	vpush v1, $0xF  }
0x18: {  	v46 =	vsel vm3, $0x0, v6;
	(xrf0) =	vadd.scan.msk.s32 $0xffff, v45  }
0x19: {  	(xrf0) =	vadd.scan.msk.s32 $0xffff, v46;
	_ =	sdelay $0x2  }
0x1a: {  	v47 =	vsel vm10, $0x0, v6  }
0x1b: {  	v48 =	vsel vm11, $0x0, v6;
	(xrf0) =	vadd.scan.msk.s32 $0xffff, v47  }
0x1c: {  	v49 =	vsel vm2, $0x0, v6;
	(xrf0) =	vadd.scan.msk.s32 $0xffff, v48;
	v5, _, _ =	vpop (xrf0)  }
0x1d: {  	(xrf0) =	vadd.scan.msk.s32 $0xffff, v49;
	v50, _, _ =	vpop (xrf0)  }
0x1e: {  	v52 =	vsel vm6, $0x0, v6;
	(v2sf) =	vpush v50, $0xF  }
0x1f: {  	v53 =	vsel vm12, $0x0, v6;
	(xrf0) =	vadd.scan.msk.s32 $0xffff, v52  }
0x20: {  	v54 =	vsel vm13, $0x0, v6;
	(xrf0) =	vadd.scan.msk.s32 $0xffff, v53  }
0x21: {  	s23 =	simm.s32 $0x80;
	s5 =	simm.s32 $0x480;
	s26 =	simm.s32 $0x880;
	v55 =	vsel vm14, $0x0, v6;
	v4, _, _ =	vpop (xrf0);
	(xrf0) =	vadd.scan.msk.s32 $0xffff, v54  }
0x22: {  	s29 =	simm.s32 $0xC80;
	s30 =	simm.s32 $0x100;
	s7 =	simm.s32 $0x500;
	v56 =	vsel vm4, $0x0, v6;
	v2, _, _ =	vpop (xrf0);
	(xrf0) =	vadd.scan.msk.s32 $0xffff, v55  }
0x23: {  	s12 =	simm.s32 $0x900;
	s13 =	simm.s32 $0xD00;
	v51, _, _ =	vpop (xrf0);
	(xrf0) =	vadd.scan.msk.s32 $0xffff, v56;
	s20 =	spop (v2sf)  }
0x24: {  	s15 =	simm.s32 $0x180;
	s16 =	simm.s32 $0x580;
	(v2sf) =	vpush v51, $0xF;
	s21 =	spop (v2sf)  }
0x25: {  	v7, _, _ =	vpop (xrf0);
	s6 =	sshll.u32 s20, $0x9;
	s22 =	sshll.u32 s21, $0x9;
	s1 =	sshll.u32 s21, $0x7  }
0x26: {  	v3, _, _ =	vpop (xrf0);
	s0 =	sshll.u32 s20, $0x7;
	s4 =	sand.u32 $0xFFFFF000, s22;
	s1 =	sand.u32 $0x380, s1  }
0x27: {  	v57, _, _ =	vpop (xrf0);
	s24 =	sand.u32 $0xFFFFF000, s6;
	s0 =	sand.u32 $0x380, s0;
	s1 =	sor.u32 s1, s4  }
0x28: {  	s19 =	simm.s32 $0x980;
	v0, _, _ =	vpop (xrf0);
	s0 =	sor.u32 s0, s24;
	s1 =	sshrl.u32 s1, $0x3  }
0x29: {  	v8, _, _ =	vpop (xrf0);
	s22 =	simm.s32 $0xD80;
	s0 =	sshrl.u32 s0, $0x3;
	s1 =	sadd.s32 s3, s1  }
0x2a: {  	(v2sf) =	vpush v8, $0xF;
	[tilespmem:s23], [sflag:$0x1] =	stream.linear.gather [hbm4b:s1+s2], $0x80, $0x38;
	[tilespmem:$0x10080] =	vst v63  }
0x2b: {  	s24 =	simm.s32 $0x200;
	s0 =	sadd.s32 s3, s0;
	s25 =	sadd.s32 $0x80, s1  }
0x2c: {  	[tilespmem:s5], [sflag:$0x1] =	stream.linear.gather [hbm4b:s25+s2], $0x80, $0x38;
	[tilespmem:$0x10080] =	vst v63  }
0x2d: {  	s9 =	sadd.s32 $0x80, s0;
	s28 =	sadd.s32 $0x100, s1;
	s31 =	spop (v2sf)  }
0x2e: {  	v58 =	vsel vm5, $0x0, v6;
	[tilespmem:s26], [sflag:$0x1] =	stream.linear.gather [hbm4b:s28+s2], $0x80, $0x38;
	[tilespmem:$0x10080] =	vst v63  }
0x2f: {  	(xrf0) =	vadd.scan.msk.s32 $0xffff, v58;
	s1 =	sadd.s32 $0x180, s1;
	s11 =	sshll.u32 s31, $0x9;
	s4 =	sshll.u32 s31, $0x7  }
0x30: {  	[tilespmem:s29], [sflag:$0x1] =	stream.linear.gather [hbm4b:s1+s2], $0x80, $0x38;
	[tilespmem:$0x10080] =	vst v63  }
0x31: {  	s31 =	simm.s32 $0xE00;
	s14 =	sand.u32 $0xFFFFF000, s11;
	s4 =	sand.u32 $0x380, s4  }
0x32: {  	[tilespmem:s30], [sflag:$0x1] =	stream.linear.gather [hbm4b:s0+s2], $0x80, $0x38;
	[tilespmem:$0x10080] =	vst v63  }
0x33: {  	s25 =	simm.s32 $0x600;
	s11 =	simm.s32 $0x680;
	s8 =	spop (v2sf)  }
0x34: {  	s4 =	sor.u32 s4, s14;
	s10 =	sshll.u32 s8, $0x9;
	s5 =	sshll.u32 s8, $0x7  }
0x35: {  	[tilespmem:s7], [sflag:$0x1] =	stream.linear.gather [hbm4b:s9+s2], $0x80, $0x38;
	[tilespmem:$0x10080] =	vst v63  }
0x36: {  	v8, _, _ =	vpop (xrf0);
	s14 =	simm.s32 $0x300;
	s1 =	sand.u32 $0xFFFFF000, s10;
	s5 =	sand.u32 $0x380, s5  }
0x37: {  	s4 =	sshrl.u32 s4, $0x3;
	(v2sf) =	vpush v8, $0xF;
	s7 =	sadd.s32 $0x100, s0;
	s1 =	sor.u32 s5, s1  }
0x38: {  	[tilespmem:s12], [sflag:$0x1] =	stream.linear.gather [hbm4b:s7+s2], $0x80, $0x38;
	[tilespmem:$0x10080] =	vst v63  }
0x39: {  	s18 =	spop (v2sf);
	s0 =	sadd.s32 $0x180, s0;
	s1 =	sshrl.u32 s1, $0x3  }
0x3a: {  	v59 =	vsel vm8, $0x0, v6;
	(v2sf) =	vpush v7, $0xF;
	[tilespmem:s13], [sflag:$0x1] =	stream.linear.gather [hbm4b:s0+s2], $0x80, $0x38;
	[tilespmem:$0x10080] =	vst v63  }
0x3b: {  	(xrf0) =	vadd.scan.msk.s32 $0xffff, v59;
	s28 =	simm.s32 $0xA00;
	s4 =	sadd.s32 s3, s4;
	s1 =	sadd.s32 s3, s1  }
0x3c: {  	v60 =	vsel vm15, $0x0, v6;
	[tilespmem:s15], [sflag:$0x1] =	stream.linear.gather [hbm4b:s1+s2], $0x80, $0x38;
	[tilespmem:$0x10080] =	vst v63  }
0x3d: {  	(xrf0) =	vadd.scan.msk.s32 $0xffff, v60;
	s26 =	sadd.s32 $0x80, s4;
	s29 =	sadd.s32 $0x100, s4;
	s17 =	sadd.s32 $0x80, s1  }
0x3e: {  	v6 =	vsel vm7, $0x0, v6;
	[tilespmem:s16], [sflag:$0x1] =	stream.linear.gather [hbm4b:s17+s2], $0x80, $0x38;
	[tilespmem:$0x10080] =	vst v63  }
0x3f: {  	(xrf0) =	vadd.scan.msk.s32 $0xffff, v6;
	s30 =	simm.s32 $0x280;
	s21 =	sshll.u32 s18, $0x9;
	s20 =	sadd.s32 $0x100, s1  }
0x40: {  	[tilespmem:s19], [sflag:$0x1] =	stream.linear.gather [hbm4b:s20+s2], $0x80, $0x38;
	[tilespmem:$0x10080] =	vst v63  }
0x41: {  	s23 =	sshll.u32 s18, $0x7;
	s5 =	sand.u32 $0xFFFFF000, s21;
	s1 =	sadd.s32 $0x180, s1  }
0x42: {  	[tilespmem:s22], [sflag:$0x1] =	stream.linear.gather [hbm4b:s1+s2], $0x80, $0x38;
	[tilespmem:$0x10080] =	vst v63  }
0x43: {  	s12 =	simm.s32 $0xA80;
	s0 =	simm.s32 $0x380;
	s1 =	sand.u32 $0x380, s23  }
0x44: {  	v61, _, _ =	vpop (xrf0);
	s15 =	simm.s32 $0xE80;
	s17 =	simm.s32 $0x700;
	s1 =	sor.u32 s1, s5  }
0x45: {  	v62, _, _ =	vpop (xrf0);
	[tilespmem:s24], [sflag:$0x1] =	stream.linear.gather [hbm4b:s4+s2], $0x80, $0x38;
	[tilespmem:$0x10080] =	vst v63  }
0x46: {  	v63, _, _ =	vpop (xrf0);
	s23 =	simm.s32 $0xB00;
	s8 =	spop (v2sf);
	s1 =	sshrl.u32 s1, $0x3  }
0x47: {  	(v2sf) =	vpush v63, $0xF;
	s4 =	sadd.s32 $0x180, s4;
	s9 =	sshll.u32 s8, $0x9;
	s5 =	sshll.u32 s8, $0x7  }
0x48: {  	[tilespmem:s25], [sflag:$0x1] =	stream.linear.gather [hbm4b:s26+s2], $0x80, $0x38;
	[tilespmem:$0x10080] =	vst v63  }
0x49: {  	s16 =	spop (v2sf);
	(v2sf) =	vpush v61, $0xF;
	s24 =	simm.s32 $0x780;
	s8 =	simm.s32 $0xF80  }
0x4a: {  	[tilespmem:s28], [sflag:$0x1] =	stream.linear.gather [hbm4b:s29+s2], $0x80, $0x38;
	[tilespmem:$0x10080] =	vst v63  }
0x4b: {  	s1 =	sadd.s32 s3, s1;
	s5 =	sand.u32 $0x380, s5;
	s18 =	sshll.u32 s16, $0x9  }
0x4c: {  	[tilespmem:s31], [sflag:$0x1] =	stream.linear.gather [hbm4b:s4+s2], $0x80, $0x38;
	[tilespmem:$0x10080] =	vst v63  }
0x4d: {  	s10 =	sadd.s32 $0x80, s1;
	s13 =	sadd.s32 $0x100, s1;
	s4 =	sand.u32 $0xFFFFF000, s9  }
0x4e: {  	s19 =	sand.u32 $0xFFFFF000, s18;
	s25 =	simm.s32 $0xF00;
	s4 =	sor.u32 s5, s4  }
0x4f: {  	[tilespmem:s30], [sflag:$0x1] =	stream.linear.gather [hbm4b:s1+s2], $0x80, $0x38;
	[tilespmem:$0x10080] =	vst v63  }
0x50: {  	s9 =	simm.s32 $0x800;
	s5 =	sshll.u32 s16, $0x7;
	s4 =	sshrl.u32 s4, $0x3  }
0x51: {  	[tilespmem:s11], [sflag:$0x1] =	stream.linear.gather [hbm4b:s10+s2], $0x80, $0x38;
	[tilespmem:$0x10080] =	vst v63  }
0x52: {  	s1 =	sadd.s32 $0x180, s1;
	s21 =	sand.u32 $0x380, s5;
	s4 =	sadd.s32 s3, s4  }
0x53: {  	[tilespmem:s12], [sflag:$0x1] =	stream.linear.gather [hbm4b:s13+s2], $0x80, $0x38;
	[tilespmem:$0x10080] =	vst v63  }
0x54: {  	s20 =	sadd.s32 $0x80, s4;
	s22 =	sadd.s32 $0x100, s4;
	s10 =	simm.s32 $0x400  }
0x55: {  	[tilespmem:s15], [sflag:$0x1] =	stream.linear.gather [hbm4b:s1+s2], $0x80, $0x38;
	[tilespmem:$0x10080] =	vst v63  }
0x56: {  	s11 =	simm.s32 $0xC00;
	s1 =	sor.u32 s21, s19;
	s26 =	spop (v2sf)  }
0x57: {  	s19 =	simm.s32 $0x1000;
	s1 =	sshrl.u32 s1, $0x3;
	s28 =	sshll.u32 s26, $0x9  }
0x58: {  	(v2sf) =	vpush v5, $0xF;
	s6 =	sshll.u32 s26, $0x7;
	s12 =	spop (v2sf);
	s26 =	simm.s32 $0x1C80  }
0x59: {  	[tilespmem:s14], [sflag:$0x1] =	stream.linear.gather [hbm4b:s4+s2], $0x80, $0x38;
	[tilespmem:$0x10080] =	vst v63  }
0x5a: {  	s4 =	sadd.s32 $0x180, s4;
	s1 =	sadd.s32 s3, s1;
	s29 =	sand.u32 $0xFFFFF000, s28  }
0x5b: {  	(v2sf) =	vpush v4, $0xF;
	[tilespmem:s17], [sflag:$0x1] =	stream.linear.gather [hbm4b:s20+s2], $0x80, $0x38;
	[tilespmem:$0x10080] =	vst v63  }
0x5c: {  	s30 =	sand.u32 $0x380, s6;
	s6 =	simm.s32 $0xB80;
	s14 =	simm.s32 $0x1080  }
0x5d: {  	[tilespmem:s23], [sflag:$0x1] =	stream.linear.gather [hbm4b:s22+s2], $0x80, $0x38;
	[tilespmem:$0x10080] =	vst v63  }
0x5e: {  	s15 =	sshll.u32 s12, $0x9;
	s5 =	sshll.u32 s12, $0x7;
	s12 =	simm.s32 $0x1580  }
0x5f: {  	[tilespmem:s25], [sflag:$0x1] =	stream.linear.gather [hbm4b:s4+s2], $0x80, $0x38;
	[tilespmem:$0x10080] =	vst v63  }
0x60: {  	s31 =	sadd.s32 $0x80, s1;
	s7 =	sadd.s32 $0x100, s1;
	s5 =	sand.u32 $0x380, s5  }
0x61: {  	[tilespmem:s0], [sflag:$0x1] =	stream.linear.gather [hbm4b:s1+s2], $0x80, $0x38;
	[tilespmem:$0x10080] =	vst v63  }
0x62: {  	s17 =	simm.s32 $0x1480;
	s0 =	sor.u32 s30, s29;
	s1 =	sadd.s32 $0x180, s1  }
0x63: {  	[tilespmem:s24], [sflag:$0x1] =	stream.linear.gather [hbm4b:s31+s2], $0x80, $0x38;
	[tilespmem:$0x10080] =	vst v63  }
0x64: {  	s29 =	simm.s32 $0x1D00;
	s30 =	simm.s32 $0x1100;
	s0 =	sshrl.u32 s0, $0x3  }
0x65: {  	[tilespmem:s6], [sflag:$0x1] =	stream.linear.gather [hbm4b:s7+s2], $0x80, $0x38;
	[tilespmem:$0x10080] =	vst v63  }
0x66: {  	s0 =	sadd.s32 s3, s0;
	s24 =	simm.s32 $0x1880;
	s6 =	sand.u32 $0xFFFFF000, s15  }
0x67: {  	s13 =	sadd.s32 $0x80, s0;
	s18 =	spop (v2sf);
	s5 =	sor.u32 s5, s6  }
0x68: {  	[tilespmem:s8], [sflag:$0x1] =	stream.linear.gather [hbm4b:s1+s2], $0x80, $0x38;
	[tilespmem:$0x10080] =	vst v63  }
0x69: {  	s16 =	sadd.s32 $0x100, s0;
	s5 =	sshrl.u32 s5, $0x3;
	s20 =	sshll.u32 s18, $0x9  }
0x6a: {  	s21 =	sshll.u32 s18, $0x7;
	s31 =	spop (v2sf);
	s8 =	simm.s32 $0x1500  }
0x6b: {  	s18 =	simm.s32 $0x1980;
	s5 =	sadd.s32 s3, s5;
	s22 =	sand.u32 $0x380, s21  }
0x6c: {  	(v2sf) =	vpush v2, $0xF;
	[tilespmem:s10], [sflag:$0x1] =	stream.linear.gather [hbm4b:s0+s2], $0x80, $0x38;
	[tilespmem:$0x10080] =	vst v63  }
0x6d: {  	s4 =	sshll.u32 s31, $0x7;
	s21 =	simm.s32 $0x1280;
	s10 =	sshll.u32 s31, $0x9  }
0x6e: {  	(v2sf) =	vpush v3, $0xF;
	[tilespmem:s9], [sflag:$0x1] =	stream.linear.gather [hbm4b:s13+s2], $0x80, $0x38;
	[tilespmem:$0x10080] =	vst v63  }
0x6f: {  	s0 =	sadd.s32 $0x180, s0;
	s4 =	sand.u32 $0x380, s4;
	s6 =	sand.u32 $0xFFFFF000, s10  }
0x70: {  	[tilespmem:s11], [sflag:$0x1] =	stream.linear.gather [hbm4b:s16+s2], $0x80, $0x38;
	[tilespmem:$0x10080] =	vst v63  }
0x71: {  	s23 =	sadd.s32 $0x80, s5;
	s25 =	sadd.s32 $0x100, s5;
	s4 =	sor.u32 s4, s6  }
0x72: {  	[tilespmem:s19], [sflag:$0x1] =	stream.linear.gather [hbm4b:s0+s2], $0x80, $0x38;
	[tilespmem:$0x10080] =	vst v63  }
0x73: {  	s28 =	sadd.s32 $0x180, s5;
	s4 =	sshrl.u32 s4, $0x3;
	s0 =	sand.u32 $0xFFFFF000, s20  }
0x74: {  	[tilespmem:s14], [sflag:$0x1] =	stream.linear.gather [hbm4b:s5+s2], $0x80, $0x38;
	[tilespmem:$0x10080] =	vst v63  }
0x75: {  	s9 =	simm.s32 $0x1900;
	s4 =	sadd.s32 s3, s4;
	s0 =	sor.u32 s22, s0  }
0x76: {  	[tilespmem:s17], [sflag:$0x1] =	stream.linear.gather [hbm4b:s23+s2], $0x80, $0x38;
	[tilespmem:$0x10080] =	vst v63  }
0x77: {  	s13 =	simm.s32 $0x1180;
	s19 =	sadd.s32 $0x100, s4;
	s0 =	sshrl.u32 s0, $0x3  }
0x78: {  	[tilespmem:s24], [sflag:$0x1] =	stream.linear.gather [hbm4b:s25+s2], $0x80, $0x38;
	[tilespmem:$0x10080] =	vst v63  }
0x79: {  	s20 =	simm.s32 $0x1D80;
	s22 =	simm.s32 $0x1200;
	s0 =	sadd.s32 s3, s0  }
0x7a: {  	[tilespmem:s26], [sflag:$0x1] =	stream.linear.gather [hbm4b:s28+s2], $0x80, $0x38;
	[tilespmem:$0x10080] =	vst v63  }
0x7b: {  	s7 =	sadd.s32 $0x80, s0;
	s11 =	sadd.s32 $0x100, s0;
	s14 =	spop (v2sf)  }
0x7c: {  	[tilespmem:s30], [sflag:$0x1] =	stream.linear.gather [hbm4b:s0+s2], $0x80, $0x38;
	[tilespmem:$0x10080] =	vst v63  }
0x7d: {  	s17 =	sadd.s32 $0x80, s4;
	s23 =	simm.s32 $0x1600;
	s24 =	spop (v2sf)  }
0x7e: {  	(v2sf) =	vpush v57, $0xF;
	[tilespmem:s8], [sflag:$0x1] =	stream.linear.gather [hbm4b:s7+s2], $0x80, $0x38;
	[tilespmem:$0x10080] =	vst v63  }
0x7f: {  	s16 =	sshll.u32 s14, $0x7;
	s28 =	sshll.u32 s24, $0x9;
	s5 =	sshll.u32 s24, $0x7  }
0x80: {  	[tilespmem:s9], [sflag:$0x1] =	stream.linear.gather [hbm4b:s11+s2], $0x80, $0x38;
	[tilespmem:$0x10080] =	vst v63  }
0x81: {  	s6 =	sand.u32 $0xFFFFF000, s28;
	s5 =	sand.u32 $0x380, s5;
	s0 =	sadd.s32 $0x180, s0  }
0x82: {  	[tilespmem:s29], [sflag:$0x1] =	stream.linear.gather [hbm4b:s0+s2], $0x80, $0x38;
	[tilespmem:$0x10080] =	vst v63  }
0x83: {  	s15 =	sshll.u32 s14, $0x9;
	s1 =	sand.u32 $0x380, s16;
	s5 =	sor.u32 s5, s6  }
0x84: {  	[tilespmem:s13], [sflag:$0x1] =	stream.linear.gather [hbm4b:s4+s2], $0x80, $0x38;
	[tilespmem:$0x10080] =	vst v63  }
0x85: {  	s26 =	simm.s32 $0x1A00;
	s5 =	sshrl.u32 s5, $0x3;
	s0 =	sand.u32 $0xFFFFF000, s15  }
0x86: {  	[tilespmem:s12], [sflag:$0x1] =	stream.linear.gather [hbm4b:s17+s2], $0x80, $0x38;
	[tilespmem:$0x10080] =	vst v63  }
0x87: {  	s30 =	simm.s32 $0x1E00;
	s5 =	sadd.s32 s3, s5;
	s0 =	sor.u32 s1, s0  }
0x88: {  	(v2sf) =	vpush v0, $0xF;
	[tilespmem:s18], [sflag:$0x1] =	stream.linear.gather [hbm4b:s19+s2], $0x80, $0x38;
	[tilespmem:$0x10080] =	vst v63  }
0x89: {  	s14 =	sadd.s32 $0x100, s5;
	s0 =	sshrl.u32 s0, $0x3;
	s4 =	sadd.s32 $0x180, s4  }
0x8a: {  	[tilespmem:s20], [sflag:$0x1] =	stream.linear.gather [hbm4b:s4+s2], $0x80, $0x38;
	[tilespmem:$0x10080] =	vst v63  }
0x8b: {  	s16 =	sadd.s32 $0x180, s5;
	s15 =	simm.s32 $0x1A80;
	s0 =	sadd.s32 s3, s0  }
0x8c: {  	[tilespmem:s22], [sflag:$0x1] =	stream.linear.gather [hbm4b:s0+s2], $0x80, $0x38;
	[tilespmem:$0x10080] =	vst v63  }
0x8d: {  	s13 =	simm.s32 $0x1680;
	s25 =	sadd.s32 $0x80, s0;
	s31 =	spop (v2sf)  }
0x8e: {  	(v2sf) =	vpush v62, $0xF;
	[tilespmem:s23], [sflag:$0x1] =	stream.linear.gather [hbm4b:s25+s2], $0x80, $0x38;
	[tilespmem:$0x10080] =	vst v63  }
0x8f: {  	s29 =	sadd.s32 $0x100, s0;
	s8 =	sshll.u32 s31, $0x9;
	s10 =	sshll.u32 s31, $0x7  }
0x90: {  	[tilespmem:s26], [sflag:$0x1] =	stream.linear.gather [hbm4b:s29+s2], $0x80, $0x38;
	[tilespmem:$0x10080] =	vst v63  }
0x91: {  	s9 =	sand.u32 $0xFFFFF000, s8;
	s11 =	sand.u32 $0x380, s10;
	s0 =	sadd.s32 $0x180, s0  }
0x92: {  	[tilespmem:s30], [sflag:$0x1] =	stream.linear.gather [hbm4b:s0+s2], $0x80, $0x38;
	[tilespmem:$0x10080] =	vst v63  }
0x93: {  	s12 =	sadd.s32 $0x80, s5;
	s17 =	simm.s32 $0x1E80;
	s0 =	sor.u32 s11, s9  }
0x94: {  	s18 =	simm.s32 $0x1300;
	s19 =	simm.s32 $0x1700;
	s0 =	sshrl.u32 s0, $0x3  }
0x95: {  	[tilespmem:s21], [sflag:$0x1] =	stream.linear.gather [hbm4b:s5+s2], $0x80, $0x38;
	[tilespmem:$0x10080] =	vst v63  }
0x96: {  	s23 =	simm.s32 $0x1B00;
	s26 =	simm.s32 $0x1F00;
	s0 =	sadd.s32 s3, s0  }
0x97: {  	s11 =	simm.s32 $0x8000;
	s21 =	spop (v2sf);
	s20 =	sadd.s32 $0x80, s0  }
0x98: {  	[tilespmem:s13], [sflag:$0x1] =	stream.linear.gather [hbm4b:s12+s2], $0x80, $0x38;
	[tilespmem:$0x10080] =	vst v63  }
0x99: {  	s22 =	sadd.s32 $0x100, s0;
	s24 =	sshll.u32 s21, $0x9;
	s1 =	sshll.u32 s21, $0x7  }
0x9a: {  	[tilespmem:s15], [sflag:$0x1] =	stream.linear.gather [hbm4b:s14+s2], $0x80, $0x38;
	[tilespmem:$0x10080] =	vst v63  }
0x9b: {  	s13 =	simm.s32 $0x0;
	s4 =	sand.u32 $0xFFFFF000, s24;
	s1 =	sand.u32 $0x380, s1  }
0x9c: {  	[tilespmem:s17], [sflag:$0x1] =	stream.linear.gather [hbm4b:s16+s2], $0x80, $0x38;
	[tilespmem:$0x10080] =	vst v63  }
0x9d: {  	s25 =	spop (v2sf);
	s24 =	simm.s32 $0x0;
	s1 =	sor.u32 s1, s4  }
0x9e: {  	[tilespmem:s18], [sflag:$0x1] =	stream.linear.gather [hbm4b:s0+s2], $0x80, $0x38;
	[tilespmem:$0x10080] =	vst v63  }
0x9f: {  	s29 =	sshll.u32 s25, $0x9;
	s5 =	sshll.u32 s25, $0x7;
	s28 =	sshrl.u32 s1, $0x3  }
0xa0: {  	[tilespmem:s19], [sflag:$0x1] =	stream.linear.gather [hbm4b:s20+s2], $0x80, $0x38;
	[tilespmem:$0x10080] =	vst v63  }
0xa1: {  	s30 =	sand.u32 $0xFFFFF000, s29;
	s31 =	sand.u32 $0x380, s5;
	s5 =	simm.s32 $0x1380  }
0xa2: {  	[tilespmem:s23], [sflag:$0x1] =	stream.linear.gather [hbm4b:s22+s2], $0x80, $0x38;
	[tilespmem:$0x10080] =	vst v63  }
0xa3: {  	s1 =	sadd.s32 s3, s28;
	s4 =	sor.u32 s31, s30;
	s0 =	sadd.s32 $0x180, s0  }
0xa4: {  	[tilespmem:s26], [sflag:$0x1] =	stream.linear.gather [hbm4b:s0+s2], $0x80, $0x38;
	[tilespmem:$0x10080] =	vst v63  }
.LBB2_2:
0xa5: {  	[tilespmem:s5], [sflag:$0x1] =	stream.linear.gather [hbm4b:s1+s2], $0x80, $0x38;
	[tilespmem:$0x10080] =	vst v63  }
0xa6: {  	s9 =	sadd.s32 $0x80, s1;
	s6 =	sadd.s32 $0x1780, s13  }
0xa7: {  	[tilespmem:s6], [sflag:$0x1] =	stream.linear.gather [hbm4b:s9+s2], $0x80, $0x38;
	[tilespmem:$0x10080] =	vst v63  }
0xa8: {  	s10 =	sadd.s32 $0x100, s1;
	s12 =	sadd.s32 $0x1B80, s13  }
0xa9: {  	[tilespmem:s12], [sflag:$0x1] =	stream.linear.gather [hbm4b:s10+s2], $0x80, $0x38;
	[tilespmem:$0x10080] =	vst v63  }
0xaa: {  	s14 =	sadd.s32 $0x180, s1;
	s15 =	sadd.s32 $0x1F80, s13;
	s4 =	sshrl.u32 s4, $0x3  }
0xab: {  	[tilespmem:s15], [sflag:$0x1] =	stream.linear.gather [hbm4b:s14+s2], $0x80, $0x38;
	[tilespmem:$0x10080] =	vst v63  }
0xac: {  	s17 =	sadd.s32 $0x1400, s13;
	s16 =	sadd.s32 s3, s4  }
0xad: {  	[tilespmem:s17], [sflag:$0x1] =	stream.linear.gather [hbm4b:s16+s2], $0x80, $0x38;
	[tilespmem:$0x10080] =	vst v63  }
0xae: {  	s19 =	sadd.s32 $0x1800, s13;
	s18 =	sadd.s32 $0x80, s16  }
0xaf: {  	[tilespmem:s19], [sflag:$0x1] =	stream.linear.gather [hbm4b:s18+s2], $0x80, $0x38;
	[tilespmem:$0x10080] =	vst v63  }
0xb0: {  	s21 =	sadd.s32 $0x1C00, s13;
	s20 =	sadd.s32 $0x100, s16  }
0xb1: {  	[tilespmem:s21], [sflag:$0x1] =	stream.linear.gather [hbm4b:s20+s2], $0x80, $0x38;
	[tilespmem:$0x10080] =	vst v63  }
0xb2: {  	s24 =	sadd.s32 $0x10, s24;
	s22 =	sadd.s32 $0x2000, s13;
	s1 =	sadd.s32 $0x180, s16  }
0xb3: {  	[tilespmem:s22], [sflag:$0x1] =	stream.linear.gather [hbm4b:s1+s2], $0x80, $0x38;
	[tilespmem:$0x10080] =	vst v63  }
0xb4: {  	v7 =	vld [tilespmem:s24+$0x0];
	_ =	sdelay $0x4  }
0xb5: {  	v1 =	vsel vm1, $0x0, v7  }
0xb6: {  	v0 =	vnsel vm0, $0x0, v7;
	(xrf0) =	vadd.scan.msk.s32 $0xffff, v1  }
0xb7: {  	v44 =	vsel vm9, $0x0, v7;
	(xrf0) =	vadd.scan.msk.s32 $0xffff, v0  }
0xb8: {  	v45 =	vsel vm3, $0x0, v7;
	(xrf0) =	vadd.scan.msk.s32 $0xffff, v44  }
0xb9: {  	v46 =	vsel vm10, $0x0, v7;
	(xrf0) =	vadd.scan.msk.s32 $0xffff, v45  }
0xba: {  	v47 =	vsel vm11, $0x0, v7;
	(xrf0) =	vadd.scan.msk.s32 $0xffff, v46  }
0xbb: {  	v48 =	vsel vm2, $0x0, v7;
	(xrf0) =	vadd.scan.msk.s32 $0xffff, v47  }
0xbc: {  	v4, _, _ =	vpop (xrf0);
	(xrf0) =	vadd.scan.msk.s32 $0xffff, v48  }
0xbd: {  	s0 =	smov.u32 s11;
	v5, _, _ =	vpop (xrf0);
	(v2sf) =	vpush v4, $0xF  }
0xbe: {  	p0 =	sne.s32 s11, $0x38000;
	s13 =	sshra.s32 s0, $0x2;
	(v2sf) =	vpush v5, $0xF;
	v6, _, _ =	vpop (xrf0)  }
0xbf: {  	s11 =	sadd.s32 $0x8000, s11;
	s0 =	sadd.s32 $0x500, s13;
	s25 =	sadd.s32 $0x800, s13;
	v9, _, _ =	vpop (xrf0)  }
0xc0: {  	s9 =	sadd.s32 $0x880, s13;
	s29 =	sadd.s32 $0x400, s13;
	s23 =	sadd.s32 $0x1D00, s13;
	v49 =	vsel vm6, $0x0, v7;
	v53, _, _ =	vpop (xrf0)  }
0xc1: {  	s4 =	sadd.s32 $0x300, s13;
	s26 =	sadd.s32 $0x1280, s13;
	[dreg:$0x9] =	wrdreg s23;
	v50 =	vsel vm12, $0x0, v7;
	(xrf0) =	vadd.scan.msk.s32 $0xffff, v49;
	v54, _, _ =	vpop (xrf0)  }
0xc2: {  	s6 =	sadd.s32 $0x280, s13;
	s28 =	sadd.s32 $0x1E00, s13;
	[dreg:$0x5] =	wrdreg s26;
	v51 =	vsel vm13, $0x0, v7;
	(xrf0) =	vadd.scan.msk.s32 $0xffff, v50;
	(v2sf) =	vpush v9, $0xF;
	v55, _, _ =	vpop (xrf0)  }
0xc3: {  	s31 =	sadd.s32 $0xC00, s13;
	s30 =	sadd.s32 $0x1300, s13;
	[dreg:$0x6] =	wrdreg s28;
	v52 =	vsel vm14, $0x0, v7;
	(xrf0) =	vadd.scan.msk.s32 $0xffff, v51;
	(v2sf) =	vpush v55, $0xF  }
0xc4: {  	s7 =	sadd.s32 $0x1700, s13;
	s8 =	sadd.s32 $0x1580, s13;
	[dreg:$0x4] =	wrdreg s30;
	v10 =	vsel vm4, $0x0, v7;
	(xrf0) =	vadd.scan.msk.s32 $0xffff, v52  }
0xc5: {  	s5 =	sadd.s32 $0x700, s13;
	s28 =	sadd.s32 $0x1080, s13;
	[dreg:$0x3] =	wrdreg s7;
	(xrf0) =	vadd.scan.msk.s32 $0xffff, v10  }
0xc6: {  	[dreg:$0xb] =	wrdreg s8;
	s7 =	sadd.s32 $0xE80, s13;
	s30 =	sadd.s32 $0x1480, s13  }
0xc7: {  	s8 =	sadd.s32 $0x1180, s13;
	s26 =	sadd.s32 $0x1100, s13;
	s12 =	sadd.s32 $0x100, s13;
	v56, _, _ =	vpop (xrf0)  }
0xc8: {  	s10 =	sadd.s32 $0xE00, s13;
	[dreg:$0xd] =	wrdreg s8;
	s18 =	sadd.s32 $0x1A00, s13;
	v57, _, _ =	vpop (xrf0)  }
0xc9: {  	s14 =	sadd.s32 $0x380, s13;
	s19 =	sadd.s32 $0x1980, s13;
	[dreg:$0x7] =	wrdreg s18;
	v58, _, _ =	vpop (xrf0)  }
0xca: {  	s15 =	sadd.s32 $0xC80, s13;
	[dreg:$0xc] =	wrdreg s19;
	s20 =	sadd.s32 $0x1D80, s13;
	v59, _, _ =	vpop (xrf0)  }
0xcb: {  	s16 =	sadd.s32 $0x80, s13;
	s21 =	sadd.s32 $0x1600, s13;
	[dreg:$0xa] =	wrdreg s20;
	v60, _, _ =	vpop (xrf0)  }
0xcc: {  	s17 =	sadd.s32 $0x480, s13;
	[dreg:$0x8] =	wrdreg s21;
	(v2sf) =	vpush v60, $0xF;
	s22 =	spop (v2sf)  }
0xcd: {  	s1 =	sadd.s32 $0x780, s13;
	v2 =	vsel vm5, $0x0, v7;
	s18 =	sshll.u32 s22, $0x9;
	s19 =	spop (v2sf)  }
0xce: {  	(xrf0) =	vadd.scan.msk.s32 $0xffff, v2;
	s8 =	sshll.u32 s22, $0x7;
	s20 =	sshll.u32 s19, $0x9;
	s19 =	sshll.u32 s19, $0x7  }
0xcf: {  	s18 =	sand.u32 $0xFFFFF000, s18;
	s8 =	sand.u32 $0x380, s8;
	s20 =	sand.u32 $0xFFFFF000, s20  }
0xd0: {  	s21 =	sand.u32 $0x380, s19;
	s19 =	sadd.s32 $0xF00, s13;
	s8 =	sor.u32 s8, s18  }
0xd1: {  	s18 =	spop (v2sf);
	s20 =	sor.u32 s21, s20;
	s8 =	sshrl.u32 s8, $0x3  }
0xd2: {  	s20 =	sshrl.u32 s20, $0x3;
	s8 =	sadd.s32 s3, s8;
	s23 =	spop (v2sf)  }
0xd3: {  	s20 =	sadd.s32 s3, s20;
	s22 =	sshll.u32 s23, $0x9;
	s21 =	sshll.u32 s23, $0x7  }
0xd4: {  	v61, _, _ =	vpop (xrf0);
	[tilespmem:s16], [sflag:$0x1] =	stream.linear.gather [hbm4b:s20+s2], $0x80, $0x38;
	[tilespmem:$0x10080] =	vst v63  }
0xd5: {  	(v2sf) =	vpush v61, $0xF;
	s23 =	sshll.u32 s18, $0x9;
	s18 =	sshll.u32 s18, $0x7;
	s16 =	sadd.s32 $0x80, s20  }
0xd6: {  	s22 =	sand.u32 $0xFFFFF000, s22;
	s21 =	sand.u32 $0x380, s21;
	s18 =	sand.u32 $0x380, s18  }
0xd7: {  	v3 =	vsel vm8, $0x0, v7;
	[tilespmem:s17], [sflag:$0x1] =	stream.linear.gather [hbm4b:s16+s2], $0x80, $0x38;
	[tilespmem:$0x10080] =	vst v63  }
0xd8: {  	v8 =	vsel vm15, $0x0, v7;
	(xrf0) =	vadd.scan.msk.s32 $0xffff, v3;
	s21 =	sor.u32 s21, s22;
	s22 =	sand.u32 $0xFFFFF000, s23;
	s16 =	sadd.s32 $0x100, s20  }
0xd9: {  	(xrf0) =	vadd.scan.msk.s32 $0xffff, v8;
	s21 =	sshrl.u32 s21, $0x3;
	s17 =	sor.u32 s18, s22;
	s22 =	sadd.s32 $0x180, s20  }
0xda: {  	[tilespmem:s9], [sflag:$0x1] =	stream.linear.gather [hbm4b:s16+s2], $0x80, $0x38;
	[tilespmem:$0x10080] =	vst v63  }
0xdb: {  	s20 =	sadd.s32 $0x900, s13;
	s23 =	spop (v2sf);
	s9 =	sadd.s32 $0x1C80, s13  }
0xdc: {  	s17 =	sshrl.u32 s17, $0x3;
	s18 =	sshll.u32 s23, $0x9;
	s23 =	sshll.u32 s23, $0x7  }
0xdd: {  	[tilespmem:s15], [sflag:$0x1] =	stream.linear.gather [hbm4b:s22+s2], $0x80, $0x38;
	[tilespmem:$0x10080] =	vst v63  }
0xde: {  	s16 =	sadd.s32 $0xA80, s13;
	s22 =	sand.u32 $0xFFFFF000, s18;
	s23 =	sand.u32 $0x380, s23  }
0xdf: {  	v7 =	vsel vm7, $0x0, v7;
	v62, _, _ =	vpop (xrf0);
	[tilespmem:s12], [sflag:$0x1] =	stream.linear.gather [hbm4b:s8+s2], $0x80, $0x38;
	[tilespmem:$0x10080] =	vst v63  }
0xe0: {  	v63, _, _ =	vpop (xrf0);
	(xrf0) =	vadd.scan.msk.s32 $0xffff, v7;
	s18 =	sadd.s32 $0x80, s8;
	s15 =	sor.u32 s23, s22;
	s22 =	sadd.s32 $0x100, s8  }
0xe1: {  	[tilespmem:s0], [sflag:$0x1] =	stream.linear.gather [hbm4b:s18+s2], $0x80, $0x38;
	[tilespmem:$0x10080] =	vst v63  }
0xe2: {  	s23 =	sadd.s32 $0xD00, s13;
	s8 =	sadd.s32 $0x180, s8;
	s0 =	sshrl.u32 s15, $0x3  }
0xe3: {  	(v2sf) =	vpush v56, $0xF;
	[tilespmem:s20], [sflag:$0x1] =	stream.linear.gather [hbm4b:s22+s2], $0x80, $0x38;
	[tilespmem:$0x10080] =	vst v63  }
0xe4: {  	s0 =	sadd.s32 s3, s0;
	s20 =	sadd.s32 $0x180, s13;
	s22 =	spop (v2sf)  }
0xe5: {  	[tilespmem:s23], [sflag:$0x1] =	stream.linear.gather [hbm4b:s8+s2], $0x80, $0x38;
	[tilespmem:$0x10080] =	vst v63  }
0xe6: {  	s8 =	sadd.s32 s3, s21;
	s23 =	sadd.s32 $0x580, s13;
	s21 =	sadd.s32 $0x980, s13  }
0xe7: {  	v7, _, _ =	vpop (xrf0);
	[tilespmem:s20], [sflag:$0x1] =	stream.linear.gather [hbm4b:s8+s2], $0x80, $0x38;
	[tilespmem:$0x10080] =	vst v63  }
0xe8: {  	(v2sf) =	vpush v7, $0xF;
	s18 =	sshll.u32 s22, $0x9;
	s15 =	sshll.u32 s22, $0x7;
	s20 =	sadd.s32 $0x80, s8  }
0xe9: {  	[tilespmem:s23], [sflag:$0x1] =	stream.linear.gather [hbm4b:s20+s2], $0x80, $0x38;
	[tilespmem:$0x10080] =	vst v63  }
0xea: {  	s22 =	sadd.s32 $0x100, s8;
	s18 =	sand.u32 $0xFFFFF000, s18;
	s15 =	sand.u32 $0x380, s15  }
0xeb: {  	[tilespmem:s21], [sflag:$0x1] =	stream.linear.gather [hbm4b:s22+s2], $0x80, $0x38;
	[tilespmem:$0x10080] =	vst v63  }
0xec: {  	s8 =	sadd.s32 $0x180, s8;
	s15 =	sor.u32 s15, s18;
	s23 =	sadd.s32 $0xD80, s13  }
0xed: {  	[tilespmem:s23], [sflag:$0x1] =	stream.linear.gather [hbm4b:s8+s2], $0x80, $0x38;
	[tilespmem:$0x10080] =	vst v63  }
0xee: {  	s18 =	sadd.s32 $0x680, s13;
	s20 =	sadd.s32 $0x200, s13;
	s8 =	sadd.s32 s3, s17  }
0xef: {  	[tilespmem:s20], [sflag:$0x1] =	stream.linear.gather [hbm4b:s8+s2], $0x80, $0x38;
	[tilespmem:$0x10080] =	vst v63  }
0xf0: {  	s21 =	sadd.s32 $0x600, s13;
	s23 =	sadd.s32 $0xA00, s13;
	s22 =	sadd.s32 $0x80, s8  }
0xf1: {  	[tilespmem:s21], [sflag:$0x1] =	stream.linear.gather [hbm4b:s22+s2], $0x80, $0x38;
	[tilespmem:$0x10080] =	vst v63  }
0xf2: {  	s17 =	sadd.s32 $0x80, s0;
	s20 =	sadd.s32 $0x100, s8;
	s21 =	spop (v2sf)  }
0xf3: {  	(v2sf) =	vpush v62, $0xF;
	[tilespmem:s23], [sflag:$0x1] =	stream.linear.gather [hbm4b:s20+s2], $0x80, $0x38;
	[tilespmem:$0x10080] =	vst v63  }
0xf4: {  	s8 =	sadd.s32 $0x180, s8;
	s22 =	sshll.u32 s21, $0x9;
	s23 =	sshll.u32 s21, $0x7  }
0xf5: {  	(v2sf) =	vpush v6, $0xF;
	[tilespmem:s10], [sflag:$0x1] =	stream.linear.gather [hbm4b:s8+s2], $0x80, $0x38;
	[tilespmem:$0x10080] =	vst v63  }
0xf6: {  	s20 =	sadd.s32 $0x100, s0;
	s12 =	sand.u32 $0x380, s23;
	s10 =	sand.u32 $0xFFFFF000, s22  }
0xf7: {  	s21 =	sshrl.u32 s15, $0x3;
	s22 =	spop (v2sf);
	s8 =	sor.u32 s12, s10  }
0xf8: {  	s23 =	sshll.u32 s22, $0x9;
	s12 =	sshll.u32 s22, $0x7;
	s10 =	sadd.s32 s3, s21  }
0xf9: {  	[tilespmem:s6], [sflag:$0x1] =	stream.linear.gather [hbm4b:s0+s2], $0x80, $0x38;
	[tilespmem:$0x10080] =	vst v63  }
0xfa: {  	s6 =	sand.u32 $0xFFFFF000, s23;
	s15 =	sand.u32 $0x380, s12;
	s8 =	sshrl.u32 s8, $0x3  }
0xfb: {  	[tilespmem:s18], [sflag:$0x1] =	stream.linear.gather [hbm4b:s17+s2], $0x80, $0x38;
	[tilespmem:$0x10080] =	vst v63  }
0xfc: {  	(v2sf) =	vpush v53, $0xF;
	s0 =	sadd.s32 $0x180, s0;
	s6 =	sor.u32 s15, s6;
	s8 =	sadd.s32 s3, s8  }
0xfd: {  	[tilespmem:s16], [sflag:$0x1] =	stream.linear.gather [hbm4b:s20+s2], $0x80, $0x38;
	[tilespmem:$0x10080] =	vst v63  }
0xfe: {  	s17 =	sadd.s32 $0x100, s10;
	s18 =	sadd.s32 $0xB00, s13;
	s6 =	sshrl.u32 s6, $0x3  }
0xff: {  	[tilespmem:s7], [sflag:$0x1] =	stream.linear.gather [hbm4b:s0+s2], $0x80, $0x38;
	[tilespmem:$0x10080] =	vst v63  }
0x100: {  	s12 =	sadd.s32 $0x80, s8;
	s15 =	sadd.s32 $0x100, s8;
	s16 =	sadd.s32 $0x80, s10  }
0x101: {  	[tilespmem:s4], [sflag:$0x1] =	stream.linear.gather [hbm4b:s10+s2], $0x80, $0x38;
	[tilespmem:$0x10080] =	vst v63  }
0x102: {  	s20 =	sadd.s32 $0x180, s10;
	s0 =	sadd.s32 $0x1900, s13;
	s21 =	spop (v2sf)  }
0x103: {  	[tilespmem:s5], [sflag:$0x1] =	stream.linear.gather [hbm4b:s16+s2], $0x80, $0x38;
	[tilespmem:$0x10080] =	vst v63  }
0x104: {  	s22 =	sshll.u32 s21, $0x9;
	s5 =	sshll.u32 s21, $0x7;
	s23 =	spop (v2sf)  }
0x105: {  	s4 =	sand.u32 $0xFFFFF000, s22;
	s5 =	sand.u32 $0x380, s5;
	s16 =	sshll.u32 s23, $0x9  }
0x106: {  	[tilespmem:s18], [sflag:$0x1] =	stream.linear.gather [hbm4b:s17+s2], $0x80, $0x38;
	[tilespmem:$0x10080] =	vst v63  }
0x107: {  	s7 =	sshll.u32 s23, $0x7;
	s4 =	sor.u32 s5, s4;
	s17 =	sadd.s32 $0x180, s8  }
0x108: {  	(v2sf) =	vpush v54, $0xF;
	[tilespmem:s19], [sflag:$0x1] =	stream.linear.gather [hbm4b:s20+s2], $0x80, $0x38;
	[tilespmem:$0x10080] =	vst v63  }
0x109: {  	s18 =	sadd.s32 $0xF80, s13;
	s5 =	sand.u32 $0xFFFFF000, s16;
	s21 =	sand.u32 $0x380, s7  }
0x10a: {  	[tilespmem:s14], [sflag:$0x1] =	stream.linear.gather [hbm4b:s8+s2], $0x80, $0x38;
	[tilespmem:$0x10080] =	vst v63  }
0x10b: {  	s16 =	sadd.s32 $0x1880, s13;
	s5 =	sor.u32 s21, s5;
	s23 =	spop (v2sf)  }
0x10c: {  	[tilespmem:s1], [sflag:$0x1] =	stream.linear.gather [hbm4b:s12+s2], $0x80, $0x38;
	[tilespmem:$0x10080] =	vst v63  }
0x10d: {  	s4 =	sshrl.u32 s4, $0x3;
	s19 =	sadd.s32 $0x1000, s13;
	s14 =	sadd.s32 $0xB80, s13  }
0x10e: {  	[tilespmem:s14], [sflag:$0x1] =	stream.linear.gather [hbm4b:s15+s2], $0x80, $0x38;
	[tilespmem:$0x10080] =	vst v63  }
0x10f: {  	s20 =	sadd.s32 s3, s6;
	s5 =	sshrl.u32 s5, $0x3;
	s6 =	sshll.u32 s23, $0x7  }
0x110: {  	[tilespmem:s18], [sflag:$0x1] =	stream.linear.gather [hbm4b:s17+s2], $0x80, $0x38;
	[tilespmem:$0x10080] =	vst v63  }
0x111: {  	s22 =	sadd.s32 $0x80, s20;
	s6 =	sand.u32 $0x380, s6;
	s8 =	rddreg [dreg:$0x9]  }
0x112: {  	(v2sf) =	vpush v57, $0xF;
	[tilespmem:s29], [sflag:$0x1] =	stream.linear.gather [hbm4b:s20+s2], $0x80, $0x38;
	[tilespmem:$0x10080] =	vst v63  }
0x113: {  	s1 =	sadd.s32 $0x180, s20;
	s12 =	sadd.s32 s3, s4;
	s29 =	sshll.u32 s23, $0x9  }
0x114: {  	[tilespmem:s25], [sflag:$0x1] =	stream.linear.gather [hbm4b:s22+s2], $0x80, $0x38;
	[tilespmem:$0x10080] =	vst v63  }
0x115: {  	s15 =	sadd.s32 $0x80, s12;
	s14 =	sand.u32 $0xFFFFF000, s29;
	s25 =	sadd.s32 $0x100, s20  }
0x116: {  	[tilespmem:s31], [sflag:$0x1] =	stream.linear.gather [hbm4b:s25+s2], $0x80, $0x38;
	[tilespmem:$0x10080] =	vst v63  }
0x117: {  	s17 =	sadd.s32 $0x100, s12;
	s18 =	spop (v2sf);
	s4 =	sor.u32 s6, s14  }
0x118: {  	(v2sf) =	vpush v58, $0xF;
	[tilespmem:s19], [sflag:$0x1] =	stream.linear.gather [hbm4b:s1+s2], $0x80, $0x38;
	[tilespmem:$0x10080] =	vst v63  }
0x119: {  	s7 =	sshll.u32 s18, $0x7;
	s20 =	sadd.s32 s3, s5;
	s4 =	sshrl.u32 s4, $0x3  }
0x11a: {  	[tilespmem:s28], [sflag:$0x1] =	stream.linear.gather [hbm4b:s12+s2], $0x80, $0x38;
	[tilespmem:$0x10080] =	vst v63  }
0x11b: {  	s22 =	sand.u32 $0x380, s7;
	s23 =	sadd.s32 $0x80, s20;
	s19 =	sshll.u32 s18, $0x9  }
0x11c: {  	[tilespmem:s30], [sflag:$0x1] =	stream.linear.gather [hbm4b:s15+s2], $0x80, $0x38;
	[tilespmem:$0x10080] =	vst v63  }
0x11d: {  	s29 =	sadd.s32 $0x180, s20;
	s21 =	sand.u32 $0xFFFFF000, s19;
	s19 =	rddreg [dreg:$0xc]  }
0x11e: {  	[tilespmem:s16], [sflag:$0x1] =	stream.linear.gather [hbm4b:s17+s2], $0x80, $0x38;
	[tilespmem:$0x10080] =	vst v63  }
0x11f: {  	s25 =	sadd.s32 $0x1500, s13;
	s1 =	sadd.s32 $0x180, s12;
	s12 =	rddreg [dreg:$0xd]  }
0x120: {  	[tilespmem:s9], [sflag:$0x1] =	stream.linear.gather [hbm4b:s1+s2], $0x80, $0x38;
	[tilespmem:$0x10080] =	vst v63  }
0x121: {  	s5 =	sor.u32 s22, s21;
	s28 =	spop (v2sf);
	s21 =	rddreg [dreg:$0xa]  }
0x122: {  	[tilespmem:s26], [sflag:$0x1] =	stream.linear.gather [hbm4b:s20+s2], $0x80, $0x38;
	[tilespmem:$0x10080] =	vst v63  }
0x123: {  	s5 =	sshrl.u32 s5, $0x3;
	s31 =	sshll.u32 s28, $0x7;
	s30 =	sshll.u32 s28, $0x9  }
0x124: {  	[tilespmem:s25], [sflag:$0x1] =	stream.linear.gather [hbm4b:s23+s2], $0x80, $0x38;
	[tilespmem:$0x10080] =	vst v63  }
0x125: {  	s10 =	sand.u32 $0x380, s31;
	s28 =	rddreg [dreg:$0x8];
	s26 =	sadd.s32 $0x100, s20  }
0x126: {  	(v2sf) =	vpush v59, $0xF;
	[tilespmem:s0], [sflag:$0x1] =	stream.linear.gather [hbm4b:s26+s2], $0x80, $0x38;
	[tilespmem:$0x10080] =	vst v63  }
0x127: {  	s15 =	spop (v2sf);
	s22 =	sadd.s32 s3, s5;
	s31 =	rddreg [dreg:$0x7]  }
0x128: {  	[tilespmem:s8], [sflag:$0x1] =	stream.linear.gather [hbm4b:s29+s2], $0x80, $0x38;
	[tilespmem:$0x10080] =	vst v63  }
0x129: {  	s18 =	sshll.u32 s15, $0x9;
	s16 =	rddreg [dreg:$0xb];
	s9 =	sadd.s32 s3, s4  }
0x12a: {  	[tilespmem:s12], [sflag:$0x1] =	stream.linear.gather [hbm4b:s9+s2], $0x80, $0x38;
	[tilespmem:$0x10080] =	vst v63  }
0x12b: {  	s1 =	sand.u32 $0xFFFFF000, s30;
	s4 =	sshll.u32 s15, $0x7;
	s14 =	sadd.s32 $0x80, s9  }
0x12c: {  	[tilespmem:s16], [sflag:$0x1] =	stream.linear.gather [hbm4b:s14+s2], $0x80, $0x38;
	[tilespmem:$0x10080] =	vst v63  }
0x12d: {  	s15 =	rddreg [dreg:$0x5];
	s1 =	sor.u32 s10, s1;
	s17 =	sadd.s32 $0x100, s9  }
0x12e: {  	[tilespmem:s19], [sflag:$0x1] =	stream.linear.gather [hbm4b:s17+s2], $0x80, $0x38;
	[tilespmem:$0x10080] =	vst v63  }
0x12f: {  	s4 =	sand.u32 $0x380, s4;
	s20 =	sand.u32 $0xFFFFF000, s18;
	s0 =	sadd.s32 $0x180, s9  }
0x130: {  	(v2sf) =	vpush v63, $0xF;
	[tilespmem:s21], [sflag:$0x1] =	stream.linear.gather [hbm4b:s0+s2], $0x80, $0x38;
	[tilespmem:$0x10080] =	vst v63  }
0x131: {  	s1 =	sshrl.u32 s1, $0x3;
	s4 =	sor.u32 s4, s20;
	s23 =	sadd.s32 $0x1200, s13  }
0x132: {  	[tilespmem:s23], [sflag:$0x1] =	stream.linear.gather [hbm4b:s22+s2], $0x80, $0x38;
	[tilespmem:$0x10080] =	vst v63  }
0x133: {  	s10 =	sadd.s32 s3, s1;
	s20 =	sadd.s32 $0x1E80, s13;
	s25 =	sadd.s32 $0x80, s22  }
0x134: {  	[tilespmem:s28], [sflag:$0x1] =	stream.linear.gather [hbm4b:s25+s2], $0x80, $0x38;
	[tilespmem:$0x10080] =	vst v63  }
0x135: {  	s4 =	sshrl.u32 s4, $0x3;
	s26 =	spop (v2sf);
	s29 =	sadd.s32 $0x100, s22  }
0x136: {  	[tilespmem:s31], [sflag:$0x1] =	stream.linear.gather [hbm4b:s29+s2], $0x80, $0x38;
	[tilespmem:$0x10080] =	vst v63  }
0x137: {  	s30 =	sshll.u32 s26, $0x9;
	s9 =	rddreg [dreg:$0x6];
	s0 =	sadd.s32 $0x180, s22  }
0x138: {  	[tilespmem:s9], [sflag:$0x1] =	stream.linear.gather [hbm4b:s0+s2], $0x80, $0x38;
	[tilespmem:$0x10080] =	vst v63  }
0x139: {  	s18 =	sadd.s32 $0x100, s10;
	s6 =	sshll.u32 s26, $0x7;
	s8 =	sand.u32 $0xFFFFF000, s30  }
0x13a: {  	[tilespmem:s15], [sflag:$0x1] =	stream.linear.gather [hbm4b:s10+s2], $0x80, $0x38;
	[tilespmem:$0x10080] =	vst v63  }
0x13b: {  	s12 =	sand.u32 $0x380, s6;
	s16 =	sadd.s32 $0x80, s10;
	s17 =	sadd.s32 $0x1680, s13  }
0x13c: {  	[tilespmem:s17], [sflag:$0x1] =	stream.linear.gather [hbm4b:s16+s2], $0x80, $0x38;
	[tilespmem:$0x10080] =	vst v63  }
0x13d: {  	s30 =	sadd.s32 $0x1B00, s13;
	s1 =	sor.u32 s12, s8;
	s19 =	sadd.s32 $0x1A80, s13  }
0x13e: {  	[tilespmem:s19], [sflag:$0x1] =	stream.linear.gather [hbm4b:s18+s2], $0x80, $0x38;
	[tilespmem:$0x10080] =	vst v63  }
0x13f: {  	s14 =	spop (v2sf);
	s21 =	sadd.s32 s3, s4;
	s0 =	sadd.s32 $0x180, s10  }
0x140: {  	[tilespmem:s20], [sflag:$0x1] =	stream.linear.gather [hbm4b:s0+s2], $0x80, $0x38;
	[tilespmem:$0x10080] =	vst v63  }
0x141: {  	s1 =	sshrl.u32 s1, $0x3;
	s26 =	sadd.s32 $0x80, s21;
	s25 =	rddreg [dreg:$0x4]  }
0x142: {  	[tilespmem:s25], [sflag:$0x1] =	stream.linear.gather [hbm4b:s21+s2], $0x80, $0x38;
	[tilespmem:$0x10080] =	vst v63  }
0x143: {  	s22 =	sshll.u32 s14, $0x9;
	s23 =	sshll.u32 s14, $0x7;
	s28 =	rddreg [dreg:$0x3]  }
0x144: {  	[tilespmem:s28], [sflag:$0x1] =	stream.linear.gather [hbm4b:s26+s2], $0x80, $0x38;
	[tilespmem:$0x10080] =	vst v63  }
.Ltmp0:
0x145: {  	s4 =	sand.u32 $0xFFFFF000, s22;
	s5 =	sand.u32 $0x380, s23;
	(pc) =	sbr.rel @p0 .LBB2_2-.Ltmp0, $4  }
0x146: {  	s1 =	sadd.s32 s3, s1;
	s4 =	sor.u32 s5, s4;
	s29 =	sadd.s32 $0x100, s21  }
0x147: {  	[tilespmem:s30], [sflag:$0x1] =	stream.linear.gather [hbm4b:s29+s2], $0x80, $0x38;
	[tilespmem:$0x10080] =	vst v63  }
0x148: {  	s5 =	sadd.s32 $0x1380, s13;
	s31 =	sadd.s32 $0x1F00, s13;
	s0 =	sadd.s32 $0x180, s21  }
0x149: {  	[tilespmem:s31], [sflag:$0x1] =	stream.linear.gather [hbm4b:s0+s2], $0x80, $0x38;
	[tilespmem:$0x10080] =	vst v63  }
0x14a: {  	[tilespmem:s5], [sflag:$0x1] =	stream.linear.gather [hbm4b:s1+s2], $0x80, $0x38;
	[tilespmem:$0x10080] =	vst v63  }
0x14b: {  	s0 =	sadd.s32 $0x80, s1;
	s14 =	sadd.s32 $0x1780, s13  }
0x14c: {  	[tilespmem:s14], [sflag:$0x1] =	stream.linear.gather [hbm4b:s0+s2], $0x80, $0x38;
	[tilespmem:$0x10080] =	vst v63  }
0x14d: {  	s15 =	sadd.s32 $0x100, s1;
	s16 =	sadd.s32 $0x1B80, s13  }
0x14e: {  	[tilespmem:s16], [sflag:$0x1] =	stream.linear.gather [hbm4b:s15+s2], $0x80, $0x38;
	[tilespmem:$0x10080] =	vst v63  }
0x14f: {  	s17 =	sadd.s32 $0x180, s1;
	s18 =	sadd.s32 $0x1F80, s13;
	s4 =	sshrl.u32 s4, $0x3  }
0x150: {  	[tilespmem:s18], [sflag:$0x1] =	stream.linear.gather [hbm4b:s17+s2], $0x80, $0x38;
	[tilespmem:$0x10080] =	vst v63  }
0x151: {  	s20 =	sadd.s32 $0x1400, s13;
	s19 =	sadd.s32 s3, s4  }
0x152: {  	[tilespmem:s20], [sflag:$0x1] =	stream.linear.gather [hbm4b:s19+s2], $0x80, $0x38;
	[tilespmem:$0x10080] =	vst v63  }
0x153: {  	s22 =	sadd.s32 $0x1800, s13;
	s21 =	sadd.s32 $0x80, s19  }
0x154: {  	[tilespmem:s22], [sflag:$0x1] =	stream.linear.gather [hbm4b:s21+s2], $0x80, $0x38;
	[tilespmem:$0x10080] =	vst v63  }
0x155: {  	s24 =	sadd.s32 $0x1C00, s13;
	s23 =	sadd.s32 $0x100, s19  }
0x156: {  	[tilespmem:s24], [sflag:$0x1] =	stream.linear.gather [hbm4b:s23+s2], $0x80, $0x38;
	[tilespmem:$0x10080] =	vst v63  }
0x157: {  	s25 =	sadd.s32 $0x2000, s13;
	s26 =	simm.s32 $0x1;
	s0 =	sadd.s32 $0x180, s19  }
0x158: {  	[tilespmem:s25], [sflag:$0x1] =	stream.linear.gather [hbm4b:s0+s2], $0x80, $0x38;
	[tilespmem:$0x10080] =	vst v63  }
0x159: {  	_ =	swait.ge [sflag:s26], $0x10000  }
0x15a: {  	s29 =	simm.s32 $0x80;
	[sflag:s26] =	ssyncset.done $0x0  }
0x15b: {  	s1 =	simm.s32 $0x2;
	s28 =	rddreg [dreg:$0xf];
	[sflag:s26] =	ssyncadd.s32 $0xFFFF0000  }
0x15c: {  	[hbm4b:s28+s2] =	stream.linear.scatter [tilespmem:s29], [sflag:$0x2], $0x10000, $0x38;
	[tilespmem:$0x10080] =	vst v63  }
0x15d: {  	_ =	swait.ge [sflag:s1], $0x10000  }
0x15e: {  	s30 =	rddreg [dreg:$0x11]  }
0x15f: {  	s31 =	rddreg [dreg:$0x10];
	s4 =	sadd.s32 $0x1, s30  }
0x160: {  	p0 =	sne.s32 s4, s31  }
.Ltmp1:
0x161: {  	_ = 	snop;
	(pc) =	sbr.rel @p0 .LBB2_1-.Ltmp1, $3  }
0x162: {  	_ =	sdelay $0x1  }
0x163: {  	[sflag:s1] =	ssyncset.done $0x0  }
0x164: {  	[sflag:s1] =	ssyncadd.s32 $0xFFFF0000  }
0x165: {  	_ =	sfence.sel $0x180000  }
0x166: {  	[bflag:$0x0] =	sbarrier.arrive $0xFFFF  }
0x167: {  	_ =	strace $0x90000047  }
0x168: {  	s0 =	stileid.u32;
	[bflag:$0x2] =	sbarrier.arrive $0xFFFF  }
0x169: {  	p0 =	sne.s32 s0, $0x0;
	s0 =	rddreg [dreg:$0x2]  }
0x16a: {  	s0 =	sadd.s32 @!p0 $0x100000, s0  }
0x16b: {  	[sflag:s0] =	ssyncadd.tile.s32 @!p0 $0x1;
	_ =	shalt  }
.Lfunc_end2:
_tile_overlayer_lowered:
.L_overlay_start_2:
0x16c: {  	(tag) =	ssettag $0x2  }
0x16d: {  	s0 =	rddreg [dreg:$0x0];
	s2 =	stileid.u32  }
0x16e: {  	s1 =	rddreg [dreg:$0x1];
	p0 =	sne.s32 s2, $0x0  }
0x16f: {  	s3 =	rddreg [dreg:$0x2];
	[bflag:$0x3] =	sbarrier.arrive $0xFFFF;
	s2 =	simm.s32 @!p0 $0x1C02  }
0x170: {  	[timem:s3], [sflag:s2] =	dma.local @!p0 [hbm:s0], s1  }
0x171: {  	s0 =	simm.s32 @!p0 $0x2  }
0x172: {  	_ =	swait.ge @!p0 [sflag:s0], s1  }
0x173: {  	s1 =	ssub.s32 @!p0 $0x0, s1;
	[sflag:s0] =	ssyncset.done @!p0 $0x0  }
0x174: {  	[sflag:s0] =	ssyncadd.s32 @!p0 s1  }
0x175: {  	[bflag:$0x3] =	sbarrier.arrive $0xFFFF  }
0x176: {  	_ =	shalt  }

// kernel: kernel.9.cloned.1.call-start
scs
__scs_entry_jumppad:
0x0: {  	(pc) =	sbr.rel $0x88, $3  }
0x1: {  	(tag) =	ssettag $0x0;
	lr =	simm.s32 $0x1  }
0x2: {  	[smem:$0x3F98] =	sst lr;
	_ =	strace $0xD0000000  }
0x3: {  	_ = 	snop  }
0x4: {  	_ = 	snop  }
0x5: {  	_ = 	snop  }
0x6: {  	_ = 	snop  }
0x7: {  	_ = 	snop  }
__scs_overlays_trampoline_lowered:
0x8: {  	[smem:$0x3FA7] =	sst s0  }
0x9: {  	[smem:$0x3FA8] =	sst s1  }
0xa: {  	[smem:$0x3FA9] =	sst s2  }
0xb: {  	[smem:$0x3FAA] =	sst s3  }
0xc: {  	[smem:$0x3FAB] =	sst s4  }
0xd: {  	[smem:$0x3FAC] =	sst s5  }
0xe: {  	[smem:$0x3FAD] =	sst s6  }
0xf: {  	[smem:$0x3FAE] =	sst s7  }
0x10: {  	[smem:$0x3FAF] =	sst s8  }
0x11: {  	[smem:$0x3FB0] =	sst s9;
	s0 =	simm.s32 @!p0 $0x0  }
0x12: {  	s1 =	sld [smem:$0x3F96];
	s0 =	simm.s32 @p0 $0x1  }
0x13: {  	[smem:$0x3FB1] =	sst s0;
	s0 =	simm.s32 @!p1 $0x0  }
0x14: {  	s2 =	sld [smem:$0x3F95];
	s0 =	simm.s32 @p1 $0x1  }
0x15: {  	[smem:$0x3FB2] =	sst s0;
	s0 =	simm.s32 @!p2 $0x0  }
0x16: {  	s3 =	sld [smem:$0x3FDB];
	s0 =	simm.s32 @p2 $0x1  }
0x17: {  	s4 =	simm.s32 $0x1BF5;
	[smem:$0x3FB4] =	sst s0  }
0x18: {  	s0 =	sld [smem:$0x3F97];
	_ =	swait.ge [sflag:s4], $0x0  }
0x19: {  	s7 =	sld [smem:$0x3F98]  }
0x1a: {  	s8 =	sadd.s32 $0xFFFFE003, lr  }
0x1b: {  	s9 =	sadd.s32 $0xFFFFFEF7, lr;
	s5 =	simm.s32 $0xFFFFFFFF;
	p2 =	slt.u32 s8, $0xFFFFF086  }
0x1c: {  	p1 =	slt.u32 s9, $0xF7A;
	s5 =	simm.s32 @!p2 $0x0  }
0x1d: {  	s5 =	simm.s32 @p1 $0x1;
	p0 =	seq.s32 s7, s2  }
0x1e: {  	s7 =	smul.u32 @!p0 $0xF7A, s2;
	p2 =	seq.s32 @!p0 s5, $0x0  }
0x1f: {  	s9 =	smul.u32 $0xF7A, s1;
	s8 =	simm.s32 @!p0 $0x1BF5;
	p2 =	por !p2, p0  }
0x20: {  	[sflag:s8] =	ssyncset.s32 @!p0 $0xFFFFF086;
	s6 =	sadd.s32 @!p0 s3, s7;
	s7 =	simm.s32 @!p0 $0x108  }
0x21: {  	s3 =	sadd.s32 s3, s9;
	s6 =	sadd.s32 @!p0 $0x88, s6;
	s7 =	simm.s32 @p2 $0x1082  }
0x22: {  	[simem:s7], [sflag:s8] =	dma.local @!p0 [hbm:s6], $0xF7A  }
0x23: {  	s9 =	sor.u32 $0xD0000000, s2;
	s6 =	simm.s32 $0x108;
	_ =	swait.ge @!p0 [sflag:s8], $0x0  }
0x24: {  	s3 =	sadd.s32 $0x88, s3;
	s6 =	simm.s32 @!p1 $0x1082;
	[sflag:s4] =	ssyncset.s32 $0xFFFFF086  }
0x25: {  	[simem:s6], [sflag:s4] =	dma.local [hbm:s3], $0xF7A  }
0x26: {  	[smem:$0x3F98] =	sst s1;
	(tag) =	ssettag s2;
	_ =	strace s9  }
0x27: {  	s1 =	sld [smem:$0x3FA8]  }
0x28: {  	s2 =	sld [smem:$0x3FA9]  }
0x29: {  	s4 =	sld [smem:$0x3FAB]  }
0x2a: {  	p0 =	seq.s32 s5, $0x0;
	s5 =	sld [smem:$0x3FAC]  }
0x2b: {  	s6 =	sld [smem:$0x3FAD]  }
0x2c: {  	s7 =	sld [smem:$0x3FAE]  }
0x2d: {  	s3 =	simm.s32 $0x108;
	s8 =	sld [smem:$0x3FAF]  }
0x2e: {  	s3 =	simm.s32 @!p0 $0x1082;
	s9 =	sld [smem:$0x3FB0]  }
0x2f: {  	lr =	sadd.s32 s0, s3;
	s0 =	sld [smem:$0x3FA7]  }
0x30: {  	s3 =	sld [smem:$0x3FAA]  }
0x31: {  	[smem:$0x3FB3] =	sst s10  }
0x32: {  	s10 =	sld [smem:$0x3FB1];
	_ =	sdelay $0x3  }
0x33: {  	p0 =	seq.s32 s10, $0x1;
	s10 =	sld [smem:$0x3FB3];
	_ =	sdelay $0x3  }
0x34: {  	[smem:$0x3FB3] =	sst s10  }
0x35: {  	s10 =	sld [smem:$0x3FB2];
	_ =	sdelay $0x3  }
0x36: {  	p1 =	seq.s32 s10, $0x1;
	s10 =	sld [smem:$0x3FB3];
	_ =	sdelay $0x3  }
0x37: {  	[smem:$0x3FB3] =	sst s10  }
0x38: {  	s10 =	sld [smem:$0x3FB4]  }
0x39: {  	_ = 	snop;
	(pc) =	sbr.ind lr, $3  }
0x3a: {  	_ = 	snop  }
0x3b: {  	_ = 	snop  }
0x3c: {  	p2 =	seq.s32 s10, $0x1;
	s10 =	sld [smem:$0x3FB3]  }
0x3d: {  	_ =	shalt  }
0x3e: {  	_ =	shalt  }
0x3f: {  	_ =	shalt  }
0x40: {  	_ =	shalt  }
0x41: {  	_ =	shalt  }
0x42: {  	_ =	shalt  }
0x43: {  	_ =	shalt  }
0x44: {  	_ =	shalt  }
0x45: {  	_ =	shalt  }
0x46: {  	_ =	shalt  }
0x47: {  	_ =	shalt  }
0x48: {  	_ =	shalt  }
0x49: {  	_ =	shalt  }
0x4a: {  	_ =	shalt  }
0x4b: {  	_ =	shalt  }
0x4c: {  	_ =	shalt  }
0x4d: {  	_ =	shalt  }
0x4e: {  	_ =	shalt  }
0x4f: {  	_ =	shalt  }
0x50: {  	_ =	shalt  }
0x51: {  	_ =	shalt  }
0x52: {  	_ =	shalt  }
0x53: {  	_ =	shalt  }
0x54: {  	_ =	shalt  }
0x55: {  	_ =	shalt  }
0x56: {  	_ =	shalt  }
0x57: {  	_ =	shalt  }
0x58: {  	_ =	shalt  }
0x59: {  	_ =	shalt  }
0x5a: {  	_ =	shalt  }
0x5b: {  	_ =	shalt  }
0x5c: {  	_ =	shalt  }
0x5d: {  	_ =	shalt  }
0x5e: {  	_ =	shalt  }
0x5f: {  	_ =	shalt  }
0x60: {  	_ =	shalt  }
0x61: {  	_ =	shalt  }
0x62: {  	_ =	shalt  }
0x63: {  	_ =	shalt  }
0x64: {  	_ =	shalt  }
0x65: {  	_ =	shalt  }
0x66: {  	_ =	shalt  }
0x67: {  	_ =	shalt  }
0x68: {  	_ =	shalt  }
0x69: {  	_ =	shalt  }
0x6a: {  	_ =	shalt  }
0x6b: {  	_ =	shalt  }
0x6c: {  	_ =	shalt  }
0x6d: {  	_ =	shalt  }
0x6e: {  	_ =	shalt  }
0x6f: {  	_ =	shalt  }
0x70: {  	_ =	shalt  }
0x71: {  	_ =	shalt  }
0x72: {  	_ =	shalt  }
0x73: {  	_ =	shalt  }
0x74: {  	_ =	shalt  }
0x75: {  	_ =	shalt  }
0x76: {  	_ =	shalt  }
0x77: {  	_ =	shalt  }
0x78: {  	_ =	shalt  }
0x79: {  	_ =	shalt  }
0x7a: {  	_ =	shalt  }
0x7b: {  	_ =	shalt  }
0x7c: {  	_ =	shalt  }
0x7d: {  	_ =	shalt  }
0x7e: {  	_ =	shalt  }
0x7f: {  	_ =	shalt  }
0x80: {  	_ =	shalt  }
0x81: {  	_ =	shalt  }
0x82: {  	_ =	shalt  }
0x83: {  	_ =	shalt  }
0x84: {  	_ =	shalt  }
0x85: {  	_ =	shalt  }
0x86: {  	_ =	shalt  }
0x87: {  	_ =	shalt  }
.Lfunc_end0:
.L_simem_size_0:
called_computation.1_lowered:
.L_overlay_start_0:
0x88: {  	s2 =	sld [smem:$0x3FD9]  }
0x89: {  	s3 =	sld [smem:$0x3FFE];
	_ =	sdelay $0x1  }
0x8a: {  	s1 =	srdreg.scid  }
0x8b: {  	s0 =	sand.u32 $0x1, s1  }
0x8c: {  	s14 =	sshll.u32 s0, $0xA;
	s2 =	sadd.s32 s3, s2  }
0x8d: {  	s2 =	sadd.s32 s2, s14  }
0x8e: {  	[smem:$0x3FBF] =	sst s2  }
0x8f: {  	_ = 	snop  }
0x90: {  	s2 =	sld [smem:$0x3FD0];
	_ =	sdelay $0x2  }
0x91: {  	s4 =	simm.s32 $0xB;
	s5 =	simm.s32 $0x10;
	s15 =	sld [smem:$0x3FC1]  }
0x92: {  	[smem:s5], [sflag:s4] =	dma.local [hbm:s2], $0x1  }
0x93: {  	_ =	swait.eq [sflag:s4], $0x1  }
0x94: {  	[sflag:s4] =	ssyncset.done $0x0  }
0x95: {  	[sflag:s4] =	ssyncadd.s32 $0xFFFFFFFF  }
0x96: {  	s16 =	sld [smem:$0x10];
	(tm) =	ssettm $0x1  }
0x97: {  	s17 =	sld [smem:$0x3FFB];
	_ =	sdelay $0x3  }
0x98: {  	_ =	strace s17  }
0x99: {  	s4 =	sld [smem:$0x3FFC];
	_ =	sdelay $0x3  }
0x9a: {  	_ =	strace s4  }
0x9b: {  	s4 =	sld [smem:$0x3FFD];
	_ =	sdelay $0x3  }
0x9c: {  	_ =	strace s4  }
0x9d: {  	_ =	strace $0x8FFFFFFF  }
0x9e: {  	s18 =	sld [smem:$0x3FDB];
	_ =	sdelay $0x1  }
0x9f: {  	s19 =	simm.s32 $_scs_section_size  }
0xa0: {  	s6 =	simm.s32 $_size__tile_overlayer_lowered;
	s7 =	simm.s32 $_tile_overlayer_lowered  }
0xa1: {  	s22 =	simm.s32 $0x1BFF;
	s21 =	sshll.u32 s7, $0x1;
	s4 =	sadd.s32 s19, s18  }
0xa2: {  	s8 =	simm.s32 $0x0;
	s20 =	sshll.u32 s6, $0x1;
	s6 =	sadd.s32 s21, s4  }
0xa3: {  	[timem:s8], [sflag:s22] =	dma.local [hbm:s6], s20  }
0xa4: {  	_ =	swait.ge [sflag:s22], s20  }
0xa5: {  	s5 =	ssub.s32 $0x0, s20;
	[sflag:s22] =	ssyncset.done $0x0  }
0xa6: {  	[sflag:s22] =	ssyncadd.s32 s5;
	_ =	sdelay $0x1  }
0xa7: {  	s23 =	simm.s32 $0x1B8B  }
0xa8: {  	_ =	swait.ge [sflag:s23], $0x1  }
0xa9: {  	[sflag:s23] =	ssyncset.done $0x0  }
0xaa: {  	s25 =	simm.s32 $0x1B8E;
	s24 =	sld [smem:$0x3FFE];
	[sflag:s23] =	ssyncadd.s32 $0xFFFFFFFF  }
0xab: {  	s26 =	simm.s32 $execute0_lowered;
	[smem:$0x3FD2] =	sst s25  }
0xac: {  	s6 =	sshll.u32 s26, $0x1;
	_ =	strace $0x80000049;
	[dreg:$0x1] =	wrdreg $0xFFFFFFFF  }
0xad: {  	s28 =	simm.s32 $_size_execute0_lowered;
	s4 =	sadd.s32 s4, s6;
	[dreg:$0x0] =	wrdreg $0x0  }
0xae: {  	s6 =	sshll.u32 s28, $0x1;
	[dreg:$0x2] =	wrdreg s4  }
0xaf: {  	[dreg:$0x3] =	wrdreg s6  }
0xb0: {  	[dreg:$0x4] =	wrdreg $0xC0  }
0xb1: {  	_ =	task [dreg:s8], $0x5FFFF  }
0xb2: {  	[dreg:$0x1] =	wrdreg $0xFFFFFFFF  }
0xb3: {  	[dreg:$0x0] =	wrdreg $0x60  }
0xb4: {  	[dreg:$0x2] =	wrdreg s16  }
0xb5: {  	[dreg:$0x3] =	wrdreg s24  }
0xb6: {  	[dreg:$0x4] =	wrdreg s15  }
0xb7: {  	[dreg:$0x5] =	wrdreg $0x9  }
0xb8: {  	_ =	task.clear_ibuf [dreg:s8], $0x6FFFF;
	_ =	strace $0x90000049  }
0xb9: {  	s29 =	simm.s32 $0x9;
	_ =	strace $0x8000004B  }
0xba: {  	_ =	swait.ge [sflag:s29], $0x1  }
0xbb: {  	[sflag:s29] =	ssyncadd.s32 $0xFFFFFFFF  }
0xbc: {  	_ =	strace $0x9000004B  }
0xbd: {  	_ =	sfence  }
0xbe: {  	s30 =	sld [smem:$0x0];
	_ =	sdelay $0x2  }
0xbf: {  	s31 =	sshll.u32 s1, $0xD;
	s1 =	sshrl.u32 s1, $0x2  }
0xc0: {  	s3 =	sand.u32 $0x4000, s31;
	s1 =	sadd.s32 s1, s30  }
0xc1: {  	s0 =	sor.u32 s3, s0;
	s1 =	sshll.u32 s1, $0x11  }
0xc2: {  	s0 =	sor.u32 s1, s0  }
0xc3: {  	s0 =	sadd.s32 $0x8F2B, s0  }
0xc4: {  	[sflag:s0] =	ssyncadd.remote.s32 $0x1  }
0xc5: {  	_ =	sfence.sel $0xFFFF  }
0xc6: {  	[dreg:$0x0] =	wrdreg $0xFFFFFFFF;
	(pc) =	sbr.abs _section_cstart, $3  }
0xc7: {  	[dreg:$0x1] =	wrdreg $0xFFFFFFFF  }
0xc8: {  	_ =	task.clear_ibuf [dreg:s8], $0x2FFFF;
	_ =	strace $0x9FFFFFFF  }
0xc9: {  	(tm) =	ssettm $0x7FFFFFFF  }
tec
execute0_lowered:
.L_overlay_start_1:
0x0: {  	(tag) =	ssettag $0x1  }
0x1: {  	s23 =	rddreg [dreg:$0x0]  }
0x2: {  	s0 =	rddreg [dreg:$0x1]  }
0x3: {  	s1 =	rddreg [dreg:$0x2]  }
0x4: {  	s3 =	simm.s32 $0x0;
	s2 =	srdreg.scid;
	s4 =	stileid.u32  }
0x5: {  	[smem:$0x7FF] =	sst s3;
	s2 =	sand.u32 $0x1, s2;
	s4 =	sshll.u32 s4, $0x5  }
0x6: {  	vm0 =	vmmov $0x1;
	s8 =	sadd.s32 $0x1A00, s0;
	s5 =	sshll.u32 s2, $0x4;
	s2 =	ssub.s32 $0x2, s2  }
0x7: {  	vm1 =	vcmask $0x308;
	vm2 =	vcmask $0x70C;
	vm3 =	vcmask $0xB10;
	_ =	strace $0x8000004A;
	[dreg:$0xf] =	wrdreg s8;
	s4 =	sor.u32 s5, s4  }
0x8: {  	vm4 =	vcmask $0xF14;
	vm5 =	vcmask $0x1318;
	vm6 =	vcmask $0x171C;
	s29 =	sshrl.u32 s2, $0x1;
	s6 =	sadd.s32 s4, s0;
	s1 =	sadd.s32 s1, s4  }
0x9: {  	vm7 =	vcmask $0x1B20;
	vm8 =	vcmask $0x1F24;
	vm9 =	vcmask $0x2328;
	s30 =	ssub.s32 s2, s29;
	[dreg:$0x10] =	wrdreg s1;
	s31 =	sadd.s32 $0x686200, s6  }
0xa: {  	vm10 =	vcmask $0x272C;
	vm11 =	vcmask $0x2B30;
	vm12 =	vcmask $0x2F34;
	s0 =	smax.u32 s30, $0x1;
	[dreg:$0x11] =	wrdreg s31  }
0xb: {  	vm13 =	vcmask $0x3338;
	vm14 =	vcmask $0x373C;
	vm15 =	vmmov $0x7fff;
	s1 =	simm.s32 $0x0;
	[dreg:$0x12] =	wrdreg s0  }
.LBB2_1:
0xc: {  	[dreg:$0x13] =	wrdreg s1  }
0xd: {  	s0 =	rddreg [dreg:$0x10];
	s20 =	simm.s32 $0x2  }
0xe: {  	[tilespmem:s3], [sflag:$0x2] =	stream.linear.gather [hbm4b:s0+s3], $0x80, $0x38;
	[tilespmem:$0x10100] =	vst v63  }
0xf: {  	_ =	swait.ge [sflag:s20], $0x80  }
0x10: {  	[sflag:s20] =	ssyncset.done $0x0  }
0x11: {  	s24 =	simm.s32 $0x80;
	s21 =	rddreg [dreg:$0x11];
	[sflag:s20] =	ssyncadd.s32 $0xFFFFFF80  }
0x12: {  	[tilespmem:s24], [sflag:$0x2] =	stream.linear.gather [hbm4b:s21+s3], $0x80, $0x38;
	[tilespmem:$0x10100] =	vst v63  }
0x13: {  	_ =	swait.ge [sflag:s20], $0x80  }
0x14: {  	[sflag:s20] =	ssyncset.done $0x0  }
0x15: {  	[sflag:s20] =	ssyncadd.s32 $0xFFFFFF80  }
0x16: {  	v6 =	vld [tilespmem:s24+$0x0];
	_ =	sdelay $0x4  }
0x17: {  	v0 =	vsel vm1, $0x0, v6  }
0x18: {  	v1 =	vnsel vm0, $0x0, v6;
	(xrf0) =	vadd.scan.msk.s32 $0xffff, v0  }
0x19: {  	(xrf0) =	vadd.scan.msk.s32 $0xffff, v1;
	_ =	sdelay $0x4  }
0x1a: {  	v0, _, _ =	vpop (xrf0)  }
0x1b: {  	v1, _, _ =	vpop (xrf0);
	(v2sf) =	vpush v0, $0xF  }
0x1c: {  	(v2sf) =	vpush v1, $0xF;
	_ =	sdelay $0x3  }
0x1d: {  	v47 =	vsel vm9, $0x0, v6  }
0x1e: {  	v48 =	vsel vm3, $0x0, v6;
	(xrf0) =	vadd.scan.msk.s32 $0xffff, v47  }
0x1f: {  	v49 =	vsel vm10, $0x0, v6;
	(xrf0) =	vadd.scan.msk.s32 $0xffff, v48  }
0x20: {  	v50 =	vsel vm11, $0x0, v6;
	(xrf0) =	vadd.scan.msk.s32 $0xffff, v49  }
0x21: {  	v51 =	vsel vm2, $0x0, v6;
	(xrf0) =	vadd.scan.msk.s32 $0xffff, v50  }
0x22: {  	(xrf0) =	vadd.scan.msk.s32 $0xffff, v51;
	_ =	sdelay $0x1  }
0x23: {  	v5, _, _ =	vpop (xrf0)  }
0x24: {  	v52, _, _ =	vpop (xrf0)  }
0x25: {  	v3, _, _ =	vpop (xrf0)  }
0x26: {  	s26 =	simm.s32 $0x100;
	v1, _, _ =	vpop (xrf0);
	s22 =	spop (v2sf)  }
0x27: {  	s4 =	simm.s32 $0x500;
	s30 =	simm.s32 $0x900;
	v53, _, _ =	vpop (xrf0);
	(v2sf) =	vpush v52, $0xF;
	s25 =	spop (v2sf)  }
0x28: {  	s6 =	simm.s32 $0x580;
	(v2sf) =	vpush v53, $0xF;
	s2 =	sshll.u32 s25, $0x9;
	s1 =	sshll.u32 s25, $0x7  }
0x29: {  	s10 =	simm.s32 $0x980;
	v2 =	vsel vm6, $0x0, v6;
	s2 =	sand.u32 $0xFFFFF000, s2;
	s1 =	sand.u32 $0x380, s1  }
0x2a: {  	s14 =	simm.s32 $0xD80;
	s16 =	simm.s32 $0x200;
	v54 =	vsel vm12, $0x0, v6;
	(xrf0) =	vadd.scan.msk.s32 $0xffff, v2;
	s1 =	sor.u32 s1, s2  }
0x2b: {  	s17 =	simm.s32 $0x600;
	s19 =	simm.s32 $0xA00;
	v55 =	vsel vm13, $0x0, v6;
	(xrf0) =	vadd.scan.msk.s32 $0xffff, v54;
	s1 =	sshrl.u32 s1, $0x3  }
0x2c: {  	(xrf0) =	vadd.scan.msk.s32 $0xffff, v55;
	s5 =	sshll.u32 s22, $0x9;
	s0 =	sshll.u32 s22, $0x7;
	s1 =	sadd.s32 s23, s1  }
0x2d: {  	v56 =	vsel vm14, $0x0, v6;
	[tilespmem:s26], [sflag:$0x1] =	stream.linear.gather [hbm4b:s1+s3], $0x80, $0x38;
	[tilespmem:$0x10100] =	vst v63  }
0x2e: {  	(xrf0) =	vadd.scan.msk.s32 $0xffff, v56;
	s28 =	sand.u32 $0xFFFFF000, s5;
	s0 =	sand.u32 $0x380, s0;
	s29 =	sadd.s32 $0x80, s1  }
0x2f: {  	v57 =	vsel vm4, $0x0, v6;
	[tilespmem:s4], [sflag:$0x1] =	stream.linear.gather [hbm4b:s29+s3], $0x80, $0x38;
	[tilespmem:$0x10100] =	vst v63  }
0x30: {  	s21 =	simm.s32 $0xE00;
	(xrf0) =	vadd.scan.msk.s32 $0xffff, v57;
	s0 =	sor.u32 s0, s28;
	s31 =	sadd.s32 $0x100, s1  }
0x31: {  	[tilespmem:s30], [sflag:$0x1] =	stream.linear.gather [hbm4b:s31+s3], $0x80, $0x38;
	[tilespmem:$0x10100] =	vst v63  }
0x32: {  	v7, _, _ =	vpop (xrf0);
	s0 =	sshrl.u32 s0, $0x3;
	s1 =	sadd.s32 $0x180, s1;
	s4 =	simm.s32 $0xD00  }
0x33: {  	v8 =	vsel vm5, $0x0, v6;
	v4, _, _ =	vpop (xrf0);
	[tilespmem:s4], [sflag:$0x1] =	stream.linear.gather [hbm4b:s1+s3], $0x80, $0x38;
	[tilespmem:$0x10100] =	vst v63  }
0x34: {  	v2, _, _ =	vpop (xrf0);
	(xrf0) =	vadd.scan.msk.s32 $0xffff, v8;
	s5 =	simm.s32 $0x180;
	s25 =	simm.s32 $0x280;
	s0 =	sadd.s32 s23, s0  }
0x35: {  	[tilespmem:s5], [sflag:$0x1] =	stream.linear.gather [hbm4b:s0+s3], $0x80, $0x38;
	[tilespmem:$0x10100] =	vst v63  }
0x36: {  	v58, _, _ =	vpop (xrf0);
	s28 =	simm.s32 $0x680;
	s8 =	sadd.s32 $0x80, s0;
	s7 =	spop (v2sf)  }
0x37: {  	v9, _, _ =	vpop (xrf0);
	s11 =	sadd.s32 $0x100, s0;
	s30 =	simm.s32 $0xA80;
	s9 =	spop (v2sf)  }
0x38: {  	(v2sf) =	vpush v9, $0xF;
	[tilespmem:s6], [sflag:$0x1] =	stream.linear.gather [hbm4b:s8+s3], $0x80, $0x38;
	[tilespmem:$0x10100] =	vst v63  }
0x39: {  	s0 =	sadd.s32 $0x180, s0;
	s12 =	sshll.u32 s9, $0x9;
	s1 =	sshll.u32 s9, $0x7  }
0x3a: {  	v8, _, _ =	vpop (xrf0);
	s5 =	simm.s32 $0x1D00;
	s4 =	sand.u32 $0xFFFFF000, s12;
	s1 =	sand.u32 $0x380, s1  }
0x3b: {  	(v2sf) =	vpush v8, $0xF;
	[tilespmem:s10], [sflag:$0x1] =	stream.linear.gather [hbm4b:s11+s3], $0x80, $0x38;
	[tilespmem:$0x10100] =	vst v63  }
0x3c: {  	s13 =	sshll.u32 s7, $0x9;
	s2 =	sshll.u32 s7, $0x7;
	s1 =	sor.u32 s1, s4  }
0x3d: {  	s15 =	sand.u32 $0xFFFFF000, s13;
	s2 =	sand.u32 $0x380, s2;
	s1 =	sshrl.u32 s1, $0x3  }
0x3e: {  	[tilespmem:s14], [sflag:$0x1] =	stream.linear.gather [hbm4b:s0+s3], $0x80, $0x38;
	[tilespmem:$0x10100] =	vst v63  }
0x3f: {  	s6 =	simm.s32 $0xE80;
	s8 =	simm.s32 $0x300;
	s1 =	sadd.s32 s23, s1  }
0x40: {  	v59 =	vsel vm8, $0x0, v6;
	[tilespmem:s16], [sflag:$0x1] =	stream.linear.gather [hbm4b:s1+s3], $0x80, $0x38;
	[tilespmem:$0x10100] =	vst v63  }
0x41: {  	(xrf0) =	vadd.scan.msk.s32 $0xffff, v59;
	s13 =	simm.s32 $0xB00;
	s0 =	sor.u32 s2, s15;
	s18 =	sadd.s32 $0x80, s1  }
0x42: {  	v60 =	vsel vm15, $0x0, v6;
	[tilespmem:s17], [sflag:$0x1] =	stream.linear.gather [hbm4b:s18+s3], $0x80, $0x38;
	[tilespmem:$0x10100] =	vst v63  }
0x43: {  	(xrf0) =	vadd.scan.msk.s32 $0xffff, v60;
	s12 =	simm.s32 $0x700;
	s20 =	sadd.s32 $0x100, s1;
	s0 =	sshrl.u32 s0, $0x3  }
0x44: {  	v6 =	vsel vm7, $0x0, v6;
	[tilespmem:s19], [sflag:$0x1] =	stream.linear.gather [hbm4b:s20+s3], $0x80, $0x38;
	[tilespmem:$0x10100] =	vst v63  }
0x45: {  	(xrf0) =	vadd.scan.msk.s32 $0xffff, v6;
	s15 =	simm.s32 $0xF00;
	s1 =	sadd.s32 $0x180, s1;
	s0 =	sadd.s32 s23, s0  }
0x46: {  	[tilespmem:s21], [sflag:$0x1] =	stream.linear.gather [hbm4b:s1+s3], $0x80, $0x38;
	[tilespmem:$0x10100] =	vst v63  }
0x47: {  	s16 =	simm.s32 $0x380;
	s29 =	sadd.s32 $0x80, s0;
	s22 =	spop (v2sf)  }
0x48: {  	[tilespmem:s25], [sflag:$0x1] =	stream.linear.gather [hbm4b:s0+s3], $0x80, $0x38;
	[tilespmem:$0x10100] =	vst v63  }
0x49: {  	v61, _, _ =	vpop (xrf0);
	s31 =	sadd.s32 $0x100, s0;
	s18 =	simm.s32 $0x780;
	s26 =	sshll.u32 s22, $0x9  }
0x4a: {  	v62, _, _ =	vpop (xrf0);
	s1 =	sshll.u32 s22, $0x7;
	s7 =	spop (v2sf);
	s0 =	sadd.s32 $0x180, s0  }
0x4b: {  	v63, _, _ =	vpop (xrf0);
	(v2sf) =	vpush v7, $0xF;
	s25 =	simm.s32 $0xB80;
	s2 =	sand.u32 $0xFFFFF000, s26;
	s1 =	sand.u32 $0x380, s1  }
0x4c: {  	(v2sf) =	vpush v63, $0xF;
	[tilespmem:s28], [sflag:$0x1] =	stream.linear.gather [hbm4b:s29+s3], $0x80, $0x38;
	[tilespmem:$0x10100] =	vst v63  }
0x4d: {  	s9 =	sshll.u32 s7, $0x9;
	s1 =	sor.u32 s1, s2;
	s2 =	sshll.u32 s7, $0x7  }
0x4e: {  	[tilespmem:s30], [sflag:$0x1] =	stream.linear.gather [hbm4b:s31+s3], $0x80, $0x38;
	[tilespmem:$0x10100] =	vst v63  }
0x4f: {  	s26 =	simm.s32 $0x400;
	s4 =	sand.u32 $0xFFFFF000, s9;
	s10 =	sand.u32 $0x380, s2  }
0x50: {  	[tilespmem:s6], [sflag:$0x1] =	stream.linear.gather [hbm4b:s0+s3], $0x80, $0x38;
	[tilespmem:$0x10100] =	vst v63  }
0x51: {  	s28 =	simm.s32 $0xF80;
	s1 =	sshrl.u32 s1, $0x3;
	s0 =	sor.u32 s10, s4  }
0x52: {  	s29 =	simm.s32 $0x800;
	s1 =	sadd.s32 s23, s1;
	s0 =	sshrl.u32 s0, $0x3  }
0x53: {  	[tilespmem:s8], [sflag:$0x1] =	stream.linear.gather [hbm4b:s1+s3], $0x80, $0x38;
	[tilespmem:$0x10100] =	vst v63  }
0x54: {  	s9 =	simm.s32 $0xC00;
	s11 =	sadd.s32 $0x80, s1;
	s0 =	sadd.s32 s23, s0  }
0x55: {  	[tilespmem:s12], [sflag:$0x1] =	stream.linear.gather [hbm4b:s11+s3], $0x80, $0x38;
	[tilespmem:$0x10100] =	vst v63  }
0x56: {  	s14 =	sadd.s32 $0x100, s1;
	s1 =	sadd.s32 $0x180, s1;
	s20 =	sadd.s32 $0x80, s0  }
0x57: {  	[tilespmem:s13], [sflag:$0x1] =	stream.linear.gather [hbm4b:s14+s3], $0x80, $0x38;
	[tilespmem:$0x10100] =	vst v63  }
0x58: {  	s22 =	sadd.s32 $0x100, s0;
	s11 =	simm.s32 $0x1000;
	s12 =	simm.s32 $0x880  }
0x59: {  	[tilespmem:s15], [sflag:$0x1] =	stream.linear.gather [hbm4b:s1+s3], $0x80, $0x38;
	[tilespmem:$0x10100] =	vst v63  }
0x5a: {  	s13 =	simm.s32 $0x480;
	s14 =	simm.s32 $0xC80;
	s17 =	spop (v2sf)  }
0x5b: {  	(v2sf) =	vpush v61, $0xF;
	s19 =	sshll.u32 s17, $0x9;
	s21 =	sshll.u32 s17, $0x7;
	s30 =	spop (v2sf)  }
0x5c: {  	[tilespmem:s16], [sflag:$0x1] =	stream.linear.gather [hbm4b:s0+s3], $0x80, $0x38;
	[tilespmem:$0x10100] =	vst v63  }
0x5d: {  	s4 =	sand.u32 $0xFFFFF000, s19;
	s1 =	sand.u32 $0x380, s21;
	s0 =	sadd.s32 $0x180, s0  }
0x5e: {  	(v2sf) =	vpush v5, $0xF;
	s31 =	sshll.u32 s30, $0x9;
	s19 =	simm.s32 $0x1100;
	s21 =	simm.s32 $0x1500  }
0x5f: {  	[tilespmem:s18], [sflag:$0x1] =	stream.linear.gather [hbm4b:s20+s3], $0x80, $0x38;
	[tilespmem:$0x10100] =	vst v63  }
0x60: {  	s1 =	sor.u32 s1, s4;
	s4 =	sshll.u32 s30, $0x7;
	s6 =	sand.u32 $0xFFFFF000, s31  }
0x61: {  	[tilespmem:s25], [sflag:$0x1] =	stream.linear.gather [hbm4b:s22+s3], $0x80, $0x38;
	[tilespmem:$0x10100] =	vst v63  }
0x62: {  	s30 =	simm.s32 $0x1900;
	s1 =	sshrl.u32 s1, $0x3;
	s4 =	sand.u32 $0x380, s4  }
0x63: {  	[tilespmem:s28], [sflag:$0x1] =	stream.linear.gather [hbm4b:s0+s3], $0x80, $0x38;
	[tilespmem:$0x10100] =	vst v63  }
0x64: {  	s20 =	simm.s32 $0x1080;
	s1 =	sadd.s32 s23, s1;
	s8 =	sor.u32 s4, s6  }
0x65: {  	[tilespmem:s26], [sflag:$0x1] =	stream.linear.gather [hbm4b:s1+s3], $0x80, $0x38;
	[tilespmem:$0x10100] =	vst v63  }
0x66: {  	s6 =	simm.s32 $0x1180;
	s7 =	sadd.s32 $0x80, s1;
	s0 =	sshrl.u32 s8, $0x3  }
0x67: {  	[tilespmem:s29], [sflag:$0x1] =	stream.linear.gather [hbm4b:s7+s3], $0x80, $0x38;
	[tilespmem:$0x10100] =	vst v63  }
0x68: {  	s10 =	sadd.s32 $0x100, s1;
	s0 =	sadd.s32 s23, s0;
	s1 =	sadd.s32 $0x180, s1  }
0x69: {  	[tilespmem:s9], [sflag:$0x1] =	stream.linear.gather [hbm4b:s10+s3], $0x80, $0x38;
	[tilespmem:$0x10100] =	vst v63  }
0x6a: {  	s16 =	sadd.s32 $0x80, s0;
	s18 =	sadd.s32 $0x100, s0;
	s15 =	spop (v2sf)  }
0x6b: {  	[tilespmem:s11], [sflag:$0x1] =	stream.linear.gather [hbm4b:s1+s3], $0x80, $0x38;
	[tilespmem:$0x10100] =	vst v63  }
0x6c: {  	s7 =	simm.s32 $0x1980;
	s10 =	simm.s32 $0x1580;
	s17 =	sshll.u32 s15, $0x9  }
0x6d: {  	(v2sf) =	vpush v3, $0xF;
	s4 =	sshll.u32 s15, $0x7;
	s22 =	spop (v2sf);
	s15 =	simm.s32 $0x1200  }
0x6e: {  	s1 =	sand.u32 $0xFFFFF000, s17;
	s4 =	sand.u32 $0x380, s4;
	s25 =	sshll.u32 s22, $0x9  }
0x6f: {  	[tilespmem:s13], [sflag:$0x1] =	stream.linear.gather [hbm4b:s0+s3], $0x80, $0x38;
	[tilespmem:$0x10100] =	vst v63  }
0x70: {  	s1 =	sor.u32 s4, s1;
	s0 =	sadd.s32 $0x180, s0;
	s4 =	sshll.u32 s22, $0x7  }
0x71: {  	(v2sf) =	vpush v1, $0xF;
	[tilespmem:s12], [sflag:$0x1] =	stream.linear.gather [hbm4b:s16+s3], $0x80, $0x38;
	[tilespmem:$0x10100] =	vst v63  }
0x72: {  	s26 =	sand.u32 $0xFFFFF000, s25;
	s13 =	simm.s32 $0x1D80;
	s22 =	simm.s32 $0x1E00  }
0x73: {  	[tilespmem:s14], [sflag:$0x1] =	stream.linear.gather [hbm4b:s18+s3], $0x80, $0x38;
	[tilespmem:$0x10100] =	vst v63  }
0x74: {  	s25 =	simm.s32 $0x1A80;
	s1 =	sshrl.u32 s1, $0x3;
	s4 =	sand.u32 $0x380, s4  }
0x75: {  	[tilespmem:s20], [sflag:$0x1] =	stream.linear.gather [hbm4b:s0+s3], $0x80, $0x38;
	[tilespmem:$0x10100] =	vst v63  }
0x76: {  	s1 =	sadd.s32 s23, s1;
	s29 =	sor.u32 s4, s26;
	s26 =	simm.s32 $0x1280  }
0x77: {  	[tilespmem:s19], [sflag:$0x1] =	stream.linear.gather [hbm4b:s1+s3], $0x80, $0x38;
	[tilespmem:$0x10100] =	vst v63  }
0x78: {  	s28 =	sadd.s32 $0x80, s1;
	s31 =	sadd.s32 $0x100, s1;
	s0 =	sshrl.u32 s29, $0x3  }
0x79: {  	[tilespmem:s21], [sflag:$0x1] =	stream.linear.gather [hbm4b:s28+s3], $0x80, $0x38;
	[tilespmem:$0x10100] =	vst v63  }
0x7a: {  	s14 =	simm.s32 $0x1600;
	s20 =	simm.s32 $0x1A00;
	s0 =	sadd.s32 s23, s0  }
0x7b: {  	[tilespmem:s30], [sflag:$0x1] =	stream.linear.gather [hbm4b:s31+s3], $0x80, $0x38;
	[tilespmem:$0x10100] =	vst v63  }
0x7c: {  	s1 =	sadd.s32 $0x180, s1;
	s9 =	sadd.s32 $0x80, s0;
	s8 =	spop (v2sf)  }
0x7d: {  	(v2sf) =	vpush v4, $0xF;
	[tilespmem:s5], [sflag:$0x1] =	stream.linear.gather [hbm4b:s1+s3], $0x80, $0x38;
	[tilespmem:$0x10100] =	vst v63  }
0x7e: {  	s12 =	sadd.s32 $0x100, s0;
	s11 =	sshll.u32 s8, $0x9;
	s1 =	sshll.u32 s8, $0x7  }
0x7f: {  	[tilespmem:s6], [sflag:$0x1] =	stream.linear.gather [hbm4b:s0+s3], $0x80, $0x38;
	[tilespmem:$0x10100] =	vst v63  }
0x80: {  	s16 =	spop (v2sf);
	s4 =	sand.u32 $0xFFFFF000, s11;
	s1 =	sand.u32 $0x380, s1  }
0x81: {  	[tilespmem:s10], [sflag:$0x1] =	stream.linear.gather [hbm4b:s9+s3], $0x80, $0x38;
	[tilespmem:$0x10100] =	vst v63  }
0x82: {  	s28 =	simm.s32 $0x1680;
	s17 =	sshll.u32 s16, $0x9;
	s1 =	sor.u32 s1, s4  }
0x83: {  	[tilespmem:s7], [sflag:$0x1] =	stream.linear.gather [hbm4b:s12+s3], $0x80, $0x38;
	[tilespmem:$0x10100] =	vst v63  }
0x84: {  	s2 =	sshll.u32 s16, $0x7;
	s0 =	sadd.s32 $0x180, s0;
	s1 =	sshrl.u32 s1, $0x3  }
0x85: {  	(v2sf) =	vpush v2, $0xF;
	[tilespmem:s13], [sflag:$0x1] =	stream.linear.gather [hbm4b:s0+s3], $0x80, $0x38;
	[tilespmem:$0x10100] =	vst v63  }
0x86: {  	s16 =	simm.s32 $0x1B00;
	s18 =	sand.u32 $0xFFFFF000, s17;
	s1 =	sadd.s32 s23, s1  }
0x87: {  	[tilespmem:s15], [sflag:$0x1] =	stream.linear.gather [hbm4b:s1+s3], $0x80, $0x38;
	[tilespmem:$0x10100] =	vst v63  }
0x88: {  	s2 =	sand.u32 $0x380, s2;
	s9 =	simm.s32 $0x1300;
	s19 =	sadd.s32 $0x80, s1  }
0x89: {  	[tilespmem:s14], [sflag:$0x1] =	stream.linear.gather [hbm4b:s19+s3], $0x80, $0x38;
	[tilespmem:$0x10100] =	vst v63  }
0x8a: {  	s21 =	sadd.s32 $0x100, s1;
	s7 =	simm.s32 $0x1E80;
	s0 =	sor.u32 s2, s18  }
0x8b: {  	[tilespmem:s20], [sflag:$0x1] =	stream.linear.gather [hbm4b:s21+s3], $0x80, $0x38;
	[tilespmem:$0x10100] =	vst v63  }
0x8c: {  	s0 =	sshrl.u32 s0, $0x3;
	s1 =	sadd.s32 $0x180, s1;
	s29 =	spop (v2sf)  }
0x8d: {  	[tilespmem:s22], [sflag:$0x1] =	stream.linear.gather [hbm4b:s1+s3], $0x80, $0x38;
	[tilespmem:$0x10100] =	vst v63  }
0x8e: {  	s0 =	sadd.s32 s23, s0;
	s31 =	sshll.u32 s29, $0x9;
	s4 =	sshll.u32 s29, $0x7  }
0x8f: {  	[tilespmem:s26], [sflag:$0x1] =	stream.linear.gather [hbm4b:s0+s3], $0x80, $0x38;
	[tilespmem:$0x10100] =	vst v63  }
0x90: {  	s30 =	sadd.s32 $0x80, s0;
	s2 =	sand.u32 $0xFFFFF000, s31;
	s4 =	sand.u32 $0x380, s4  }
0x91: {  	[tilespmem:s28], [sflag:$0x1] =	stream.linear.gather [hbm4b:s30+s3], $0x80, $0x38;
	[tilespmem:$0x10100] =	vst v63  }
0x92: {  	s6 =	sadd.s32 $0x100, s0;
	s14 =	simm.s32 $0x1700;
	s2 =	sor.u32 s4, s2  }
0x93: {  	(v2sf) =	vpush v58, $0xF;
	[tilespmem:s25], [sflag:$0x1] =	stream.linear.gather [hbm4b:s6+s3], $0x80, $0x38;
	[tilespmem:$0x10100] =	vst v63  }
0x94: {  	s8 =	spop (v2sf);
	s10 =	sshrl.u32 s2, $0x3;
	s0 =	sadd.s32 $0x180, s0  }
0x95: {  	[tilespmem:s7], [sflag:$0x1] =	stream.linear.gather [hbm4b:s0+s3], $0x80, $0x38;
	[tilespmem:$0x10100] =	vst v63  }
0x96: {  	s11 =	sshll.u32 s8, $0x9;
	s4 =	sshll.u32 s8, $0x7;
	s1 =	sadd.s32 s23, s10  }
0x97: {  	(v2sf) =	vpush v62, $0xF;
	[tilespmem:s9], [sflag:$0x1] =	stream.linear.gather [hbm4b:s1+s3], $0x80, $0x38;
	[tilespmem:$0x10100] =	vst v63  }
0x98: {  	s2 =	sand.u32 $0xFFFFF000, s11;
	s12 =	sand.u32 $0x380, s4;
	s13 =	sadd.s32 $0x80, s1  }
0x99: {  	[tilespmem:s14], [sflag:$0x1] =	stream.linear.gather [hbm4b:s13+s3], $0x80, $0x38;
	[tilespmem:$0x10100] =	vst v63  }
0x9a: {  	s17 =	simm.s32 $0x1F00;
	s15 =	sadd.s32 $0x100, s1;
	s0 =	sor.u32 s12, s2  }
0x9b: {  	[tilespmem:s16], [sflag:$0x1] =	stream.linear.gather [hbm4b:s15+s3], $0x80, $0x38;
	[tilespmem:$0x10100] =	vst v63  }
0x9c: {  	s18 =	simm.s32 $0x1380;
	s0 =	sshrl.u32 s0, $0x3;
	s1 =	sadd.s32 $0x180, s1  }
0x9d: {  	[tilespmem:s17], [sflag:$0x1] =	stream.linear.gather [hbm4b:s1+s3], $0x80, $0x38;
	[tilespmem:$0x10100] =	vst v63  }
0x9e: {  	s19 =	simm.s32 $0x1780;
	s22 =	simm.s32 $0x1B80;
	s0 =	sadd.s32 s23, s0  }
0x9f: {  	[tilespmem:s18], [sflag:$0x1] =	stream.linear.gather [hbm4b:s0+s3], $0x80, $0x38;
	[tilespmem:$0x10100] =	vst v63  }
0xa0: {  	s4 =	simm.s32 $0x1400;
	s26 =	simm.s32 $0x1F80;
	s20 =	sadd.s32 $0x80, s0  }
0xa1: {  	[tilespmem:s19], [sflag:$0x1] =	stream.linear.gather [hbm4b:s20+s3], $0x80, $0x38;
	[tilespmem:$0x10100] =	vst v63  }
0xa2: {  	s12 =	simm.s32 $0x8000;
	s21 =	sadd.s32 $0x100, s0;
	s25 =	spop (v2sf)  }
0xa3: {  	[tilespmem:s22], [sflag:$0x1] =	stream.linear.gather [hbm4b:s21+s3], $0x80, $0x38;
	[tilespmem:$0x10100] =	vst v63  }
0xa4: {  	s28 =	sshll.u32 s25, $0x9;
	s1 =	sshll.u32 s25, $0x7;
	s0 =	sadd.s32 $0x180, s0  }
0xa5: {  	[tilespmem:s26], [sflag:$0x1] =	stream.linear.gather [hbm4b:s0+s3], $0x80, $0x38;
	[tilespmem:$0x10100] =	vst v63  }
0xa6: {  	s29 =	spop (v2sf);
	s1 =	sand.u32 $0x380, s1;
	s0 =	sand.u32 $0xFFFFF000, s28  }
0xa7: {  	s30 =	sshll.u32 s29, $0x9;
	s2 =	sshll.u32 s29, $0x7;
	s0 =	sor.u32 s1, s0  }
0xa8: {  	s31 =	sand.u32 $0xFFFFF000, s30;
	s2 =	sand.u32 $0x380, s2;
	s0 =	sshrl.u32 s0, $0x3  }
0xa9: {  	s13 =	simm.s32 $0x0;
	s2 =	sor.u32 s2, s31;
	s1 =	sadd.s32 s23, s0  }
.LBB2_2:
0xaa: {  	[tilespmem:s4], [sflag:$0x1] =	stream.linear.gather [hbm4b:s1+s3], $0x80, $0x38;
	[tilespmem:$0x10100] =	vst v63  }
0xab: {  	s7 =	sadd.s32 $0x80, s1;
	s5 =	sadd.s32 $0x1800, s13  }
0xac: {  	[tilespmem:s5], [sflag:$0x1] =	stream.linear.gather [hbm4b:s7+s3], $0x80, $0x38;
	[tilespmem:$0x10100] =	vst v63  }
0xad: {  	s8 =	sadd.s32 $0x100, s1;
	s9 =	sadd.s32 $0x1C00, s13  }
0xae: {  	[tilespmem:s9], [sflag:$0x1] =	stream.linear.gather [hbm4b:s8+s3], $0x80, $0x38;
	[tilespmem:$0x10100] =	vst v63  }
0xaf: {  	s10 =	sadd.s32 $0x180, s1;
	s11 =	sadd.s32 $0x2000, s13;
	s2 =	sshrl.u32 s2, $0x3  }
0xb0: {  	[tilespmem:s11], [sflag:$0x1] =	stream.linear.gather [hbm4b:s10+s3], $0x80, $0x38;
	[tilespmem:$0x10100] =	vst v63  }
0xb1: {  	s15 =	sadd.s32 $0x1480, s13;
	s14 =	sadd.s32 s23, s2  }
0xb2: {  	[tilespmem:s15], [sflag:$0x1] =	stream.linear.gather [hbm4b:s14+s3], $0x80, $0x38;
	[tilespmem:$0x10100] =	vst v63  }
0xb3: {  	s17 =	sadd.s32 $0x1880, s13;
	s16 =	sadd.s32 $0x80, s14  }
0xb4: {  	[tilespmem:s17], [sflag:$0x1] =	stream.linear.gather [hbm4b:s16+s3], $0x80, $0x38;
	[tilespmem:$0x10100] =	vst v63  }
0xb5: {  	s19 =	sadd.s32 $0x1C80, s13;
	s18 =	sadd.s32 $0x100, s14  }
0xb6: {  	[tilespmem:s19], [sflag:$0x1] =	stream.linear.gather [hbm4b:s18+s3], $0x80, $0x38;
	[tilespmem:$0x10100] =	vst v63  }
0xb7: {  	s24 =	sadd.s32 $0x10, s24;
	s20 =	sadd.s32 $0x2080, s13;
	s1 =	sadd.s32 $0x180, s14  }
0xb8: {  	[tilespmem:s20], [sflag:$0x1] =	stream.linear.gather [hbm4b:s1+s3], $0x80, $0x38;
	[tilespmem:$0x10100] =	vst v63  }
0xb9: {  	v7 =	vld [tilespmem:s24+$0x0];
	_ =	sdelay $0x4  }
0xba: {  	v1 =	vsel vm1, $0x0, v7  }
0xbb: {  	v0 =	vnsel vm0, $0x0, v7;
	(xrf0) =	vadd.scan.msk.s32 $0xffff, v1  }
0xbc: {  	v44 =	vsel vm9, $0x0, v7;
	(xrf0) =	vadd.scan.msk.s32 $0xffff, v0  }
0xbd: {  	v45 =	vsel vm3, $0x0, v7;
	(xrf0) =	vadd.scan.msk.s32 $0xffff, v44  }
0xbe: {  	v46 =	vsel vm10, $0x0, v7;
	(xrf0) =	vadd.scan.msk.s32 $0xffff, v45  }
0xbf: {  	v47 =	vsel vm11, $0x0, v7;
	(xrf0) =	vadd.scan.msk.s32 $0xffff, v46  }
0xc0: {  	v48 =	vsel vm2, $0x0, v7;
	(xrf0) =	vadd.scan.msk.s32 $0xffff, v47  }
0xc1: {  	v4, _, _ =	vpop (xrf0);
	(xrf0) =	vadd.scan.msk.s32 $0xffff, v48  }
0xc2: {  	s0 =	smov.u32 s12;
	v5, _, _ =	vpop (xrf0);
	(v2sf) =	vpush v4, $0xF  }
0xc3: {  	p0 =	sne.s32 s12, $0x38000;
	s13 =	sshra.s32 s0, $0x2;
	(v2sf) =	vpush v5, $0xF;
	v6, _, _ =	vpop (xrf0)  }
0xc4: {  	s12 =	sadd.s32 $0x8000, s12;
	s25 =	sadd.s32 $0x880, s13;
	s5 =	sadd.s32 $0x900, s13;
	v9, _, _ =	vpop (xrf0)  }
0xc5: {  	s0 =	sadd.s32 $0x400, s13;
	s29 =	sadd.s32 $0x480, s13;
	s21 =	sadd.s32 $0x1D80, s13;
	v49 =	vsel vm6, $0x0, v7;
	v53, _, _ =	vpop (xrf0)  }
0xc6: {  	s6 =	sadd.s32 $0x380, s13;
	s22 =	sadd.s32 $0x1300, s13;
	[dreg:$0xa] =	wrdreg s21;
	v50 =	vsel vm12, $0x0, v7;
	(xrf0) =	vadd.scan.msk.s32 $0xffff, v49;
	v54, _, _ =	vpop (xrf0)  }
0xc7: {  	s2 =	sadd.s32 $0x800, s13;
	s26 =	sadd.s32 $0x1E80, s13;
	[dreg:$0x6] =	wrdreg s22;
	v51 =	vsel vm13, $0x0, v7;
	(xrf0) =	vadd.scan.msk.s32 $0xffff, v50;
	(v2sf) =	vpush v9, $0xF;
	v55, _, _ =	vpop (xrf0)  }
0xc8: {  	s31 =	sadd.s32 $0xC80, s13;
	s28 =	sadd.s32 $0x1380, s13;
	[dreg:$0x7] =	wrdreg s26;
	v52 =	vsel vm14, $0x0, v7;
	(xrf0) =	vadd.scan.msk.s32 $0xffff, v51;
	(v2sf) =	vpush v55, $0xF  }
0xc9: {  	s30 =	sadd.s32 $0x1780, s13;
	s4 =	sadd.s32 $0xE80, s13;
	[dreg:$0x5] =	wrdreg s28;
	v10 =	vsel vm4, $0x0, v7;
	(xrf0) =	vadd.scan.msk.s32 $0xffff, v52  }
0xca: {  	s7 =	sadd.s32 $0x1A80, s13;
	s28 =	sadd.s32 $0x1100, s13;
	[dreg:$0x4] =	wrdreg s30;
	(xrf0) =	vadd.scan.msk.s32 $0xffff, v10  }
0xcb: {  	s30 =	sadd.s32 $0x1500, s13;
	[dreg:$0x8] =	wrdreg s7;
	s7 =	sadd.s32 $0x780, s13  }
0xcc: {  	s26 =	sadd.s32 $0x1180, s13;
	s8 =	sadd.s32 $0x300, s13;
	s9 =	sadd.s32 $0x1600, s13;
	v56, _, _ =	vpop (xrf0)  }
0xcd: {  	[dreg:$0xc] =	wrdreg s9;
	s9 =	sadd.s32 $0xF80, s13;
	s11 =	sadd.s32 $0x1A00, s13;
	v57, _, _ =	vpop (xrf0)  }
0xce: {  	s10 =	sadd.s32 $0xF00, s13;
	[dreg:$0xd] =	wrdreg s11;
	s14 =	sadd.s32 $0x180, s13;
	v58, _, _ =	vpop (xrf0)  }
0xcf: {  	s15 =	sadd.s32 $0xD00, s13;
	s16 =	sadd.s32 $0x100, s13;
	s18 =	sadd.s32 $0x1E00, s13;
	v59, _, _ =	vpop (xrf0)  }
0xd0: {  	s17 =	sadd.s32 $0x500, s13;
	s19 =	sadd.s32 $0x1680, s13;
	[dreg:$0xb] =	wrdreg s18;
	v60, _, _ =	vpop (xrf0)  }
0xd1: {  	[dreg:$0x9] =	wrdreg s19;
	s20 =	sadd.s32 $0x1200, s13;
	(v2sf) =	vpush v60, $0xF;
	s21 =	spop (v2sf)  }
0xd2: {  	s1 =	sadd.s32 $0x580, s13;
	[dreg:$0xe] =	wrdreg s20;
	v2 =	vsel vm5, $0x0, v7;
	s19 =	spop (v2sf)  }
0xd3: {  	(xrf0) =	vadd.scan.msk.s32 $0xffff, v2;
	s18 =	sshll.u32 s21, $0x9;
	s11 =	sshll.u32 s21, $0x7;
	s20 =	sshll.u32 s19, $0x9  }
0xd4: {  	s19 =	sshll.u32 s19, $0x7;
	s18 =	sand.u32 $0xFFFFF000, s18;
	s11 =	sand.u32 $0x380, s11  }
0xd5: {  	s20 =	sand.u32 $0xFFFFF000, s20;
	s19 =	sand.u32 $0x380, s19;
	s11 =	sor.u32 s11, s18  }
0xd6: {  	s18 =	spop (v2sf);
	s19 =	sor.u32 s19, s20;
	s11 =	sshrl.u32 s11, $0x3  }
0xd7: {  	s19 =	sshrl.u32 s19, $0x3;
	s11 =	sadd.s32 s23, s11;
	s22 =	spop (v2sf)  }
0xd8: {  	s19 =	sadd.s32 s23, s19;
	s21 =	sshll.u32 s22, $0x9;
	s20 =	sshll.u32 s22, $0x7  }
0xd9: {  	v61, _, _ =	vpop (xrf0);
	[tilespmem:s16], [sflag:$0x1] =	stream.linear.gather [hbm4b:s19+s3], $0x80, $0x38;
	[tilespmem:$0x10100] =	vst v63  }
0xda: {  	(v2sf) =	vpush v61, $0xF;
	s22 =	sshll.u32 s18, $0x9;
	s18 =	sshll.u32 s18, $0x7;
	s16 =	sadd.s32 $0x80, s19  }
0xdb: {  	s21 =	sand.u32 $0xFFFFF000, s21;
	s20 =	sand.u32 $0x380, s20;
	s18 =	sand.u32 $0x380, s18  }
0xdc: {  	v3 =	vsel vm8, $0x0, v7;
	[tilespmem:s17], [sflag:$0x1] =	stream.linear.gather [hbm4b:s16+s3], $0x80, $0x38;
	[tilespmem:$0x10100] =	vst v63  }
0xdd: {  	v8 =	vsel vm15, $0x0, v7;
	(xrf0) =	vadd.scan.msk.s32 $0xffff, v3;
	s20 =	sor.u32 s20, s21;
	s21 =	sand.u32 $0xFFFFF000, s22;
	s16 =	sadd.s32 $0x100, s19  }
0xde: {  	(xrf0) =	vadd.scan.msk.s32 $0xffff, v8;
	s20 =	sshrl.u32 s20, $0x3;
	s17 =	sor.u32 s18, s21;
	s21 =	sadd.s32 $0x180, s19  }
0xdf: {  	[tilespmem:s5], [sflag:$0x1] =	stream.linear.gather [hbm4b:s16+s3], $0x80, $0x38;
	[tilespmem:$0x10100] =	vst v63  }
0xe0: {  	s19 =	sadd.s32 $0x980, s13;
	s22 =	spop (v2sf);
	s5 =	sadd.s32 $0x1D00, s13  }
0xe1: {  	s17 =	sshrl.u32 s17, $0x3;
	s18 =	sshll.u32 s22, $0x9;
	s22 =	sshll.u32 s22, $0x7  }
0xe2: {  	[tilespmem:s15], [sflag:$0x1] =	stream.linear.gather [hbm4b:s21+s3], $0x80, $0x38;
	[tilespmem:$0x10100] =	vst v63  }
0xe3: {  	s16 =	sadd.s32 $0xB00, s13;
	s21 =	sand.u32 $0xFFFFF000, s18;
	s22 =	sand.u32 $0x380, s22  }
0xe4: {  	v7 =	vsel vm7, $0x0, v7;
	v62, _, _ =	vpop (xrf0);
	[tilespmem:s14], [sflag:$0x1] =	stream.linear.gather [hbm4b:s11+s3], $0x80, $0x38;
	[tilespmem:$0x10100] =	vst v63  }
0xe5: {  	v63, _, _ =	vpop (xrf0);
	(xrf0) =	vadd.scan.msk.s32 $0xffff, v7;
	s18 =	sadd.s32 $0x80, s11;
	s15 =	sor.u32 s22, s21;
	s21 =	sadd.s32 $0x100, s11  }
0xe6: {  	[tilespmem:s1], [sflag:$0x1] =	stream.linear.gather [hbm4b:s18+s3], $0x80, $0x38;
	[tilespmem:$0x10100] =	vst v63  }
0xe7: {  	s22 =	sadd.s32 $0xD80, s13;
	s11 =	sadd.s32 $0x180, s11;
	s1 =	sshrl.u32 s15, $0x3  }
0xe8: {  	(v2sf) =	vpush v56, $0xF;
	[tilespmem:s19], [sflag:$0x1] =	stream.linear.gather [hbm4b:s21+s3], $0x80, $0x38;
	[tilespmem:$0x10100] =	vst v63  }
0xe9: {  	s1 =	sadd.s32 s23, s1;
	s19 =	sadd.s32 $0x200, s13;
	s21 =	spop (v2sf)  }
0xea: {  	[tilespmem:s22], [sflag:$0x1] =	stream.linear.gather [hbm4b:s11+s3], $0x80, $0x38;
	[tilespmem:$0x10100] =	vst v63  }
0xeb: {  	s11 =	sadd.s32 s23, s20;
	s22 =	sadd.s32 $0x600, s13;
	s20 =	sadd.s32 $0xA00, s13  }
0xec: {  	v7, _, _ =	vpop (xrf0);
	[tilespmem:s19], [sflag:$0x1] =	stream.linear.gather [hbm4b:s11+s3], $0x80, $0x38;
	[tilespmem:$0x10100] =	vst v63  }
0xed: {  	(v2sf) =	vpush v7, $0xF;
	s18 =	sshll.u32 s21, $0x9;
	s15 =	sshll.u32 s21, $0x7;
	s19 =	sadd.s32 $0x80, s11  }
0xee: {  	[tilespmem:s22], [sflag:$0x1] =	stream.linear.gather [hbm4b:s19+s3], $0x80, $0x38;
	[tilespmem:$0x10100] =	vst v63  }
0xef: {  	s21 =	sadd.s32 $0x100, s11;
	s18 =	sand.u32 $0xFFFFF000, s18;
	s15 =	sand.u32 $0x380, s15  }
0xf0: {  	[tilespmem:s20], [sflag:$0x1] =	stream.linear.gather [hbm4b:s21+s3], $0x80, $0x38;
	[tilespmem:$0x10100] =	vst v63  }
0xf1: {  	s11 =	sadd.s32 $0x180, s11;
	s15 =	sor.u32 s15, s18;
	s22 =	sadd.s32 $0xE00, s13  }
0xf2: {  	[tilespmem:s22], [sflag:$0x1] =	stream.linear.gather [hbm4b:s11+s3], $0x80, $0x38;
	[tilespmem:$0x10100] =	vst v63  }
0xf3: {  	s18 =	sadd.s32 $0x700, s13;
	s19 =	sadd.s32 $0x280, s13;
	s11 =	sadd.s32 s23, s17  }
0xf4: {  	[tilespmem:s19], [sflag:$0x1] =	stream.linear.gather [hbm4b:s11+s3], $0x80, $0x38;
	[tilespmem:$0x10100] =	vst v63  }
0xf5: {  	s20 =	sadd.s32 $0x680, s13;
	s22 =	sadd.s32 $0xA80, s13;
	s21 =	sadd.s32 $0x80, s11  }
0xf6: {  	[tilespmem:s20], [sflag:$0x1] =	stream.linear.gather [hbm4b:s21+s3], $0x80, $0x38;
	[tilespmem:$0x10100] =	vst v63  }
0xf7: {  	s17 =	sadd.s32 $0x80, s1;
	s19 =	sadd.s32 $0x100, s11;
	s20 =	spop (v2sf)  }
0xf8: {  	(v2sf) =	vpush v62, $0xF;
	[tilespmem:s22], [sflag:$0x1] =	stream.linear.gather [hbm4b:s19+s3], $0x80, $0x38;
	[tilespmem:$0x10100] =	vst v63  }
0xf9: {  	s11 =	sadd.s32 $0x180, s11;
	s21 =	sshll.u32 s20, $0x9;
	s22 =	sshll.u32 s20, $0x7  }
0xfa: {  	[tilespmem:s4], [sflag:$0x1] =	stream.linear.gather [hbm4b:s11+s3], $0x80, $0x38;
	[tilespmem:$0x10100] =	vst v63  }
0xfb: {  	(v2sf) =	vpush v6, $0xF;
	s19 =	sadd.s32 $0x100, s1;
	s14 =	sand.u32 $0x380, s22;
	s11 =	sand.u32 $0xFFFFF000, s21  }
0xfc: {  	s20 =	sshrl.u32 s15, $0x3;
	s21 =	spop (v2sf);
	s4 =	sor.u32 s14, s11  }
0xfd: {  	s22 =	sshll.u32 s21, $0x9;
	s14 =	sshll.u32 s21, $0x7;
	s11 =	sadd.s32 s23, s20  }
0xfe: {  	[tilespmem:s8], [sflag:$0x1] =	stream.linear.gather [hbm4b:s1+s3], $0x80, $0x38;
	[tilespmem:$0x10100] =	vst v63  }
0xff: {  	s8 =	sand.u32 $0xFFFFF000, s22;
	s15 =	sand.u32 $0x380, s14;
	s4 =	sshrl.u32 s4, $0x3  }
0x100: {  	[tilespmem:s18], [sflag:$0x1] =	stream.linear.gather [hbm4b:s17+s3], $0x80, $0x38;
	[tilespmem:$0x10100] =	vst v63  }
0x101: {  	s1 =	sadd.s32 $0x180, s1;
	s8 =	sor.u32 s15, s8;
	s4 =	sadd.s32 s23, s4  }
0x102: {  	[tilespmem:s16], [sflag:$0x1] =	stream.linear.gather [hbm4b:s19+s3], $0x80, $0x38;
	[tilespmem:$0x10100] =	vst v63  }
0x103: {  	s17 =	sadd.s32 $0x100, s11;
	s18 =	sadd.s32 $0xB80, s13;
	s8 =	sshrl.u32 s8, $0x3  }
0x104: {  	[tilespmem:s10], [sflag:$0x1] =	stream.linear.gather [hbm4b:s1+s3], $0x80, $0x38;
	[tilespmem:$0x10100] =	vst v63  }
0x105: {  	s14 =	sadd.s32 $0x100, s4;
	s16 =	sadd.s32 $0x80, s11;
	s19 =	sadd.s32 $0x180, s11  }
0x106: {  	[tilespmem:s6], [sflag:$0x1] =	stream.linear.gather [hbm4b:s11+s3], $0x80, $0x38;
	[tilespmem:$0x10100] =	vst v63  }
0x107: {  	s1 =	sadd.s32 $0x1980, s13;
	s10 =	sadd.s32 $0x80, s4;
	s20 =	spop (v2sf)  }
0x108: {  	[tilespmem:s7], [sflag:$0x1] =	stream.linear.gather [hbm4b:s16+s3], $0x80, $0x38;
	[tilespmem:$0x10100] =	vst v63  }
0x109: {  	(v2sf) =	vpush v53, $0xF;
	s11 =	sadd.s32 $0xC00, s13;
	s21 =	sshll.u32 s20, $0x9;
	s7 =	sshll.u32 s20, $0x7  }
0x10a: {  	s22 =	spop (v2sf);
	s20 =	sadd.s32 s23, s8;
	s6 =	sand.u32 $0xFFFFF000, s21  }
0x10b: {  	(v2sf) =	vpush v54, $0xF;
	[tilespmem:s18], [sflag:$0x1] =	stream.linear.gather [hbm4b:s17+s3], $0x80, $0x38;
	[tilespmem:$0x10100] =	vst v63  }
0x10c: {  	s7 =	sand.u32 $0x380, s7;
	s15 =	sshll.u32 s22, $0x9;
	s16 =	sshll.u32 s22, $0x7  }
0x10d: {  	[tilespmem:s9], [sflag:$0x1] =	stream.linear.gather [hbm4b:s19+s3], $0x80, $0x38;
	[tilespmem:$0x10100] =	vst v63  }
0x10e: {  	s22 =	sadd.s32 $0x80, s20;
	s8 =	sadd.s32 $0x100, s20;
	s6 =	sor.u32 s7, s6  }
0x10f: {  	[tilespmem:s0], [sflag:$0x1] =	stream.linear.gather [hbm4b:s4+s3], $0x80, $0x38;
	[tilespmem:$0x10100] =	vst v63  }
0x110: {  	s17 =	sadd.s32 $0x180, s4;
	s18 =	sadd.s32 $0x1000, s13;
	s21 =	sand.u32 $0x380, s16  }
0x111: {  	[tilespmem:s2], [sflag:$0x1] =	stream.linear.gather [hbm4b:s10+s3], $0x80, $0x38;
	[tilespmem:$0x10100] =	vst v63  }
0x112: {  	s16 =	sadd.s32 $0x1900, s13;
	s6 =	sshrl.u32 s6, $0x3;
	s2 =	sand.u32 $0xFFFFF000, s15  }
0x113: {  	[tilespmem:s11], [sflag:$0x1] =	stream.linear.gather [hbm4b:s14+s3], $0x80, $0x38;
	[tilespmem:$0x10100] =	vst v63  }
0x114: {  	s19 =	sadd.s32 $0x1080, s13;
	s2 =	sor.u32 s21, s2;
	s11 =	sadd.s32 s23, s6  }
0x115: {  	[tilespmem:s18], [sflag:$0x1] =	stream.linear.gather [hbm4b:s17+s3], $0x80, $0x38;
	[tilespmem:$0x10100] =	vst v63  }
0x116: {  	s0 =	sadd.s32 $0x180, s20;
	s2 =	sshrl.u32 s2, $0x3;
	s15 =	sadd.s32 $0x80, s11  }
0x117: {  	[tilespmem:s29], [sflag:$0x1] =	stream.linear.gather [hbm4b:s20+s3], $0x80, $0x38;
	[tilespmem:$0x10100] =	vst v63  }
0x118: {  	s17 =	sadd.s32 $0x100, s11;
	s29 =	spop (v2sf);
	s20 =	sadd.s32 s23, s2  }
0x119: {  	[tilespmem:s25], [sflag:$0x1] =	stream.linear.gather [hbm4b:s22+s3], $0x80, $0x38;
	[tilespmem:$0x10100] =	vst v63  }
0x11a: {  	s10 =	sshll.u32 s29, $0x9;
	s4 =	sshll.u32 s29, $0x7;
	s18 =	spop (v2sf)  }
0x11b: {  	(v2sf) =	vpush v57, $0xF;
	[tilespmem:s31], [sflag:$0x1] =	stream.linear.gather [hbm4b:s8+s3], $0x80, $0x38;
	[tilespmem:$0x10100] =	vst v63  }
0x11c: {  	s14 =	sand.u32 $0xFFFFF000, s10;
	s4 =	sand.u32 $0x380, s4;
	s7 =	sshll.u32 s18, $0x7  }
0x11d: {  	[tilespmem:s19], [sflag:$0x1] =	stream.linear.gather [hbm4b:s0+s3], $0x80, $0x38;
	[tilespmem:$0x10100] =	vst v63  }
0x11e: {  	s25 =	sadd.s32 $0x80, s20;
	s10 =	rddreg [dreg:$0xe];
	s4 =	sor.u32 s4, s14  }
0x11f: {  	(v2sf) =	vpush v58, $0xF;
	[tilespmem:s28], [sflag:$0x1] =	stream.linear.gather [hbm4b:s11+s3], $0x80, $0x38;
	[tilespmem:$0x10100] =	vst v63  }
0x120: {  	s22 =	sand.u32 $0x380, s7;
	s4 =	sshrl.u32 s4, $0x3;
	s19 =	sshll.u32 s18, $0x9  }
0x121: {  	[tilespmem:s30], [sflag:$0x1] =	stream.linear.gather [hbm4b:s15+s3], $0x80, $0x38;
	[tilespmem:$0x10100] =	vst v63  }
0x122: {  	s7 =	rddreg [dreg:$0xa];
	s8 =	sadd.s32 s23, s4;
	s21 =	sand.u32 $0xFFFFF000, s19  }
0x123: {  	[tilespmem:s16], [sflag:$0x1] =	stream.linear.gather [hbm4b:s17+s3], $0x80, $0x38;
	[tilespmem:$0x10100] =	vst v63  }
0x124: {  	s0 =	sadd.s32 $0x180, s11;
	s18 =	rddreg [dreg:$0xd];
	s2 =	sor.u32 s22, s21  }
0x125: {  	(v2sf) =	vpush v59, $0xF;
	[tilespmem:s5], [sflag:$0x1] =	stream.linear.gather [hbm4b:s0+s3], $0x80, $0x38;
	[tilespmem:$0x10100] =	vst v63  }
0x126: {  	s28 =	sadd.s32 $0x100, s20;
	s11 =	sadd.s32 $0x80, s8;
	s22 =	sadd.s32 $0x1280, s13  }
0x127: {  	[tilespmem:s26], [sflag:$0x1] =	stream.linear.gather [hbm4b:s20+s3], $0x80, $0x38;
	[tilespmem:$0x10100] =	vst v63  }
0x128: {  	s2 =	sshrl.u32 s2, $0x3;
	s15 =	rddreg [dreg:$0xc];
	s26 =	sadd.s32 $0x1580, s13  }
0x129: {  	[tilespmem:s26], [sflag:$0x1] =	stream.linear.gather [hbm4b:s25+s3], $0x80, $0x38;
	[tilespmem:$0x10100] =	vst v63  }
0x12a: {  	s21 =	sadd.s32 s23, s2;
	s16 =	sadd.s32 $0x100, s8;
	s29 =	spop (v2sf)  }
0x12b: {  	[tilespmem:s1], [sflag:$0x1] =	stream.linear.gather [hbm4b:s28+s3], $0x80, $0x38;
	[tilespmem:$0x10100] =	vst v63  }
0x12c: {  	s0 =	sadd.s32 $0x180, s20;
	s30 =	sshll.u32 s29, $0x9;
	s31 =	sshll.u32 s29, $0x7  }
0x12d: {  	[tilespmem:s7], [sflag:$0x1] =	stream.linear.gather [hbm4b:s0+s3], $0x80, $0x38;
	[tilespmem:$0x10100] =	vst v63  }
0x12e: {  	s14 =	spop (v2sf);
	s20 =	rddreg [dreg:$0xb];
	s29 =	sadd.s32 $0x100, s21  }
0x12f: {  	[tilespmem:s10], [sflag:$0x1] =	stream.linear.gather [hbm4b:s8+s3], $0x80, $0x38;
	[tilespmem:$0x10100] =	vst v63  }
0x130: {  	s9 =	sand.u32 $0x380, s31;
	s17 =	sshll.u32 s14, $0x9;
	s31 =	rddreg [dreg:$0x8]  }
0x131: {  	[tilespmem:s15], [sflag:$0x1] =	stream.linear.gather [hbm4b:s11+s3], $0x80, $0x38;
	[tilespmem:$0x10100] =	vst v63  }
0x132: {  	s4 =	sshll.u32 s14, $0x7;
	s14 =	rddreg [dreg:$0x6];
	s19 =	sand.u32 $0xFFFFF000, s17  }
0x133: {  	[tilespmem:s18], [sflag:$0x1] =	stream.linear.gather [hbm4b:s16+s3], $0x80, $0x38;
	[tilespmem:$0x10100] =	vst v63  }
0x134: {  	s4 =	sand.u32 $0x380, s4;
	s26 =	spop (v2sf);
	s0 =	sadd.s32 $0x180, s8  }
0x135: {  	[tilespmem:s20], [sflag:$0x1] =	stream.linear.gather [hbm4b:s0+s3], $0x80, $0x38;
	[tilespmem:$0x10100] =	vst v63  }
0x136: {  	s25 =	sadd.s32 $0x80, s21;
	s4 =	sor.u32 s4, s19;
	s5 =	sshll.u32 s26, $0x7  }
0x137: {  	(v2sf) =	vpush v63, $0xF;
	[tilespmem:s22], [sflag:$0x1] =	stream.linear.gather [hbm4b:s21+s3], $0x80, $0x38;
	[tilespmem:$0x10100] =	vst v63  }
0x138: {  	s19 =	sadd.s32 $0x1F00, s13;
	s1 =	sand.u32 $0xFFFFF000, s30;
	s28 =	rddreg [dreg:$0x9]  }
0x139: {  	[tilespmem:s28], [sflag:$0x1] =	stream.linear.gather [hbm4b:s25+s3], $0x80, $0x38;
	[tilespmem:$0x10100] =	vst v63  }
0x13a: {  	s4 =	sshrl.u32 s4, $0x3;
	s30 =	sshll.u32 s26, $0x9;
	s1 =	sor.u32 s9, s1  }
0x13b: {  	[tilespmem:s31], [sflag:$0x1] =	stream.linear.gather [hbm4b:s29+s3], $0x80, $0x38;
	[tilespmem:$0x10100] =	vst v63  }
0x13c: {  	s1 =	sshrl.u32 s1, $0x3;
	s8 =	rddreg [dreg:$0x7];
	s0 =	sadd.s32 $0x180, s21  }
0x13d: {  	[tilespmem:s8], [sflag:$0x1] =	stream.linear.gather [hbm4b:s0+s3], $0x80, $0x38;
	[tilespmem:$0x10100] =	vst v63  }
0x13e: {  	s7 =	sand.u32 $0xFFFFF000, s30;
	s30 =	sadd.s32 $0x1B80, s13;
	s9 =	sadd.s32 s23, s1  }
0x13f: {  	[tilespmem:s14], [sflag:$0x1] =	stream.linear.gather [hbm4b:s9+s3], $0x80, $0x38;
	[tilespmem:$0x10100] =	vst v63  }
0x140: {  	s10 =	sand.u32 $0x380, s5;
	s15 =	sadd.s32 $0x80, s9;
	s16 =	sadd.s32 $0x1700, s13  }
0x141: {  	[tilespmem:s16], [sflag:$0x1] =	stream.linear.gather [hbm4b:s15+s3], $0x80, $0x38;
	[tilespmem:$0x10100] =	vst v63  }
0x142: {  	s17 =	sadd.s32 $0x100, s9;
	s1 =	sor.u32 s10, s7;
	s18 =	sadd.s32 $0x1B00, s13  }
0x143: {  	[tilespmem:s18], [sflag:$0x1] =	stream.linear.gather [hbm4b:s17+s3], $0x80, $0x38;
	[tilespmem:$0x10100] =	vst v63  }
0x144: {  	s1 =	sshrl.u32 s1, $0x3;
	s20 =	sadd.s32 s23, s4;
	s0 =	sadd.s32 $0x180, s9  }
0x145: {  	[tilespmem:s19], [sflag:$0x1] =	stream.linear.gather [hbm4b:s0+s3], $0x80, $0x38;
	[tilespmem:$0x10100] =	vst v63  }
0x146: {  	s11 =	spop (v2sf);
	s26 =	sadd.s32 $0x80, s20;
	s25 =	rddreg [dreg:$0x5]  }
0x147: {  	[tilespmem:s25], [sflag:$0x1] =	stream.linear.gather [hbm4b:s20+s3], $0x80, $0x38;
	[tilespmem:$0x10100] =	vst v63  }
0x148: {  	s21 =	sshll.u32 s11, $0x9;
	s22 =	sshll.u32 s11, $0x7;
	s28 =	rddreg [dreg:$0x4]  }
0x149: {  	[tilespmem:s28], [sflag:$0x1] =	stream.linear.gather [hbm4b:s26+s3], $0x80, $0x38;
	[tilespmem:$0x10100] =	vst v63  }
.Ltmp0:
0x14a: {  	s2 =	sand.u32 $0xFFFFF000, s21;
	s4 =	sand.u32 $0x380, s22;
	(pc) =	sbr.rel @p0 .LBB2_2-.Ltmp0, $4  }
0x14b: {  	s1 =	sadd.s32 s23, s1;
	s2 =	sor.u32 s4, s2;
	s29 =	sadd.s32 $0x100, s20  }
0x14c: {  	[tilespmem:s30], [sflag:$0x1] =	stream.linear.gather [hbm4b:s29+s3], $0x80, $0x38;
	[tilespmem:$0x10100] =	vst v63  }
0x14d: {  	s4 =	sadd.s32 $0x1400, s13;
	s31 =	sadd.s32 $0x1F80, s13;
	s0 =	sadd.s32 $0x180, s20  }
0x14e: {  	[tilespmem:s31], [sflag:$0x1] =	stream.linear.gather [hbm4b:s0+s3], $0x80, $0x38;
	[tilespmem:$0x10100] =	vst v63  }
0x14f: {  	[tilespmem:s4], [sflag:$0x1] =	stream.linear.gather [hbm4b:s1+s3], $0x80, $0x38;
	[tilespmem:$0x10100] =	vst v63  }
0x150: {  	s0 =	sadd.s32 $0x80, s1;
	s18 =	sadd.s32 $0x1800, s13  }
0x151: {  	[tilespmem:s18], [sflag:$0x1] =	stream.linear.gather [hbm4b:s0+s3], $0x80, $0x38;
	[tilespmem:$0x10100] =	vst v63  }
0x152: {  	s19 =	sadd.s32 $0x100, s1;
	s20 =	sadd.s32 $0x1C00, s13  }
0x153: {  	[tilespmem:s20], [sflag:$0x1] =	stream.linear.gather [hbm4b:s19+s3], $0x80, $0x38;
	[tilespmem:$0x10100] =	vst v63  }
0x154: {  	s21 =	sadd.s32 $0x180, s1;
	s22 =	sadd.s32 $0x2000, s13;
	s2 =	sshrl.u32 s2, $0x3  }
0x155: {  	[tilespmem:s22], [sflag:$0x1] =	stream.linear.gather [hbm4b:s21+s3], $0x80, $0x38;
	[tilespmem:$0x10100] =	vst v63  }
0x156: {  	s25 =	sadd.s32 $0x1480, s13;
	s24 =	sadd.s32 s23, s2  }
0x157: {  	[tilespmem:s25], [sflag:$0x1] =	stream.linear.gather [hbm4b:s24+s3], $0x80, $0x38;
	[tilespmem:$0x10100] =	vst v63  }
0x158: {  	s28 =	sadd.s32 $0x1880, s13;
	s26 =	sadd.s32 $0x80, s24  }
0x159: {  	[tilespmem:s28], [sflag:$0x1] =	stream.linear.gather [hbm4b:s26+s3], $0x80, $0x38;
	[tilespmem:$0x10100] =	vst v63  }
0x15a: {  	s30 =	sadd.s32 $0x1C80, s13;
	s29 =	sadd.s32 $0x100, s24  }
0x15b: {  	[tilespmem:s30], [sflag:$0x1] =	stream.linear.gather [hbm4b:s29+s3], $0x80, $0x38;
	[tilespmem:$0x10100] =	vst v63  }
0x15c: {  	s31 =	sadd.s32 $0x2080, s13;
	s4 =	simm.s32 $0x1;
	s0 =	sadd.s32 $0x180, s24  }
0x15d: {  	[tilespmem:s31], [sflag:$0x1] =	stream.linear.gather [hbm4b:s0+s3], $0x80, $0x38;
	[tilespmem:$0x10100] =	vst v63  }
0x15e: {  	_ =	swait.ge [sflag:s4], $0x10000  }
0x15f: {  	s11 =	simm.s32 $0x0;
	[sflag:s4] =	ssyncset.done $0x0  }
0x160: {  	s12 =	simm.s32 $0x0;
	s8 =	rddreg [dreg:$0xf];
	[sflag:s4] =	ssyncadd.s32 $0xFFFF0000  }
.LBB2_4:
0x161: {  	v0 =	vld [tilespmem:s11+$0x0];
	_ =	sdelay $0x4  }
0x162: {  	v1 =	vnsel vm0, $0x0, v0  }
0x163: {  	(xrf0) =	vadd.scan.msk.s32 $0xffff, v1;
	_ =	sdelay $0x5  }
0x164: {  	v1, _, _ =	vpop (xrf0)  }
0x165: {  	(v2sf) =	vpush v1, $0xF;
	_ =	sdelay $0x2  }
0x166: {  	v50 =	vsel vm1, $0x0, v0  }
0x167: {  	(xrf0) =	vadd.scan.msk.s32 $0xffff, v50;
	_ =	sdelay $0x5  }
0x168: {  	v1, _, _ =	vpop (xrf0)  }
0x169: {  	(v2sf) =	vpush v1, $0xF;
	_ =	sdelay $0x3  }
0x16a: {  	v51 =	vsel vm2, $0x0, v0;
	s0 =	spop (v2sf)  }
0x16b: {  	(xrf0) =	vadd.scan.msk.s32 $0xffff, v51;
	s1 =	sshll.u32 s0, $0x9;
	s0 =	sshll.u32 s0, $0x7  }
0x16c: {  	s1 =	sand.u32 $0xFFFFF000, s1;
	s0 =	sand.u32 $0x380, s0  }
0x16d: {  	s0 =	sor.u32 s0, s1  }
0x16e: {  	s13 =	sshra.s32 s12, $0x2;
	s0 =	sshrl.u32 s0, $0x3  }
0x16f: {  	s15 =	sadd.s32 $0x100, s13;
	s0 =	sadd.s32 s8, s0  }
0x170: {  	[hbm4b:s0+s3] =	stream.linear.scatter [tilespmem:s15], [sflag:$0x1], $0x80, $0x38;
	[tilespmem:$0x10100] =	vst v63  }
0x171: {  	s16 =	sadd.s32 $0x500, s13;
	v1, _, _ =	vpop (xrf0);
	s2 =	sadd.s32 $0x80, s0  }
0x172: {  	(v2sf) =	vpush v1, $0xF;
	[hbm4b:s2+s3] =	stream.linear.scatter [tilespmem:s16], [sflag:$0x1], $0x80, $0x38;
	[tilespmem:$0x10100] =	vst v63  }
0x173: {  	s17 =	sadd.s32 $0x900, s13;
	s18 =	sadd.s32 $0x100, s0  }
0x174: {  	[hbm4b:s18+s3] =	stream.linear.scatter [tilespmem:s17], [sflag:$0x1], $0x80, $0x38;
	[tilespmem:$0x10100] =	vst v63  }
0x175: {  	s19 =	sadd.s32 $0xD00, s13;
	s0 =	sadd.s32 $0x180, s0;
	s20 =	spop (v2sf)  }
0x176: {  	v52 =	vsel vm3, $0x0, v0;
	[hbm4b:s0+s3] =	stream.linear.scatter [tilespmem:s19], [sflag:$0x1], $0x80, $0x38;
	[tilespmem:$0x10100] =	vst v63  }
0x177: {  	(xrf0) =	vadd.scan.msk.s32 $0xffff, v52;
	s21 =	sshll.u32 s20, $0x9;
	s0 =	sshll.u32 s20, $0x7  }
0x178: {  	s1 =	sand.u32 $0xFFFFF000, s21;
	s0 =	sand.u32 $0x380, s0  }
0x179: {  	s0 =	sor.u32 s0, s1  }
0x17a: {  	s0 =	sshrl.u32 s0, $0x3  }
0x17b: {  	s22 =	sadd.s32 $0x180, s13;
	s0 =	sadd.s32 s8, s0  }
0x17c: {  	[hbm4b:s0+s3] =	stream.linear.scatter [tilespmem:s22], [sflag:$0x1], $0x80, $0x38;
	[tilespmem:$0x10100] =	vst v63  }
0x17d: {  	s24 =	sadd.s32 $0x580, s13;
	v1, _, _ =	vpop (xrf0);
	s25 =	sadd.s32 $0x80, s0  }
0x17e: {  	(v2sf) =	vpush v1, $0xF;
	[hbm4b:s25+s3] =	stream.linear.scatter [tilespmem:s24], [sflag:$0x1], $0x80, $0x38;
	[tilespmem:$0x10100] =	vst v63  }
0x17f: {  	s26 =	sadd.s32 $0x980, s13;
	s28 =	sadd.s32 $0x100, s0  }
0x180: {  	[hbm4b:s28+s3] =	stream.linear.scatter [tilespmem:s26], [sflag:$0x1], $0x80, $0x38;
	[tilespmem:$0x10100] =	vst v63  }
0x181: {  	s29 =	sadd.s32 $0xD80, s13;
	s30 =	spop (v2sf);
	s0 =	sadd.s32 $0x180, s0  }
0x182: {  	v53 =	vsel vm4, $0x0, v0;
	[hbm4b:s0+s3] =	stream.linear.scatter [tilespmem:s29], [sflag:$0x1], $0x80, $0x38;
	[tilespmem:$0x10100] =	vst v63  }
0x183: {  	(xrf0) =	vadd.scan.msk.s32 $0xffff, v53;
	s31 =	sshll.u32 s30, $0x9;
	s0 =	sshll.u32 s30, $0x7  }
0x184: {  	s1 =	sand.u32 $0xFFFFF000, s31;
	s0 =	sand.u32 $0x380, s0  }
0x185: {  	s0 =	sor.u32 s0, s1  }
0x186: {  	s0 =	sshrl.u32 s0, $0x3  }
0x187: {  	s2 =	sadd.s32 $0x200, s13;
	s0 =	sadd.s32 s8, s0  }
0x188: {  	[hbm4b:s0+s3] =	stream.linear.scatter [tilespmem:s2], [sflag:$0x1], $0x80, $0x38;
	[tilespmem:$0x10100] =	vst v63  }
0x189: {  	s5 =	sadd.s32 $0x600, s13;
	v1, _, _ =	vpop (xrf0);
	s6 =	sadd.s32 $0x80, s0  }
0x18a: {  	(v2sf) =	vpush v1, $0xF;
	[hbm4b:s6+s3] =	stream.linear.scatter [tilespmem:s5], [sflag:$0x1], $0x80, $0x38;
	[tilespmem:$0x10100] =	vst v63  }
0x18b: {  	s7 =	sadd.s32 $0xA00, s13;
	s9 =	sadd.s32 $0x100, s0  }
0x18c: {  	[hbm4b:s9+s3] =	stream.linear.scatter [tilespmem:s7], [sflag:$0x1], $0x80, $0x38;
	[tilespmem:$0x10100] =	vst v63  }
0x18d: {  	s10 =	sadd.s32 $0xE00, s13;
	s14 =	spop (v2sf);
	s0 =	sadd.s32 $0x180, s0  }
0x18e: {  	v54 =	vsel vm5, $0x0, v0;
	[hbm4b:s0+s3] =	stream.linear.scatter [tilespmem:s10], [sflag:$0x1], $0x80, $0x38;
	[tilespmem:$0x10100] =	vst v63  }
0x18f: {  	(xrf0) =	vadd.scan.msk.s32 $0xffff, v54;
	s15 =	sshll.u32 s14, $0x9;
	s0 =	sshll.u32 s14, $0x7  }
0x190: {  	s1 =	sand.u32 $0xFFFFF000, s15;
	s0 =	sand.u32 $0x380, s0  }
0x191: {  	s0 =	sor.u32 s0, s1  }
0x192: {  	s0 =	sshrl.u32 s0, $0x3  }
0x193: {  	s16 =	sadd.s32 $0x280, s13;
	s0 =	sadd.s32 s8, s0  }
0x194: {  	[hbm4b:s0+s3] =	stream.linear.scatter [tilespmem:s16], [sflag:$0x1], $0x80, $0x38;
	[tilespmem:$0x10100] =	vst v63  }
0x195: {  	s17 =	sadd.s32 $0x680, s13;
	v1, _, _ =	vpop (xrf0);
	s18 =	sadd.s32 $0x80, s0  }
0x196: {  	(v2sf) =	vpush v1, $0xF;
	[hbm4b:s18+s3] =	stream.linear.scatter [tilespmem:s17], [sflag:$0x1], $0x80, $0x38;
	[tilespmem:$0x10100] =	vst v63  }
0x197: {  	s19 =	sadd.s32 $0xA80, s13;
	s20 =	sadd.s32 $0x100, s0  }
0x198: {  	[hbm4b:s20+s3] =	stream.linear.scatter [tilespmem:s19], [sflag:$0x1], $0x80, $0x38;
	[tilespmem:$0x10100] =	vst v63  }
0x199: {  	s21 =	sadd.s32 $0xE80, s13;
	s22 =	spop (v2sf);
	s0 =	sadd.s32 $0x180, s0  }
0x19a: {  	v55 =	vsel vm6, $0x0, v0;
	[hbm4b:s0+s3] =	stream.linear.scatter [tilespmem:s21], [sflag:$0x1], $0x80, $0x38;
	[tilespmem:$0x10100] =	vst v63  }
0x19b: {  	(xrf0) =	vadd.scan.msk.s32 $0xffff, v55;
	s24 =	sshll.u32 s22, $0x9;
	s0 =	sshll.u32 s22, $0x7  }
0x19c: {  	s1 =	sand.u32 $0xFFFFF000, s24;
	s0 =	sand.u32 $0x380, s0  }
0x19d: {  	s0 =	sor.u32 s0, s1  }
0x19e: {  	s0 =	sshrl.u32 s0, $0x3  }
0x19f: {  	s25 =	sadd.s32 $0x300, s13;
	s0 =	sadd.s32 s8, s0  }
0x1a0: {  	[hbm4b:s0+s3] =	stream.linear.scatter [tilespmem:s25], [sflag:$0x1], $0x80, $0x38;
	[tilespmem:$0x10100] =	vst v63  }
0x1a1: {  	s26 =	sadd.s32 $0x700, s13;
	v1, _, _ =	vpop (xrf0);
	s28 =	sadd.s32 $0x80, s0  }
0x1a2: {  	(v2sf) =	vpush v1, $0xF;
	[hbm4b:s28+s3] =	stream.linear.scatter [tilespmem:s26], [sflag:$0x1], $0x80, $0x38;
	[tilespmem:$0x10100] =	vst v63  }
0x1a3: {  	s29 =	sadd.s32 $0xB00, s13;
	s30 =	sadd.s32 $0x100, s0  }
0x1a4: {  	[hbm4b:s30+s3] =	stream.linear.scatter [tilespmem:s29], [sflag:$0x1], $0x80, $0x38;
	[tilespmem:$0x10100] =	vst v63  }
0x1a5: {  	s31 =	sadd.s32 $0xF00, s13;
	s1 =	spop (v2sf);
	s0 =	sadd.s32 $0x180, s0  }
0x1a6: {  	v56 =	vsel vm7, $0x0, v0;
	[hbm4b:s0+s3] =	stream.linear.scatter [tilespmem:s31], [sflag:$0x1], $0x80, $0x38;
	[tilespmem:$0x10100] =	vst v63  }
0x1a7: {  	(xrf0) =	vadd.scan.msk.s32 $0xffff, v56;
	s2 =	sshll.u32 s1, $0x9;
	s0 =	sshll.u32 s1, $0x7  }
0x1a8: {  	s1 =	sand.u32 $0xFFFFF000, s2;
	s0 =	sand.u32 $0x380, s0  }
0x1a9: {  	s0 =	sor.u32 s0, s1  }
0x1aa: {  	s0 =	sshrl.u32 s0, $0x3  }
0x1ab: {  	s5 =	sadd.s32 $0x380, s13;
	s0 =	sadd.s32 s8, s0  }
0x1ac: {  	[hbm4b:s0+s3] =	stream.linear.scatter [tilespmem:s5], [sflag:$0x1], $0x80, $0x38;
	[tilespmem:$0x10100] =	vst v63  }
0x1ad: {  	s6 =	sadd.s32 $0x780, s13;
	v1, _, _ =	vpop (xrf0);
	s7 =	sadd.s32 $0x80, s0  }
0x1ae: {  	(v2sf) =	vpush v1, $0xF;
	[hbm4b:s7+s3] =	stream.linear.scatter [tilespmem:s6], [sflag:$0x1], $0x80, $0x38;
	[tilespmem:$0x10100] =	vst v63  }
0x1af: {  	s9 =	sadd.s32 $0xB80, s13;
	s10 =	sadd.s32 $0x100, s0  }
0x1b0: {  	[hbm4b:s10+s3] =	stream.linear.scatter [tilespmem:s9], [sflag:$0x1], $0x80, $0x38;
	[tilespmem:$0x10100] =	vst v63  }
0x1b1: {  	s14 =	sadd.s32 $0xF80, s13;
	s15 =	spop (v2sf);
	s0 =	sadd.s32 $0x180, s0  }
0x1b2: {  	v57 =	vsel vm8, $0x0, v0;
	[hbm4b:s0+s3] =	stream.linear.scatter [tilespmem:s14], [sflag:$0x1], $0x80, $0x38;
	[tilespmem:$0x10100] =	vst v63  }
0x1b3: {  	(xrf0) =	vadd.scan.msk.s32 $0xffff, v57;
	s16 =	sshll.u32 s15, $0x9;
	s0 =	sshll.u32 s15, $0x7  }
0x1b4: {  	s1 =	sand.u32 $0xFFFFF000, s16;
	s0 =	sand.u32 $0x380, s0  }
0x1b5: {  	s0 =	sor.u32 s0, s1  }
0x1b6: {  	s0 =	sshrl.u32 s0, $0x3  }
0x1b7: {  	s17 =	sadd.s32 $0x400, s13;
	s0 =	sadd.s32 s8, s0  }
0x1b8: {  	[hbm4b:s0+s3] =	stream.linear.scatter [tilespmem:s17], [sflag:$0x1], $0x80, $0x38;
	[tilespmem:$0x10100] =	vst v63  }
0x1b9: {  	s18 =	sadd.s32 $0x800, s13;
	v1, _, _ =	vpop (xrf0);
	s19 =	sadd.s32 $0x80, s0  }
0x1ba: {  	(v2sf) =	vpush v1, $0xF;
	[hbm4b:s19+s3] =	stream.linear.scatter [tilespmem:s18], [sflag:$0x1], $0x80, $0x38;
	[tilespmem:$0x10100] =	vst v63  }
0x1bb: {  	s20 =	sadd.s32 $0xC00, s13;
	s21 =	sadd.s32 $0x100, s0  }
0x1bc: {  	[hbm4b:s21+s3] =	stream.linear.scatter [tilespmem:s20], [sflag:$0x1], $0x80, $0x38;
	[tilespmem:$0x10100] =	vst v63  }
0x1bd: {  	s22 =	sadd.s32 $0x1000, s13;
	s24 =	spop (v2sf);
	s0 =	sadd.s32 $0x180, s0  }
0x1be: {  	v58 =	vsel vm9, $0x0, v0;
	[hbm4b:s0+s3] =	stream.linear.scatter [tilespmem:s22], [sflag:$0x1], $0x80, $0x38;
	[tilespmem:$0x10100] =	vst v63  }
0x1bf: {  	(xrf0) =	vadd.scan.msk.s32 $0xffff, v58;
	s25 =	sshll.u32 s24, $0x9;
	s0 =	sshll.u32 s24, $0x7  }
0x1c0: {  	s1 =	sand.u32 $0xFFFFF000, s25;
	s0 =	sand.u32 $0x380, s0  }
0x1c1: {  	s0 =	sor.u32 s0, s1  }
0x1c2: {  	s0 =	sshrl.u32 s0, $0x3  }
0x1c3: {  	s26 =	sadd.s32 $0x480, s13;
	s0 =	sadd.s32 s8, s0  }
0x1c4: {  	[hbm4b:s0+s3] =	stream.linear.scatter [tilespmem:s26], [sflag:$0x1], $0x80, $0x38;
	[tilespmem:$0x10100] =	vst v63  }
0x1c5: {  	s28 =	sadd.s32 $0x880, s13;
	v1, _, _ =	vpop (xrf0);
	s29 =	sadd.s32 $0x80, s0  }
0x1c6: {  	(v2sf) =	vpush v1, $0xF;
	[hbm4b:s29+s3] =	stream.linear.scatter [tilespmem:s28], [sflag:$0x1], $0x80, $0x38;
	[tilespmem:$0x10100] =	vst v63  }
0x1c7: {  	s30 =	sadd.s32 $0xC80, s13;
	s31 =	sadd.s32 $0x100, s0  }
0x1c8: {  	[hbm4b:s31+s3] =	stream.linear.scatter [tilespmem:s30], [sflag:$0x1], $0x80, $0x38;
	[tilespmem:$0x10100] =	vst v63  }
0x1c9: {  	s2 =	sadd.s32 $0x1080, s13;
	s5 =	spop (v2sf);
	s0 =	sadd.s32 $0x180, s0  }
0x1ca: {  	v59 =	vsel vm10, $0x0, v0;
	[hbm4b:s0+s3] =	stream.linear.scatter [tilespmem:s2], [sflag:$0x1], $0x80, $0x38;
	[tilespmem:$0x10100] =	vst v63  }
0x1cb: {  	(xrf0) =	vadd.scan.msk.s32 $0xffff, v59;
	s6 =	sshll.u32 s5, $0x9;
	s0 =	sshll.u32 s5, $0x7  }
0x1cc: {  	s1 =	sand.u32 $0xFFFFF000, s6;
	s0 =	sand.u32 $0x380, s0  }
0x1cd: {  	s0 =	sor.u32 s0, s1  }
0x1ce: {  	s0 =	sshrl.u32 s0, $0x3  }
0x1cf: {  	s7 =	sadd.s32 $0x1100, s13;
	s0 =	sadd.s32 s8, s0  }
0x1d0: {  	[hbm4b:s0+s3] =	stream.linear.scatter [tilespmem:s7], [sflag:$0x1], $0x80, $0x38;
	[tilespmem:$0x10100] =	vst v63  }
0x1d1: {  	v1, _, _ =	vpop (xrf0);
	s9 =	sadd.s32 $0x1500, s13;
	s10 =	sadd.s32 $0x80, s0  }
0x1d2: {  	(v2sf) =	vpush v1, $0xF;
	[hbm4b:s10+s3] =	stream.linear.scatter [tilespmem:s9], [sflag:$0x1], $0x80, $0x38;
	[tilespmem:$0x10100] =	vst v63  }
0x1d3: {  	s14 =	sadd.s32 $0x1900, s13;
	s15 =	sadd.s32 $0x100, s0  }
0x1d4: {  	[hbm4b:s15+s3] =	stream.linear.scatter [tilespmem:s14], [sflag:$0x1], $0x80, $0x38;
	[tilespmem:$0x10100] =	vst v63  }
0x1d5: {  	s16 =	sadd.s32 $0x1D00, s13;
	s17 =	spop (v2sf);
	s0 =	sadd.s32 $0x180, s0  }
0x1d6: {  	v60 =	vsel vm11, $0x0, v0;
	[hbm4b:s0+s3] =	stream.linear.scatter [tilespmem:s16], [sflag:$0x1], $0x80, $0x38;
	[tilespmem:$0x10100] =	vst v63  }
0x1d7: {  	(xrf0) =	vadd.scan.msk.s32 $0xffff, v60;
	s18 =	sshll.u32 s17, $0x9;
	s0 =	sshll.u32 s17, $0x7  }
0x1d8: {  	s1 =	sand.u32 $0xFFFFF000, s18;
	s0 =	sand.u32 $0x380, s0  }
0x1d9: {  	s0 =	sor.u32 s0, s1  }
0x1da: {  	s0 =	sshrl.u32 s0, $0x3  }
0x1db: {  	s19 =	sadd.s32 $0x1180, s13;
	s0 =	sadd.s32 s8, s0  }
0x1dc: {  	[hbm4b:s0+s3] =	stream.linear.scatter [tilespmem:s19], [sflag:$0x1], $0x80, $0x38;
	[tilespmem:$0x10100] =	vst v63  }
0x1dd: {  	v1, _, _ =	vpop (xrf0);
	s20 =	sadd.s32 $0x1580, s13;
	s21 =	sadd.s32 $0x80, s0  }
0x1de: {  	(v2sf) =	vpush v1, $0xF;
	[hbm4b:s21+s3] =	stream.linear.scatter [tilespmem:s20], [sflag:$0x1], $0x80, $0x38;
	[tilespmem:$0x10100] =	vst v63  }
0x1df: {  	s22 =	sadd.s32 $0x1980, s13;
	s24 =	sadd.s32 $0x100, s0  }
0x1e0: {  	[hbm4b:s24+s3] =	stream.linear.scatter [tilespmem:s22], [sflag:$0x1], $0x80, $0x38;
	[tilespmem:$0x10100] =	vst v63  }
0x1e1: {  	s25 =	sadd.s32 $0x1D80, s13;
	s26 =	spop (v2sf);
	s0 =	sadd.s32 $0x180, s0  }
0x1e2: {  	v61 =	vsel vm12, $0x0, v0;
	[hbm4b:s0+s3] =	stream.linear.scatter [tilespmem:s25], [sflag:$0x1], $0x80, $0x38;
	[tilespmem:$0x10100] =	vst v63  }
0x1e3: {  	(xrf0) =	vadd.scan.msk.s32 $0xffff, v61;
	s28 =	sshll.u32 s26, $0x9;
	s0 =	sshll.u32 s26, $0x7  }
0x1e4: {  	s1 =	sand.u32 $0xFFFFF000, s28;
	s0 =	sand.u32 $0x380, s0  }
0x1e5: {  	s0 =	sor.u32 s0, s1  }
0x1e6: {  	s0 =	sshrl.u32 s0, $0x3  }
0x1e7: {  	s29 =	sadd.s32 $0x1200, s13;
	s0 =	sadd.s32 s8, s0  }
0x1e8: {  	[hbm4b:s0+s3] =	stream.linear.scatter [tilespmem:s29], [sflag:$0x1], $0x80, $0x38;
	[tilespmem:$0x10100] =	vst v63  }
0x1e9: {  	v1, _, _ =	vpop (xrf0);
	s30 =	sadd.s32 $0x1600, s13;
	s31 =	sadd.s32 $0x80, s0  }
0x1ea: {  	(v2sf) =	vpush v1, $0xF;
	[hbm4b:s31+s3] =	stream.linear.scatter [tilespmem:s30], [sflag:$0x1], $0x80, $0x38;
	[tilespmem:$0x10100] =	vst v63  }
0x1eb: {  	s5 =	sadd.s32 $0x1A00, s13;
	s6 =	sadd.s32 $0x100, s0  }
0x1ec: {  	[hbm4b:s6+s3] =	stream.linear.scatter [tilespmem:s5], [sflag:$0x1], $0x80, $0x38;
	[tilespmem:$0x10100] =	vst v63  }
0x1ed: {  	s7 =	sadd.s32 $0x1E00, s13;
	s9 =	spop (v2sf);
	s0 =	sadd.s32 $0x180, s0  }
0x1ee: {  	v62 =	vsel vm13, $0x0, v0;
	[hbm4b:s0+s3] =	stream.linear.scatter [tilespmem:s7], [sflag:$0x1], $0x80, $0x38;
	[tilespmem:$0x10100] =	vst v63  }
0x1ef: {  	(xrf0) =	vadd.scan.msk.s32 $0xffff, v62;
	s10 =	sshll.u32 s9, $0x9;
	s0 =	sshll.u32 s9, $0x7  }
0x1f0: {  	s1 =	sand.u32 $0xFFFFF000, s10;
	s0 =	sand.u32 $0x380, s0  }
0x1f1: {  	s0 =	sor.u32 s0, s1  }
0x1f2: {  	s0 =	sshrl.u32 s0, $0x3  }
0x1f3: {  	s14 =	sadd.s32 $0x1280, s13;
	s0 =	sadd.s32 s8, s0  }
0x1f4: {  	[hbm4b:s0+s3] =	stream.linear.scatter [tilespmem:s14], [sflag:$0x1], $0x80, $0x38;
	[tilespmem:$0x10100] =	vst v63  }
0x1f5: {  	v1, _, _ =	vpop (xrf0);
	s15 =	sadd.s32 $0x1680, s13;
	s16 =	sadd.s32 $0x80, s0  }
0x1f6: {  	(v2sf) =	vpush v1, $0xF;
	[hbm4b:s16+s3] =	stream.linear.scatter [tilespmem:s15], [sflag:$0x1], $0x80, $0x38;
	[tilespmem:$0x10100] =	vst v63  }
0x1f7: {  	s17 =	sadd.s32 $0x1A80, s13;
	s18 =	sadd.s32 $0x100, s0  }
0x1f8: {  	v63 =	vsel vm14, $0x0, v0;
	[hbm4b:s18+s3] =	stream.linear.scatter [tilespmem:s17], [sflag:$0x1], $0x80, $0x38;
	[tilespmem:$0x10100] =	vst v63  }
0x1f9: {  	(xrf0) =	vadd.scan.msk.s32 $0xffff, v63;
	s19 =	sadd.s32 $0x1E80, s13;
	s20 =	spop (v2sf);
	s0 =	sadd.s32 $0x180, s0  }
0x1fa: {  	[hbm4b:s0+s3] =	stream.linear.scatter [tilespmem:s19], [sflag:$0x1], $0x80, $0x38;
	[tilespmem:$0x10100] =	vst v63  }
0x1fb: {  	s21 =	sshll.u32 s20, $0x9;
	s0 =	sshll.u32 s20, $0x7  }
0x1fc: {  	s1 =	sand.u32 $0xFFFFF000, s21;
	s0 =	sand.u32 $0x380, s0  }
0x1fd: {  	s0 =	sor.u32 s0, s1  }
0x1fe: {  	s0 =	sshrl.u32 s0, $0x3  }
0x1ff: {  	v1, _, _ =	vpop (xrf0);
	s22 =	sadd.s32 $0x1300, s13;
	s0 =	sadd.s32 s8, s0  }
0x200: {  	(v2sf) =	vpush v1, $0xF;
	[hbm4b:s0+s3] =	stream.linear.scatter [tilespmem:s22], [sflag:$0x1], $0x80, $0x38;
	[tilespmem:$0x10100] =	vst v63  }
0x201: {  	s24 =	sadd.s32 $0x1700, s13;
	s25 =	sadd.s32 $0x80, s0  }
0x202: {  	[hbm4b:s25+s3] =	stream.linear.scatter [tilespmem:s24], [sflag:$0x1], $0x80, $0x38;
	[tilespmem:$0x10100] =	vst v63  }
0x203: {  	s26 =	sadd.s32 $0x1B00, s13;
	s28 =	sadd.s32 $0x100, s0  }
0x204: {  	v0 =	vsel vm15, $0x0, v0;
	[hbm4b:s28+s3] =	stream.linear.scatter [tilespmem:s26], [sflag:$0x1], $0x80, $0x38;
	[tilespmem:$0x10100] =	vst v63  }
0x205: {  	(xrf0) =	vadd.scan.msk.s32 $0xffff, v0;
	s29 =	sadd.s32 $0x1F00, s13;
	s30 =	spop (v2sf);
	s0 =	sadd.s32 $0x180, s0  }
0x206: {  	[hbm4b:s0+s3] =	stream.linear.scatter [tilespmem:s29], [sflag:$0x1], $0x80, $0x38;
	[tilespmem:$0x10100] =	vst v63  }
0x207: {  	s31 =	sshll.u32 s30, $0x9;
	s0 =	sshll.u32 s30, $0x7  }
0x208: {  	s1 =	sand.u32 $0xFFFFF000, s31;
	s0 =	sand.u32 $0x380, s0  }
0x209: {  	s0 =	sor.u32 s0, s1  }
0x20a: {  	s0 =	sshrl.u32 s0, $0x3  }
0x20b: {  	s2 =	sadd.s32 $0x1380, s13;
	s0 =	sadd.s32 s8, s0  }
0x20c: {  	v0, _, _ =	vpop (xrf0);
	[hbm4b:s0+s3] =	stream.linear.scatter [tilespmem:s2], [sflag:$0x1], $0x80, $0x38;
	[tilespmem:$0x10100] =	vst v63  }
0x20d: {  	(v2sf) =	vpush v0, $0xF;
	s5 =	sadd.s32 $0x1780, s13;
	s7 =	sadd.s32 $0x1B80, s13;
	s6 =	sadd.s32 $0x80, s0  }
0x20e: {  	[hbm4b:s6+s3] =	stream.linear.scatter [tilespmem:s5], [sflag:$0x1], $0x80, $0x38;
	[tilespmem:$0x10100] =	vst v63  }
0x20f: {  	s10 =	spop (v2sf);
	s14 =	sadd.s32 $0x1F80, s13;
	s9 =	sadd.s32 $0x100, s0  }
0x210: {  	[hbm4b:s9+s3] =	stream.linear.scatter [tilespmem:s7], [sflag:$0x1], $0x80, $0x38;
	[tilespmem:$0x10100] =	vst v63  }
0x211: {  	s15 =	sshll.u32 s10, $0x9;
	s1 =	sshll.u32 s10, $0x7;
	s0 =	sadd.s32 $0x180, s0  }
0x212: {  	[hbm4b:s0+s3] =	stream.linear.scatter [tilespmem:s14], [sflag:$0x1], $0x80, $0x38;
	[tilespmem:$0x10100] =	vst v63  }
0x213: {  	s1 =	sand.u32 $0x380, s1;
	s0 =	sand.u32 $0xFFFFF000, s15  }
0x214: {  	s0 =	sor.u32 s1, s0  }
0x215: {  	s0 =	sshrl.u32 s0, $0x3  }
0x216: {  	s16 =	sadd.s32 $0x1400, s13;
	s0 =	sadd.s32 s8, s0  }
0x217: {  	[hbm4b:s0+s3] =	stream.linear.scatter [tilespmem:s16], [sflag:$0x1], $0x80, $0x38;
	[tilespmem:$0x10100] =	vst v63  }
0x218: {  	s17 =	sadd.s32 $0x1800, s13;
	s18 =	sadd.s32 $0x80, s0  }
0x219: {  	[hbm4b:s18+s3] =	stream.linear.scatter [tilespmem:s17], [sflag:$0x1], $0x80, $0x38;
	[tilespmem:$0x10100] =	vst v63  }
0x21a: {  	s19 =	sadd.s32 $0x1C00, s13;
	s20 =	sadd.s32 $0x100, s0  }
0x21b: {  	[hbm4b:s20+s3] =	stream.linear.scatter [tilespmem:s19], [sflag:$0x1], $0x80, $0x38;
	[tilespmem:$0x10100] =	vst v63  }
0x21c: {  	s21 =	sadd.s32 $0x2000, s13;
	s22 =	spop (v2sf);
	s0 =	sadd.s32 $0x180, s0  }
0x21d: {  	[hbm4b:s0+s3] =	stream.linear.scatter [tilespmem:s21], [sflag:$0x1], $0x80, $0x38;
	[tilespmem:$0x10100] =	vst v63  }
0x21e: {  	s24 =	sshll.u32 s22, $0x9;
	s0 =	sshll.u32 s22, $0x7  }
0x21f: {  	s1 =	sand.u32 $0xFFFFF000, s24;
	s0 =	sand.u32 $0x380, s0  }
0x220: {  	s0 =	sor.u32 s0, s1  }
0x221: {  	s0 =	sshrl.u32 s0, $0x3  }
0x222: {  	s25 =	sadd.s32 $0x1480, s13;
	s0 =	sadd.s32 s8, s0  }
0x223: {  	[hbm4b:s0+s3] =	stream.linear.scatter [tilespmem:s25], [sflag:$0x1], $0x80, $0x38;
	[tilespmem:$0x10100] =	vst v63  }
0x224: {  	p0 =	sne.s32 s12, $0x38000;
	s26 =	sadd.s32 $0x1880, s13;
	s28 =	sadd.s32 $0x80, s0  }
0x225: {  	[hbm4b:s28+s3] =	stream.linear.scatter [tilespmem:s26], [sflag:$0x1], $0x80, $0x38;
	[tilespmem:$0x10100] =	vst v63  }
.Ltmp1:
0x226: {  	_ = 	snop;
	(pc) =	sbr.rel @p0 .LBB2_4-.Ltmp1, $4  }
0x227: {  	s11 =	sadd.s32 $0x10, s11;
	s29 =	sadd.s32 $0x1C80, s13;
	s30 =	sadd.s32 $0x100, s0  }
0x228: {  	[hbm4b:s30+s3] =	stream.linear.scatter [tilespmem:s29], [sflag:$0x1], $0x80, $0x38;
	[tilespmem:$0x10100] =	vst v63  }
0x229: {  	s12 =	sadd.s32 $0x8000, s12;
	s31 =	sadd.s32 $0x2080, s13;
	s0 =	sadd.s32 $0x180, s0  }
0x22a: {  	[hbm4b:s0+s3] =	stream.linear.scatter [tilespmem:s31], [sflag:$0x1], $0x80, $0x38;
	[tilespmem:$0x10100] =	vst v63  }
0x22b: {  	_ =	swait.ge [sflag:s4], $0x10000  }
0x22c: {  	s1 =	rddreg [dreg:$0x13]  }
0x22d: {  	s0 =	rddreg [dreg:$0x12];
	s1 =	sadd.s32 $0x1, s1  }
0x22e: {  	p0 =	sne.s32 s1, s0  }
.Ltmp2:
0x22f: {  	_ = 	snop;
	(pc) =	sbr.rel @p0 .LBB2_1-.Ltmp2, $3  }
0x230: {  	_ =	sdelay $0x1  }
0x231: {  	[sflag:s4] =	ssyncset.done $0x0  }
0x232: {  	[sflag:s4] =	ssyncadd.s32 $0xFFFF0000  }
0x233: {  	_ =	sfence.sel $0x180000  }
0x234: {  	[bflag:$0x0] =	sbarrier.arrive $0xFFFF  }
0x235: {  	_ =	strace $0x9000004A  }
0x236: {  	s0 =	stileid.u32;
	[bflag:$0x2] =	sbarrier.arrive $0xFFFF  }
0x237: {  	p0 =	sne.s32 s0, $0x0;
	s0 =	rddreg [dreg:$0x3]  }
0x238: {  	s0 =	sadd.s32 @!p0 $0x100000, s0  }
0x239: {  	[sflag:s0] =	ssyncadd.tile.s32 @!p0 $0x1;
	_ =	shalt  }
.Lfunc_end2:
_tile_overlayer_lowered:
.L_overlay_start_2:
0x23a: {  	(tag) =	ssettag $0x2  }
0x23b: {  	s0 =	rddreg [dreg:$0x0];
	s2 =	stileid.u32  }
0x23c: {  	s1 =	rddreg [dreg:$0x1];
	p0 =	sne.s32 s2, $0x0  }
0x23d: {  	s3 =	rddreg [dreg:$0x2];
	[bflag:$0x3] =	sbarrier.arrive $0xFFFF;
	s2 =	simm.s32 @!p0 $0x1C02  }
0x23e: {  	[timem:s3], [sflag:s2] =	dma.local @!p0 [hbm:s0], s1  }
0x23f: {  	s0 =	simm.s32 @!p0 $0x2  }
0x240: {  	_ =	swait.ge @!p0 [sflag:s0], s1  }
0x241: {  	s1 =	ssub.s32 @!p0 $0x0, s1;
	[sflag:s0] =	ssyncset.done @!p0 $0x0  }
0x242: {  	[sflag:s0] =	ssyncadd.s32 @!p0 s1  }
0x243: {  	[bflag:$0x3] =	sbarrier.arrive $0xFFFF  }
0x244: {  	_ =	shalt  }

</sc_bundles>
